<compile_context>
chip_gen: v7x
topology: tpu7x:2x2x1
jax: 0.10.2.dev20260603
libtpu: 0.0.44.dev20260713+nightly
codegen_flags: <defaults>
</compile_context>

<pallas_src>
import functools

import numpy as np
import jax
import jax.numpy as jnp
from jax import lax
from jax.experimental import pallas as pl
from jax.experimental.pallas import tpu as pltpu
from jax.experimental.pallas import tpu_sc as plsc

ANG = 0.52917721092
FSC = 0.0072973525693
N_NODES = 100000
N_EDGES = 6400000
N_SPECIES = 87

NW = 32
CHUNK_E = 2048
N_CHUNKS = N_EDGES // CHUNK_E
BASE_CHUNKS = N_CHUNKS // NW
EXTRA_CHUNKS = N_CHUNKS % NW
NPAD = 100096
SEG = NPAD // 16
NSW = N_NODES // 4
N_ROWS = N_EDGES // 128
RPC = CHUNK_E // 128


def _pair_tables():
    c6 = np.linspace(1.5, 500.0, N_SPECIES).astype(np.float32).astype(np.float64)
    al = np.linspace(1.0, 60.0, N_SPECIES).astype(np.float32).astype(np.float64)
    c6i, c6j = c6[:, None], c6[None, :]
    ai, aj = al[:, None], al[None, :]
    aij = 0.5 * (ai + aj)
    c6ij = 2 * ai * aj * c6i * c6j / (c6i * aj**2 + c6j * ai**2)
    Re = (aij * (128.0 / FSC ** (4.0 / 3.0))) ** (1.0 / 7.0)
    Re2 = Re * Re
    Re4 = Re2 * Re2
    muw = (0.483053463 - 0.0376191669 * Re + 0.00127066988 * Re2
           - 7.21940151e-07 * Re4) / (
        0.038421212 - 0.0316915319 * Re + 0.023741089 * Re2)
    c8ij = 5 * c6ij / muw
    c10ij = 245 * c6ij / (8 * muw**2)
    w = 4 * c6ij / (3 * aij**2)
    q2 = aij * muw * w
    ze = 0.5 * muw * Re2
    eze = np.exp(-ze)
    s6 = eze * (1.0 + ze + 0.5 * ze**2 + ze**3 / 6.0)
    f6e = 1.0 - s6
    muwRe = muw * Re
    df6e = muwRe * s6 - eze * (muwRe + 0.5 * Re * muwRe**2
                               + 1.0 / 8.0 * Re2 * muwRe**3)
    s8 = 1.0 / 24.0 * eze * ze**4
    f8e = f6e - s8
    df8e = df6e + muwRe * s8 - 1.0 / 48.0 * eze * Re2 * Re * muwRe**4
    s10 = 1.0 / 120.0 * eze * ze**5
    f10e = f8e - s10
    df10e = df8e + muwRe * s10 - 1.0 / 384.0 * eze * Re2 * Re2 * muwRe**5
    den = 2 * c6ij * Re2 * (6 * f6e - Re * df6e)
    A = (0.5 + c8ij * (8 * f8e - Re * df8e) / den
         + c10ij * (10 * f10e - Re * df10e) / (den * Re2))
    aq2 = A * q2
    MU = -0.5 * muw / ANG**2
    C6 = -0.5 * c6ij * ANG**6
    C8 = -0.5 * c8ij * ANG**8
    C10 = -0.5 * c10ij * ANG**10
    AQ = 0.5 * aq2 * ANG
    f32 = lambda x: np.asarray(x, np.float32)
    return (f32(MU).ravel(), f32(C6).ravel(), f32(C8).ravel(),
            f32(C10).ravel(), f32(AQ).ravel())


_TBL_MUW, _TBL_C6, _TBL_C8, _TBL_C10, _TBL_AQ2 = _pair_tables()


def _sc_body(specw_h, src_h, dst_h, dist_h, sw_h,
             tmu_h, tc6_h, tc8_h, tc10_h, taq_h,
             edisp_o, ex_o,
             specw_v, tmu_v, tc6_v, tc8_v, tc10_v, taq_v,
             srcidx_0, dstidx_0, dist_0, sw_0, scidx_0, e1_0, e2_0,
             srcidx_1, dstidx_1, dist_1, sw_1, scidx_1, e1_1, e2_1,
             srcidx_2, dstidx_2, dist_2, sw_2, scidx_2, e1_2, e2_2,
             zbuf, acc1, acc2,
             semL0, semL1, semL2, semS0, semS1, semS2):
    srcidx = (srcidx_0, srcidx_1, srcidx_2)
    dstidx = (dstidx_0, dstidx_1, dstidx_2)
    dist = (dist_0, dist_1, dist_2)
    sw = (sw_0, sw_1, sw_2)
    scidx = (scidx_0, scidx_1, scidx_2)
    e1 = (e1_0, e1_1, e1_2)
    e2 = (e2_0, e2_1, e2_2)
    semL = (semL0, semL1, semL2)
    semS = (semS0, semS1, semS2)
    cid = lax.axis_index("c")
    sid = lax.axis_index("s")
    wid = sid * 2 + cid

    pltpu.async_copy(specw_h, specw_v, semL0)
    pltpu.async_copy(tmu_h, tmu_v, semL0)
    pltpu.async_copy(tc6_h, tc6_v, semL0)
    pltpu.async_copy(tc8_h, tc8_v, semL0)
    pltpu.async_copy(tc10_h, tc10_v, semL0)
    pltpu.async_copy(taq_h, taq_v, semL0)

    def _zb(i, carry):
        zbuf[pl.ds(i * 16, 16)] = jnp.zeros((16,), jnp.float32)
        return carry
    lax.fori_loop(0, SEG // 16, _zb, 0)
    pltpu.sync_copy(zbuf, acc1.at[pl.ds(sid * SEG, SEG)])
    pltpu.sync_copy(zbuf, acc2.at[pl.ds(sid * SEG, SEG)])
    pltpu.make_async_copy(specw_h, specw_v, semL0).wait()
    pltpu.make_async_copy(tmu_h, tmu_v, semL0).wait()
    pltpu.make_async_copy(tc6_h, tc6_v, semL0).wait()
    pltpu.make_async_copy(tc8_h, tc8_v, semL0).wait()
    pltpu.make_async_copy(tc10_h, tc10_v, semL0).wait()
    pltpu.make_async_copy(taq_h, taq_v, semL0).wait()
    plsc.subcore_barrier()

    nchunks = BASE_CHUNKS + jnp.where(wid < EXTRA_CHUNKS, 1, 0)

    def _fire_lin(b, c):
        sl_e = pl.ds((wid + NW * c) * RPC, RPC)
        pltpu.async_copy(src_h.at[sl_e], srcidx[b], semL[b])
        pltpu.async_copy(dst_h.at[sl_e], dstidx[b], semL[b])
        pltpu.async_copy(dist_h.at[sl_e], dist[b], semL[b])
        pltpu.async_copy(sw_h.at[sl_e], sw[b], semL[b])

    def _wait_lin(b):
        sl_e = pl.ds(0, RPC)
        pltpu.make_async_copy(src_h.at[sl_e], srcidx[b], semL[b]).wait()
        pltpu.make_async_copy(dst_h.at[sl_e], dstidx[b], semL[b]).wait()
        pltpu.make_async_copy(dist_h.at[sl_e], dist[b], semL[b]).wait()
        pltpu.make_async_copy(sw_h.at[sl_e], sw[b], semL[b]).wait()

    def _fire_scat(b):
        pltpu.async_copy(e1[b], acc1.at[scidx[b]], semS[b], add=True)
        pltpu.async_copy(e2[b], acc2.at[scidx[b]], semS[b], add=True)

    def _wait_scat(b):
        pltpu.make_async_copy(e1[b], acc1.at[scidx[b]], semS[b]).wait()
        pltpu.make_async_copy(e2[b], acc2.at[scidx[b]], semS[b]).wait()

    def _species(idx_vec):
        word = plsc.load_gather(specw_v, [jnp.right_shift(idx_vec, 2)])
        sh = jnp.left_shift(jnp.bitwise_and(idx_vec, 3), 3)
        return jnp.bitwise_and(jnp.right_shift(word, sh), 255)

    def _compute(b):
        srcidx_b, dstidx_b, dist_b, sw_b, scidx_b, e1_b, e2_b = (
            srcidx[b], dstidx[b], dist[b], sw[b], scidx[b], e1[b], e2[b])

        @plsc.parallel_loop(0, CHUNK_E // 16, unroll=8)
        def _vec(v):
            sl = pl.ds(v * 16, 16)
            r = jnp.right_shift(v, 3)
            sl2 = pl.ds(jnp.left_shift(jnp.bitwise_and(v, 7), 4), 16)
            sraw = srcidx_b[r, sl2]
            scidx_b[sl] = sraw
            si = _species(sraw)
            sj = _species(dstidx_b[r, sl2])
            p = si * N_SPECIES + sj
            d = dist_b[r, sl2]
            swv = sw_b[r, sl2]
            mu = plsc.load_gather(tmu_v, [p])
            c6 = plsc.load_gather(tc6_v, [p])
            c8 = plsc.load_gather(tc8_v, [p])
            c10 = plsc.load_gather(tc10_v, [p])
            aq2 = plsc.load_gather(taq_v, [p])
            zn = mu * (d * d)
            ez = jnp.exp(zn)
            a1 = ez * zn
            a2 = a1 * zn
            a3 = a2 * zn
            a4 = a3 * zn
            a5 = a4 * zn
            f6 = 1.0 - ez + a1 - 0.5 * a2 + (1.0 / 6.0) * a3
            f8 = f6 - (1.0 / 24.0) * a4
            f10 = f8 + (1.0 / 120.0) * a5
            inv = 1.0 / d
            inv2 = inv * inv
            inv6 = inv2 * inv2 * inv2
            e1_b[sl] = swv * inv6 * (f6 * c6 + inv2 * (f8 * c8
                                                      + inv2 * (f10 * c10)))
            e2_b[sl] = aq2 * ez * inv * swv

    _fire_lin(0, 0)
    _fire_lin(1, 1)

    def _body(b, c):
        @pl.when(c < nchunks)
        def _():
            _wait_lin(b)
            _compute(b)
            _fire_scat(b)

            @pl.when(c >= 1)
            def _():
                _wait_scat((b + 2) % 3)

            @pl.when(c + 2 < nchunks)
            def _():
                _fire_lin((b + 2) % 3, c + 2)

    def _tri(i, carry):
        _body(0, 3 * i)
        _body(1, 3 * i + 1)
        _body(2, 3 * i + 2)
        return carry
    lax.fori_loop(0, (BASE_CHUNKS + 3) // 3, _tri, 0)

    for k in range(3):
        @pl.when((nchunks - 1) % 3 == k)
        def _(k=k):
            _wait_scat(k)

    plsc.subcore_barrier()
    seg = pl.ds(sid * SEG, SEG)
    oseg = pl.ds(cid * NPAD + sid * SEG, SEG)
    pltpu.sync_copy(acc1.at[seg], zbuf)
    pltpu.sync_copy(zbuf, edisp_o.at[oseg])
    pltpu.sync_copy(acc2.at[seg], zbuf)
    pltpu.sync_copy(zbuf, ex_o.at[oseg])


def _combine_body(e1_ref, e2_ref, edisp_ref, ex_ref, tot_ref):
    a = e1_ref[0] + e1_ref[1]
    b = e2_ref[0] + e2_ref[1]
    edisp_ref[...] = a
    ex_ref[...] = b
    tot_ref[...] = a + b


def kernel(species, edge_src, edge_dst, distances, switch):
    src1 = edge_src.astype(jnp.int32).reshape(N_ROWS, 128)
    dst1 = edge_dst.astype(jnp.int32).reshape(N_ROWS, 128)
    distances = distances.reshape(N_ROWS, 128)
    switch = switch.reshape(N_ROWS, 128)
    s4 = species.astype(jnp.int32).reshape(NSW, 4)
    specw = (s4[:, 0] | (s4[:, 1] << 8) | (s4[:, 2] << 16) | (s4[:, 3] << 24))

    mesh = plsc.VectorSubcoreMesh(core_axis_name="c", subcore_axis_name="s")
    f32 = jnp.float32
    sc = functools.partial(
        pl.kernel, mesh=mesh,
        compiler_params=pltpu.CompilerParams(needs_layout_passes=False),
        out_type=(jax.ShapeDtypeStruct((2 * NPAD,), f32),
                  jax.ShapeDtypeStruct((2 * NPAD,), f32)),
        scratch_types=[
            pltpu.VMEM((NSW,), jnp.int32),
            pltpu.VMEM((N_SPECIES * N_SPECIES,), f32),
            pltpu.VMEM((N_SPECIES * N_SPECIES,), f32),
            pltpu.VMEM((N_SPECIES * N_SPECIES,), f32),
            pltpu.VMEM((N_SPECIES * N_SPECIES,), f32),
            pltpu.VMEM((N_SPECIES * N_SPECIES,), f32),
        ] + [
            pltpu.VMEM((RPC, 128), jnp.int32),
            pltpu.VMEM((RPC, 128), jnp.int32),
            pltpu.VMEM((RPC, 128), f32),
            pltpu.VMEM((RPC, 128), f32),
            pltpu.VMEM((CHUNK_E,), jnp.int32),
            pltpu.VMEM((CHUNK_E,), f32),
            pltpu.VMEM((CHUNK_E,), f32),
        ] * 3 + [
            pltpu.VMEM((SEG,), f32),
            pltpu.VMEM_SHARED((NPAD,), f32),
            pltpu.VMEM_SHARED((NPAD,), f32),
            pltpu.SemaphoreType.DMA,
            pltpu.SemaphoreType.DMA,
            pltpu.SemaphoreType.DMA,
            pltpu.SemaphoreType.DMA,
            pltpu.SemaphoreType.DMA,
            pltpu.SemaphoreType.DMA,
        ])(_sc_body)

    edisp_p, ex_p = sc(
        specw, src1, dst1, distances, switch,
        jnp.asarray(_TBL_MUW), jnp.asarray(_TBL_C6), jnp.asarray(_TBL_C8),
        jnp.asarray(_TBL_C10), jnp.asarray(_TBL_AQ2))

    e1_3d = edisp_p.reshape(2, NPAD // 128, 128)
    e2_3d = ex_p.reshape(2, NPAD // 128, 128)
    edisp_pad, ex_pad, tot_pad = pl.pallas_call(
        _combine_body,
        out_shape=(jax.ShapeDtypeStruct((NPAD // 128, 128), f32),) * 3,
    )(e1_3d, e2_3d)
    edisp = edisp_pad.reshape(NPAD)[:N_NODES]
    ex = ex_pad.reshape(NPAD)[:N_NODES]
    tot = tot_pad.reshape(NPAD)[:N_NODES]
    return (edisp, ex, tot)

# --- scband reference (transcript-rebuilt; emitter-appended) ---
"""Pipeline reference for scband-vdw-oqdo-47098611368250 (READ-ONLY COPY).

The authoritative reference and input builder live on the scoring server;
editing this copy changes nothing except your own understanding.
"""

import jax, jax.numpy as jnp
import numpy as np

ANG = 0.52917721092
FSC = 0.0072973525693
N_NODES = 100000
N_EDGES = 6400000
N_SPECIES = 87

# Synthetic (but physically plausible, strictly positive) free-atom tables indexed by atomic number
C6_FREE = np.linspace(1.5, 500.0, N_SPECIES).astype(np.float32)
POLARIZABILITIES = np.linspace(1.0, 60.0, N_SPECIES).astype(np.float32)


def setup_inputs(seed: int = 0) -> dict:
    key = jax.random.key(seed)
    k1, k2, k3, k4, k5 = jax.random.split(key, 5)
    species = jax.random.randint(k1, (N_NODES,), 0, N_SPECIES)
    edge_src = jax.random.randint(k2, (N_EDGES,), 0, N_NODES)
    edge_dst = jax.random.randint(k3, (N_EDGES,), 0, N_NODES)
    # distances in Angstrom, kept in a realistic vdW range [1.5, 6.5) to avoid r^-10 blowups
    distances = jax.random.uniform(k4, (N_EDGES,), dtype=jnp.float32) * 5.0 + 1.5
    switch = jax.random.uniform(k5, (N_EDGES,), dtype=jnp.float32)
    return {"species": species, "edge_src": edge_src, "edge_dst": edge_dst, "distances": distances, "switch": switch}


def reference(species, edge_src, edge_dst, distances, switch):
    energy_unit = 1.0  # 'Ha' multiplier
    rij = distances / ANG
    c6 = jnp.asarray(C6_FREE)[species]
    alpha = jnp.asarray(POLARIZABILITIES)[species]
    c6i, c6j = c6[edge_src], c6[edge_dst]
    alphai, alphaj = alpha[edge_src], alpha[edge_dst]
    alphaij = 0.5 * (alphai + alphaj)
    c6ij = 2 * alphai * alphaj * c6i * c6j / (c6i * alphaj ** 2 + c6j * alphai ** 2)
    Re = (alphaij * (128.0 / FSC ** (4.0 / 3.0))) ** (1.0 / 7.0)
    Re2 = Re ** 2
    Re4 = Re ** 4
    muw = (0.483053463 - 0.0376191669 * Re + 0.00127066988 * Re2 - 7.21940151e-07 * Re4) / (
        0.038421212 - 0.0316915319 * Re + 0.023741089 * Re2)
    c8ij = 5 * c6ij / muw
    c10ij = 245 * c6ij / (8 * muw ** 2)
    z = 0.5 * muw * rij ** 2
    ez = jnp.exp(-z)
    f6 = 1.0 - ez * (1.0 + z + 0.5 * z ** 2 + 1.0 / 6.0 * z ** 3)
    f8 = f6 - 1.0 / 24.0 * ez * z ** 4
    f10 = f8 - 1.0 / 120.0 * ez * z ** 5
    epair = f6 * c6ij / rij ** 6 + f8 * c8ij / rij ** 8 + f10 * c10ij / rij ** 10
    edisp = -0.5 * energy_unit * jax.ops.segment_sum(epair * switch, edge_src, species.shape[0])
    # exchange part (damped branch)
    w = 4 * c6ij / (3 * alphaij ** 2)
    q2 = alphaij * muw * w
    ze = 0.5 * muw * Re2
    eze = jnp.exp(-ze)
    s6 = eze * (1.0 + ze + 0.5 * ze ** 2 + 1.0 / 6.0 * ze ** 3)
    f6e = 1.0 - s6
    muwRe = muw * Re
    df6e = muwRe * s6 - eze * (muwRe + 0.5 * Re * muwRe ** 2 + 1.0 / 8.0 * Re2 * muwRe ** 3)
    s8 = 1.0 / 24.0 * eze * ze ** 4
    f8e = f6e - s8
    df8e = df6e + muwRe * s8 - 1.0 / 48.0 * eze * Re2 * Re * muwRe ** 4
    s10 = 1.0 / 120.0 * eze * ze ** 5
    f10e = f8e - s10
    df10e = df8e + muwRe * s10 - 1.0 / 384.0 * eze * Re2 * Re2 * muwRe ** 5
    den = 2 * c6ij * Re2 * (6 * f6e - Re * df6e)
    A = 0.5 + c8ij * (8 * f8e - Re * df8e) / den + c10ij * (10 * f10e - Re * df10e) / (den * Re2)
    exij = A * q2 * ez / rij
    ex = 0.5 * energy_unit * jax.ops.segment_sum(exij * switch, edge_src, species.shape[0])
    return (edisp, ex, edisp + ex)

if __name__ == "__main__":
    import jax
    _d = setup_inputs()
    print(jax.jit(kernel)(*tuple(_d.values())))

</pallas_src>

<mosaic_0001>
#map = affine_map<(d0, d1) -> (0)>
#map1 = affine_map<(d0, d1) -> (0, 0)>
module attributes {stable_mosaic.version = 14 : i64} {
  func.func @_sc_body(%arg0: i32, %arg1: i32, %arg2: memref<25000xi32, #tpu.memory_space<hbm>>, %arg3: memref<50000x128xi32, #tpu.memory_space<hbm>>, %arg4: memref<50000x128xi32, #tpu.memory_space<hbm>>, %arg5: memref<50000x128xf32, #tpu.memory_space<hbm>>, %arg6: memref<50000x128xf32, #tpu.memory_space<hbm>>, %arg7: memref<7569xf32, #tpu.memory_space<hbm>>, %arg8: memref<7569xf32, #tpu.memory_space<hbm>>, %arg9: memref<7569xf32, #tpu.memory_space<hbm>>, %arg10: memref<7569xf32, #tpu.memory_space<hbm>>, %arg11: memref<7569xf32, #tpu.memory_space<hbm>>, %arg12: memref<200192xf32, #tpu.memory_space<hbm>>, %arg13: memref<200192xf32, #tpu.memory_space<hbm>>, %arg14: memref<25000xi32, #tpu.memory_space<vmem>>, %arg15: memref<7569xf32, #tpu.memory_space<vmem>>, %arg16: memref<7569xf32, #tpu.memory_space<vmem>>, %arg17: memref<7569xf32, #tpu.memory_space<vmem>>, %arg18: memref<7569xf32, #tpu.memory_space<vmem>>, %arg19: memref<7569xf32, #tpu.memory_space<vmem>>, %arg20: memref<16x128xi32, #tpu.memory_space<vmem>>, %arg21: memref<16x128xi32, #tpu.memory_space<vmem>>, %arg22: memref<16x128xf32, #tpu.memory_space<vmem>>, %arg23: memref<16x128xf32, #tpu.memory_space<vmem>>, %arg24: memref<2048xi32, #tpu.memory_space<vmem>>, %arg25: memref<2048xf32, #tpu.memory_space<vmem>>, %arg26: memref<2048xf32, #tpu.memory_space<vmem>>, %arg27: memref<16x128xi32, #tpu.memory_space<vmem>>, %arg28: memref<16x128xi32, #tpu.memory_space<vmem>>, %arg29: memref<16x128xf32, #tpu.memory_space<vmem>>, %arg30: memref<16x128xf32, #tpu.memory_space<vmem>>, %arg31: memref<2048xi32, #tpu.memory_space<vmem>>, %arg32: memref<2048xf32, #tpu.memory_space<vmem>>, %arg33: memref<2048xf32, #tpu.memory_space<vmem>>, %arg34: memref<16x128xi32, #tpu.memory_space<vmem>>, %arg35: memref<16x128xi32, #tpu.memory_space<vmem>>, %arg36: memref<16x128xf32, #tpu.memory_space<vmem>>, %arg37: memref<16x128xf32, #tpu.memory_space<vmem>>, %arg38: memref<2048xi32, #tpu.memory_space<vmem>>, %arg39: memref<2048xf32, #tpu.memory_space<vmem>>, %arg40: memref<2048xf32, #tpu.memory_space<vmem>>, %arg41: memref<6256xf32, #tpu.memory_space<vmem>>, %arg42: memref<100096xf32, #tpu.memory_space<vmem_shared>>, %arg43: memref<100096xf32, #tpu.memory_space<vmem_shared>>, %arg44: memref<!tpu.dma_semaphore, #tpu.memory_space<semaphore_mem>>, %arg45: memref<!tpu.dma_semaphore, #tpu.memory_space<semaphore_mem>>, %arg46: memref<!tpu.dma_semaphore, #tpu.memory_space<semaphore_mem>>, %arg47: memref<!tpu.dma_semaphore, #tpu.memory_space<semaphore_mem>>, %arg48: memref<!tpu.dma_semaphore, #tpu.memory_space<semaphore_mem>>, %arg49: memref<!tpu.dma_semaphore, #tpu.memory_space<semaphore_mem>>) attributes {dimension_semantics = [#tpu.dimension_semantics<core_parallel>, #tpu.dimension_semantics<subcore_parallel>], iteration_bounds = array<i64: 2, 16>, scalar_prefetch = 0 : i64, scratch_operands = 36 : i64, tpu.core_type = #tpu.core_type<sc_vector_subcore>, window_params = [{transform_indices = #map}, {transform_indices = #map1}, {transform_indices = #map1}, {transform_indices = #map1}, {transform_indices = #map1}, {transform_indices = #map}, {transform_indices = #map}, {transform_indices = #map}, {transform_indices = #map}, {transform_indices = #map}, {transform_indices = #map}, {transform_indices = #map}]} {
    %mul3A = arith.constant 2 : i32
    %mul3A_0 = arith.muli %arg1, %mul3A : i32
    %add3A = arith.addi %mul3A_0, %arg0 : i32
    tpu.enqueue_dma source(%arg2 : memref<25000xi32, #tpu.memory_space<hbm>>) target(%arg14 : memref<25000xi32, #tpu.memory_space<vmem>>) target_semaphore(%arg44 : memref<!tpu.dma_semaphore, #tpu.memory_space<semaphore_mem>>)
    tpu.enqueue_dma source(%arg7 : memref<7569xf32, #tpu.memory_space<hbm>>) target(%arg15 : memref<7569xf32, #tpu.memory_space<vmem>>) target_semaphore(%arg44 : memref<!tpu.dma_semaphore, #tpu.memory_space<semaphore_mem>>)
    tpu.enqueue_dma source(%arg8 : memref<7569xf32, #tpu.memory_space<hbm>>) target(%arg16 : memref<7569xf32, #tpu.memory_space<vmem>>) target_semaphore(%arg44 : memref<!tpu.dma_semaphore, #tpu.memory_space<semaphore_mem>>)
    tpu.enqueue_dma source(%arg9 : memref<7569xf32, #tpu.memory_space<hbm>>) target(%arg17 : memref<7569xf32, #tpu.memory_space<vmem>>) target_semaphore(%arg44 : memref<!tpu.dma_semaphore, #tpu.memory_space<semaphore_mem>>)
    tpu.enqueue_dma source(%arg10 : memref<7569xf32, #tpu.memory_space<hbm>>) target(%arg18 : memref<7569xf32, #tpu.memory_space<vmem>>) target_semaphore(%arg44 : memref<!tpu.dma_semaphore, #tpu.memory_space<semaphore_mem>>)
    tpu.enqueue_dma source(%arg11 : memref<7569xf32, #tpu.memory_space<hbm>>) target(%arg19 : memref<7569xf32, #tpu.memory_space<vmem>>) target_semaphore(%arg44 : memref<!tpu.dma_semaphore, #tpu.memory_space<semaphore_mem>>)
    %scan3A = arith.constant 0 : i32
    %scan3A_1 = arith.constant 0 : i32
    %scan3A_2 = arith.constant 391 : i32
    %scan3A_3 = arith.addi %scan3A_1, %scan3A_2 : i32
    %scan3A_4 = arith.constant 1 : i32
    scf.for %scan3A_129 = %scan3A_1 to %scan3A_3 step %scan3A_4  : i32 {
      %broadcast_in_dim3A = arith.constant 0.000000e+00 : f32
      %broadcast_in_dim3A_130 = vector.broadcast %broadcast_in_dim3A : f32 to vector<16xf32>
      %mul3A_131 = arith.constant 16 : i32
      %mul3A_132 = arith.muli %scan3A_129, %mul3A_131 : i32
      %swap3A = arith.index_cast %mul3A_132 : i32 to index
      %swap3A_133 = tpu.vector_load %arg41[%swap3A] {strides = array<i32>} : memref<6256xf32, #tpu.memory_space<vmem>>, vector<16xf32>,
      tpu.vector_store %arg41[%swap3A], %broadcast_in_dim3A_130 {strides = array<i32>} : memref<6256xf32, #tpu.memory_space<vmem>>, vector<16xf32>,
    }
    %scan3A_5 = arith.constant 391 : i32
    %mul3A_6 = arith.constant 6256 : i32
    %mul3A_7 = arith.muli %arg1, %mul3A_6 : i32
    "tpu.region"() ({
      %run_scoped3A = tpu.sem_alloc : memref<!tpu.dma_semaphore, #tpu.memory_space<semaphore_mem>>
      %dma_start3A_129 = tpu.memref_slice %arg42[%mul3A_7] : memref<100096xf32, #tpu.memory_space<vmem_shared>> -> memref<6256xf32, #tpu.memory_space<vmem_shared>>
      %dma_start3A_130 = tpu.memref_slice %arg42[%mul3A_7] : memref<100096xf32, #tpu.memory_space<vmem_shared>> -> memref<6256xf32, #tpu.memory_space<vmem_shared>>
      tpu.enqueue_dma source(%arg41 : memref<6256xf32, #tpu.memory_space<vmem>>) target(%dma_start3A_130 : memref<6256xf32, #tpu.memory_space<vmem_shared>>) target_semaphore(%run_scoped3A : memref<!tpu.dma_semaphore, #tpu.memory_space<semaphore_mem>>)
      %dma_wait3A = tpu.memref_slice %arg42[%mul3A_7] : memref<100096xf32, #tpu.memory_space<vmem_shared>> -> memref<6256xf32, #tpu.memory_space<vmem_shared>>
      %dma_wait3A_131 = tpu.memref_slice %arg42[%mul3A_7] : memref<100096xf32, #tpu.memory_space<vmem_shared>> -> memref<6256xf32, #tpu.memory_space<vmem_shared>>
      tpu.wait_dma2 semaphore(%run_scoped3A : memref<!tpu.dma_semaphore, #tpu.memory_space<semaphore_mem>>) src(%arg41 : memref<6256xf32, #tpu.memory_space<vmem>>) dst(%dma_wait3A_131 : memref<6256xf32, #tpu.memory_space<vmem_shared>>)
      tpu.yield
    }) : () -> ()
    %mul3A_8 = arith.constant 6256 : i32
    %mul3A_9 = arith.muli %arg1, %mul3A_8 : i32
    "tpu.region"() ({
      %run_scoped3A = tpu.sem_alloc : memref<!tpu.dma_semaphore, #tpu.memory_space<semaphore_mem>>
      %dma_start3A_129 = tpu.memref_slice %arg43[%mul3A_9] : memref<100096xf32, #tpu.memory_space<vmem_shared>> -> memref<6256xf32, #tpu.memory_space<vmem_shared>>
      %dma_start3A_130 = tpu.memref_slice %arg43[%mul3A_9] : memref<100096xf32, #tpu.memory_space<vmem_shared>> -> memref<6256xf32, #tpu.memory_space<vmem_shared>>
      tpu.enqueue_dma source(%arg41 : memref<6256xf32, #tpu.memory_space<vmem>>) target(%dma_start3A_130 : memref<6256xf32, #tpu.memory_space<vmem_shared>>) target_semaphore(%run_scoped3A : memref<!tpu.dma_semaphore, #tpu.memory_space<semaphore_mem>>)
      %dma_wait3A = tpu.memref_slice %arg43[%mul3A_9] : memref<100096xf32, #tpu.memory_space<vmem_shared>> -> memref<6256xf32, #tpu.memory_space<vmem_shared>>
      %dma_wait3A_131 = tpu.memref_slice %arg43[%mul3A_9] : memref<100096xf32, #tpu.memory_space<vmem_shared>> -> memref<6256xf32, #tpu.memory_space<vmem_shared>>
      tpu.wait_dma2 semaphore(%run_scoped3A : memref<!tpu.dma_semaphore, #tpu.memory_space<semaphore_mem>>) src(%arg41 : memref<6256xf32, #tpu.memory_space<vmem>>) dst(%dma_wait3A_131 : memref<6256xf32, #tpu.memory_space<vmem_shared>>)
      tpu.yield
    }) : () -> ()
    tpu.wait_dma2 semaphore(%arg44 : memref<!tpu.dma_semaphore, #tpu.memory_space<semaphore_mem>>) src(%arg2 : memref<25000xi32, #tpu.memory_space<hbm>>) dst(%arg14 : memref<25000xi32, #tpu.memory_space<vmem>>)
    tpu.wait_dma2 semaphore(%arg44 : memref<!tpu.dma_semaphore, #tpu.memory_space<semaphore_mem>>) src(%arg7 : memref<7569xf32, #tpu.memory_space<hbm>>) dst(%arg15 : memref<7569xf32, #tpu.memory_space<vmem>>)
    tpu.wait_dma2 semaphore(%arg44 : memref<!tpu.dma_semaphore, #tpu.memory_space<semaphore_mem>>) src(%arg8 : memref<7569xf32, #tpu.memory_space<hbm>>) dst(%arg16 : memref<7569xf32, #tpu.memory_space<vmem>>)
    tpu.wait_dma2 semaphore(%arg44 : memref<!tpu.dma_semaphore, #tpu.memory_space<semaphore_mem>>) src(%arg9 : memref<7569xf32, #tpu.memory_space<hbm>>) dst(%arg17 : memref<7569xf32, #tpu.memory_space<vmem>>)
    tpu.wait_dma2 semaphore(%arg44 : memref<!tpu.dma_semaphore, #tpu.memory_space<semaphore_mem>>) src(%arg10 : memref<7569xf32, #tpu.memory_space<hbm>>) dst(%arg18 : memref<7569xf32, #tpu.memory_space<vmem>>)
    tpu.wait_dma2 semaphore(%arg44 : memref<!tpu.dma_semaphore, #tpu.memory_space<semaphore_mem>>) src(%arg11 : memref<7569xf32, #tpu.memory_space<hbm>>) dst(%arg19 : memref<7569xf32, #tpu.memory_space<vmem>>)
    %barrier3A = arith.constant 0 : index
    tpu.barrier barrier_id(%barrier3A)
    %lt3A = arith.constant 21 : i32
    %lt3A_10 = arith.cmpi slt, %add3A, %lt3A : i32
    %jit3A = arith.constant 1 : i32
    %jit3A_11 = arith.constant 0 : i32
    %select_n3A = arith.select %lt3A_10, %jit3A, %jit3A_11 : i32
    %add3A_12 = arith.constant 97 : i32
    %add3A_13 = arith.addi %add3A_12, %select_n3A : i32
    %add3A_14 = arith.constant 0 : i32
    %add3A_15 = arith.addi %add3A, %add3A_14 : i32
    %mul3A_16 = arith.constant 16 : i32
    %mul3A_17 = arith.muli %add3A_15, %mul3A_16 : i32
    %dma_start3A = arith.constant 0 : i32
    %dma_start3A_18 = tpu.memref_slice %arg3[%mul3A_17, %dma_start3A] : memref<50000x128xi32, #tpu.memory_space<hbm>> -> memref<16x128xi32, #tpu.memory_space<hbm>>
    %dma_start3A_19 = arith.constant 0 : i32
    %dma_start3A_20 = tpu.memref_slice %arg3[%mul3A_17, %dma_start3A_19] : memref<50000x128xi32, #tpu.memory_space<hbm>> -> memref<16x128xi32, #tpu.memory_space<hbm>>
    tpu.enqueue_dma source(%dma_start3A_20 : memref<16x128xi32, #tpu.memory_space<hbm>>) target(%arg20 : memref<16x128xi32, #tpu.memory_space<vmem>>) target_semaphore(%arg44 : memref<!tpu.dma_semaphore, #tpu.memory_space<semaphore_mem>>)
    %dma_start3A_21 = arith.constant 0 : i32
    %dma_start3A_22 = tpu.memref_slice %arg4[%mul3A_17, %dma_start3A_21] : memref<50000x128xi32, #tpu.memory_space<hbm>> -> memref<16x128xi32, #tpu.memory_space<hbm>>
    %dma_start3A_23 = arith.constant 0 : i32
    %dma_start3A_24 = tpu.memref_slice %arg4[%mul3A_17, %dma_start3A_23] : memref<50000x128xi32, #tpu.memory_space<hbm>> -> memref<16x128xi32, #tpu.memory_space<hbm>>
    tpu.enqueue_dma source(%dma_start3A_24 : memref<16x128xi32, #tpu.memory_space<hbm>>) target(%arg21 : memref<16x128xi32, #tpu.memory_space<vmem>>) target_semaphore(%arg44 : memref<!tpu.dma_semaphore, #tpu.memory_space<semaphore_mem>>)
    %dma_start3A_25 = arith.constant 0 : i32
    %dma_start3A_26 = tpu.memref_slice %arg5[%mul3A_17, %dma_start3A_25] : memref<50000x128xf32, #tpu.memory_space<hbm>> -> memref<16x128xf32, #tpu.memory_space<hbm>>
    %dma_start3A_27 = arith.constant 0 : i32
    %dma_start3A_28 = tpu.memref_slice %arg5[%mul3A_17, %dma_start3A_27] : memref<50000x128xf32, #tpu.memory_space<hbm>> -> memref<16x128xf32, #tpu.memory_space<hbm>>
    tpu.enqueue_dma source(%dma_start3A_28 : memref<16x128xf32, #tpu.memory_space<hbm>>) target(%arg22 : memref<16x128xf32, #tpu.memory_space<vmem>>) target_semaphore(%arg44 : memref<!tpu.dma_semaphore, #tpu.memory_space<semaphore_mem>>)
    %dma_start3A_29 = arith.constant 0 : i32
    %dma_start3A_30 = tpu.memref_slice %arg6[%mul3A_17, %dma_start3A_29] : memref<50000x128xf32, #tpu.memory_space<hbm>> -> memref<16x128xf32, #tpu.memory_space<hbm>>
    %dma_start3A_31 = arith.constant 0 : i32
    %dma_start3A_32 = tpu.memref_slice %arg6[%mul3A_17, %dma_start3A_31] : memref<50000x128xf32, #tpu.memory_space<hbm>> -> memref<16x128xf32, #tpu.memory_space<hbm>>
    tpu.enqueue_dma source(%dma_start3A_32 : memref<16x128xf32, #tpu.memory_space<hbm>>) target(%arg23 : memref<16x128xf32, #tpu.memory_space<vmem>>) target_semaphore(%arg44 : memref<!tpu.dma_semaphore, #tpu.memory_space<semaphore_mem>>)
    %add3A_33 = arith.constant 32 : i32
    %add3A_34 = arith.addi %add3A, %add3A_33 : i32
    %mul3A_35 = arith.constant 16 : i32
    %mul3A_36 = arith.muli %add3A_34, %mul3A_35 : i32
    %dma_start3A_37 = arith.constant 0 : i32
    %dma_start3A_38 = tpu.memref_slice %arg3[%mul3A_36, %dma_start3A_37] : memref<50000x128xi32, #tpu.memory_space<hbm>> -> memref<16x128xi32, #tpu.memory_space<hbm>>
    %dma_start3A_39 = arith.constant 0 : i32
    %dma_start3A_40 = tpu.memref_slice %arg3[%mul3A_36, %dma_start3A_39] : memref<50000x128xi32, #tpu.memory_space<hbm>> -> memref<16x128xi32, #tpu.memory_space<hbm>>
    tpu.enqueue_dma source(%dma_start3A_40 : memref<16x128xi32, #tpu.memory_space<hbm>>) target(%arg27 : memref<16x128xi32, #tpu.memory_space<vmem>>) target_semaphore(%arg45 : memref<!tpu.dma_semaphore, #tpu.memory_space<semaphore_mem>>)
    %dma_start3A_41 = arith.constant 0 : i32
    %dma_start3A_42 = tpu.memref_slice %arg4[%mul3A_36, %dma_start3A_41] : memref<50000x128xi32, #tpu.memory_space<hbm>> -> memref<16x128xi32, #tpu.memory_space<hbm>>
    %dma_start3A_43 = arith.constant 0 : i32
    %dma_start3A_44 = tpu.memref_slice %arg4[%mul3A_36, %dma_start3A_43] : memref<50000x128xi32, #tpu.memory_space<hbm>> -> memref<16x128xi32, #tpu.memory_space<hbm>>
    tpu.enqueue_dma source(%dma_start3A_44 : memref<16x128xi32, #tpu.memory_space<hbm>>) target(%arg28 : memref<16x128xi32, #tpu.memory_space<vmem>>) target_semaphore(%arg45 : memref<!tpu.dma_semaphore, #tpu.memory_space<semaphore_mem>>)
    %dma_start3A_45 = arith.constant 0 : i32
    %dma_start3A_46 = tpu.memref_slice %arg5[%mul3A_36, %dma_start3A_45] : memref<50000x128xf32, #tpu.memory_space<hbm>> -> memref<16x128xf32, #tpu.memory_space<hbm>>
    %dma_start3A_47 = arith.constant 0 : i32
    %dma_start3A_48 = tpu.memref_slice %arg5[%mul3A_36, %dma_start3A_47] : memref<50000x128xf32, #tpu.memory_space<hbm>> -> memref<16x128xf32, #tpu.memory_space<hbm>>
    tpu.enqueue_dma source(%dma_start3A_48 : memref<16x128xf32, #tpu.memory_space<hbm>>) target(%arg29 : memref<16x128xf32, #tpu.memory_space<vmem>>) target_semaphore(%arg45 : memref<!tpu.dma_semaphore, #tpu.memory_space<semaphore_mem>>)
    %dma_start3A_49 = arith.constant 0 : i32
    %dma_start3A_50 = tpu.memref_slice %arg6[%mul3A_36, %dma_start3A_49] : memref<50000x128xf32, #tpu.memory_space<hbm>> -> memref<16x128xf32, #tpu.memory_space<hbm>>
    %dma_start3A_51 = arith.constant 0 : i32
    %dma_start3A_52 = tpu.memref_slice %arg6[%mul3A_36, %dma_start3A_51] : memref<50000x128xf32, #tpu.memory_space<hbm>> -> memref<16x128xf32, #tpu.memory_space<hbm>>
    tpu.enqueue_dma source(%dma_start3A_52 : memref<16x128xf32, #tpu.memory_space<hbm>>) target(%arg30 : memref<16x128xf32, #tpu.memory_space<vmem>>) target_semaphore(%arg45 : memref<!tpu.dma_semaphore, #tpu.memory_space<semaphore_mem>>)
    %scan3A_53 = arith.constant 0 : i32
    %scan3A_54 = arith.constant 0 : i32
    %scan3A_55 = arith.constant 33 : i32
    %scan3A_56 = arith.addi %scan3A_54, %scan3A_55 : i32
    %scan3A_57 = arith.constant 1 : i32
    scf.for %scan3A_129 = %scan3A_54 to %scan3A_56 step %scan3A_57  : i32 {
      %mul3A_130 = arith.constant 3 : i32
      %mul3A_131 = arith.muli %mul3A_130, %scan3A_129 : i32
      %lt3A_132 = arith.cmpi slt, %mul3A_131, %add3A_13 : i32
      %convert_element_type3A_133 = arith.extui %lt3A_132 : i1 to i32
      %cond3A_134 = arith.constant 0 : i32
      %cond3A_135 = arith.cmpi ne, %convert_element_type3A_133, %cond3A_134 : i32
      scf.if %cond3A_135 {
        %dma_wait3A = arith.constant 0 : i32
        %dma_wait3A_152 = arith.constant 0 : i32
        %dma_wait3A_153 = tpu.memref_slice %arg3[%dma_wait3A, %dma_wait3A_152] : memref<50000x128xi32, #tpu.memory_space<hbm>> -> memref<16x128xi32, #tpu.memory_space<hbm>>
        %dma_wait3A_154 = arith.constant 0 : i32
        %dma_wait3A_155 = arith.constant 0 : i32
        %dma_wait3A_156 = tpu.memref_slice %arg3[%dma_wait3A_154, %dma_wait3A_155] : memref<50000x128xi32, #tpu.memory_space<hbm>> -> memref<16x128xi32, #tpu.memory_space<hbm>>
        tpu.wait_dma2 semaphore(%arg44 : memref<!tpu.dma_semaphore, #tpu.memory_space<semaphore_mem>>) src(%dma_wait3A_156 : memref<16x128xi32, #tpu.memory_space<hbm>>) dst(%arg20 : memref<16x128xi32, #tpu.memory_space<vmem>>)
        %dma_wait3A_157 = arith.constant 0 : i32
        %dma_wait3A_158 = arith.constant 0 : i32
        %dma_wait3A_159 = tpu.memref_slice %arg4[%dma_wait3A_157, %dma_wait3A_158] : memref<50000x128xi32, #tpu.memory_space<hbm>> -> memref<16x128xi32, #tpu.memory_space<hbm>>
        %dma_wait3A_160 = arith.constant 0 : i32
        %dma_wait3A_161 = arith.constant 0 : i32
        %dma_wait3A_162 = tpu.memref_slice %arg4[%dma_wait3A_160, %dma_wait3A_161] : memref<50000x128xi32, #tpu.memory_space<hbm>> -> memref<16x128xi32, #tpu.memory_space<hbm>>
        tpu.wait_dma2 semaphore(%arg44 : memref<!tpu.dma_semaphore, #tpu.memory_space<semaphore_mem>>) src(%dma_wait3A_162 : memref<16x128xi32, #tpu.memory_space<hbm>>) dst(%arg21 : memref<16x128xi32, #tpu.memory_space<vmem>>)
        %dma_wait3A_163 = arith.constant 0 : i32
        %dma_wait3A_164 = arith.constant 0 : i32
        %dma_wait3A_165 = tpu.memref_slice %arg5[%dma_wait3A_163, %dma_wait3A_164] : memref<50000x128xf32, #tpu.memory_space<hbm>> -> memref<16x128xf32, #tpu.memory_space<hbm>>
        %dma_wait3A_166 = arith.constant 0 : i32
        %dma_wait3A_167 = arith.constant 0 : i32
        %dma_wait3A_168 = tpu.memref_slice %arg5[%dma_wait3A_166, %dma_wait3A_167] : memref<50000x128xf32, #tpu.memory_space<hbm>> -> memref<16x128xf32, #tpu.memory_space<hbm>>
        tpu.wait_dma2 semaphore(%arg44 : memref<!tpu.dma_semaphore, #tpu.memory_space<semaphore_mem>>) src(%dma_wait3A_168 : memref<16x128xf32, #tpu.memory_space<hbm>>) dst(%arg22 : memref<16x128xf32, #tpu.memory_space<vmem>>)
        %dma_wait3A_169 = arith.constant 0 : i32
        %dma_wait3A_170 = arith.constant 0 : i32
        %dma_wait3A_171 = tpu.memref_slice %arg6[%dma_wait3A_169, %dma_wait3A_170] : memref<50000x128xf32, #tpu.memory_space<hbm>> -> memref<16x128xf32, #tpu.memory_space<hbm>>
        %dma_wait3A_172 = arith.constant 0 : i32
        %dma_wait3A_173 = arith.constant 0 : i32
        %dma_wait3A_174 = tpu.memref_slice %arg6[%dma_wait3A_172, %dma_wait3A_173] : memref<50000x128xf32, #tpu.memory_space<hbm>> -> memref<16x128xf32, #tpu.memory_space<hbm>>
        tpu.wait_dma2 semaphore(%arg44 : memref<!tpu.dma_semaphore, #tpu.memory_space<semaphore_mem>>) src(%dma_wait3A_174 : memref<16x128xf32, #tpu.memory_space<hbm>>) dst(%arg23 : memref<16x128xf32, #tpu.memory_space<vmem>>)
        %parallel_loop3A = arith.constant 0 : i32
        %parallel_loop3A_175 = arith.constant 128 : i32
        %parallel_loop3A_176 = arith.constant 1 : i32
        scf.for %parallel_loop3A_191 = %parallel_loop3A to %parallel_loop3A_175 step %parallel_loop3A_176  : i32 {
          %parallel_loop3A_192 = arith.constant 16 : i32
          %parallel_loop3A_193 = arith.muli %parallel_loop3A_191, %parallel_loop3A_192 : i32
          %parallel_loop3A_194 = arith.constant 3 : i32
          %parallel_loop3A_195 = arith.shrsi %parallel_loop3A_191, %parallel_loop3A_194 : i32
          %parallel_loop3A_196 = arith.constant 7 : i32
          %parallel_loop3A_197 = arith.andi %parallel_loop3A_191, %parallel_loop3A_196 : i32
          %parallel_loop3A_198 = arith.constant 4 : i32
          %parallel_loop3A_199 = arith.shli %parallel_loop3A_197, %parallel_loop3A_198 : i32
          %parallel_loop3A_200 = arith.index_cast %parallel_loop3A_195 : i32 to index
          %parallel_loop3A_201 = arith.index_cast %parallel_loop3A_199 : i32 to index
          %parallel_loop3A_202 = tpu.vector_load %arg20[%parallel_loop3A_200, %parallel_loop3A_201] {strides = array<i32>} : memref<16x128xi32, #tpu.memory_space<vmem>>, vector<16xi32>,
          %parallel_loop3A_203 = arith.index_cast %parallel_loop3A_193 : i32 to index
          %parallel_loop3A_204 = tpu.vector_load %arg24[%parallel_loop3A_203] {strides = array<i32>} : memref<2048xi32, #tpu.memory_space<vmem>>, vector<16xi32>,
          tpu.vector_store %arg24[%parallel_loop3A_203], %parallel_loop3A_202 {strides = array<i32>} : memref<2048xi32, #tpu.memory_space<vmem>>, vector<16xi32>,
          %parallel_loop3A_205 = arith.constant 2 : i32
          %parallel_loop3A_206 = vector.broadcast %parallel_loop3A_205 : i32 to vector<16xi32>
          %parallel_loop3A_207 = arith.shrsi %parallel_loop3A_202, %parallel_loop3A_206 : vector<16xi32>
          %parallel_loop3A_208 = tpu.vector_load_idx %arg14[%parallel_loop3A_207] : memref<25000xi32, #tpu.memory_space<vmem>>[vector<16xi32>], vector<16xi32>,
          %parallel_loop3A_209 = arith.constant 3 : i32
          %parallel_loop3A_210 = vector.broadcast %parallel_loop3A_209 : i32 to vector<16xi32>
          %parallel_loop3A_211 = arith.andi %parallel_loop3A_202, %parallel_loop3A_210 : vector<16xi32>
          %parallel_loop3A_212 = arith.constant 3 : i32
          %parallel_loop3A_213 = vector.broadcast %parallel_loop3A_212 : i32 to vector<16xi32>
          %parallel_loop3A_214 = arith.shli %parallel_loop3A_211, %parallel_loop3A_213 : vector<16xi32>
          %parallel_loop3A_215 = arith.shrsi %parallel_loop3A_208, %parallel_loop3A_214 : vector<16xi32>
          %parallel_loop3A_216 = arith.constant 255 : i32
          %parallel_loop3A_217 = vector.broadcast %parallel_loop3A_216 : i32 to vector<16xi32>
          %parallel_loop3A_218 = arith.andi %parallel_loop3A_215, %parallel_loop3A_217 : vector<16xi32>
          %parallel_loop3A_219 = arith.index_cast %parallel_loop3A_195 : i32 to index
          %parallel_loop3A_220 = arith.index_cast %parallel_loop3A_199 : i32 to index
          %parallel_loop3A_221 = tpu.vector_load %arg21[%parallel_loop3A_219, %parallel_loop3A_220] {strides = array<i32>} : memref<16x128xi32, #tpu.memory_space<vmem>>, vector<16xi32>,
          %parallel_loop3A_222 = arith.constant 2 : i32
          %parallel_loop3A_223 = vector.broadcast %parallel_loop3A_222 : i32 to vector<16xi32>
          %parallel_loop3A_224 = arith.shrsi %parallel_loop3A_221, %parallel_loop3A_223 : vector<16xi32>
          %parallel_loop3A_225 = tpu.vector_load_idx %arg14[%parallel_loop3A_224] : memref<25000xi32, #tpu.memory_space<vmem>>[vector<16xi32>], vector<16xi32>,
          %parallel_loop3A_226 = arith.constant 3 : i32
          %parallel_loop3A_227 = vector.broadcast %parallel_loop3A_226 : i32 to vector<16xi32>
          %parallel_loop3A_228 = arith.andi %parallel_loop3A_221, %parallel_loop3A_227 : vector<16xi32>
          %parallel_loop3A_229 = arith.constant 3 : i32
          %parallel_loop3A_230 = vector.broadcast %parallel_loop3A_229 : i32 to vector<16xi32>
          %parallel_loop3A_231 = arith.shli %parallel_loop3A_228, %parallel_loop3A_230 : vector<16xi32>
          %parallel_loop3A_232 = arith.shrsi %parallel_loop3A_225, %parallel_loop3A_231 : vector<16xi32>
          %parallel_loop3A_233 = arith.constant 255 : i32
          %parallel_loop3A_234 = vector.broadcast %parallel_loop3A_233 : i32 to vector<16xi32>
          %parallel_loop3A_235 = arith.andi %parallel_loop3A_232, %parallel_loop3A_234 : vector<16xi32>
          %parallel_loop3A_236 = arith.constant 87 : i32
          %parallel_loop3A_237 = vector.broadcast %parallel_loop3A_236 : i32 to vector<16xi32>
          %parallel_loop3A_238 = arith.muli %parallel_loop3A_218, %parallel_loop3A_237 : vector<16xi32>
          %parallel_loop3A_239 = arith.addi %parallel_loop3A_238, %parallel_loop3A_235 : vector<16xi32>
          %parallel_loop3A_240 = arith.index_cast %parallel_loop3A_195 : i32 to index
          %parallel_loop3A_241 = arith.index_cast %parallel_loop3A_199 : i32 to index
          %parallel_loop3A_242 = tpu.vector_load %arg22[%parallel_loop3A_240, %parallel_loop3A_241] {strides = array<i32>} : memref<16x128xf32, #tpu.memory_space<vmem>>, vector<16xf32>,
          %parallel_loop3A_243 = arith.index_cast %parallel_loop3A_195 : i32 to index
          %parallel_loop3A_244 = arith.index_cast %parallel_loop3A_199 : i32 to index
          %parallel_loop3A_245 = tpu.vector_load %arg23[%parallel_loop3A_243, %parallel_loop3A_244] {strides = array<i32>} : memref<16x128xf32, #tpu.memory_space<vmem>>, vector<16xf32>,
          %parallel_loop3A_246 = tpu.vector_load_idx %arg15[%parallel_loop3A_239] : memref<7569xf32, #tpu.memory_space<vmem>>[vector<16xi32>], vector<16xf32>,
          %parallel_loop3A_247 = tpu.vector_load_idx %arg16[%parallel_loop3A_239] : memref<7569xf32, #tpu.memory_space<vmem>>[vector<16xi32>], vector<16xf32>,
          %parallel_loop3A_248 = tpu.vector_load_idx %arg17[%parallel_loop3A_239] : memref<7569xf32, #tpu.memory_space<vmem>>[vector<16xi32>], vector<16xf32>,
          %parallel_loop3A_249 = tpu.vector_load_idx %arg18[%parallel_loop3A_239] : memref<7569xf32, #tpu.memory_space<vmem>>[vector<16xi32>], vector<16xf32>,
          %parallel_loop3A_250 = tpu.vector_load_idx %arg19[%parallel_loop3A_239] : memref<7569xf32, #tpu.memory_space<vmem>>[vector<16xi32>], vector<16xf32>,
          %parallel_loop3A_251 = arith.mulf %parallel_loop3A_242, %parallel_loop3A_242 : vector<16xf32>
          %parallel_loop3A_252 = arith.mulf %parallel_loop3A_246, %parallel_loop3A_251 : vector<16xf32>
          %parallel_loop3A_253 = math.exp %parallel_loop3A_252 : vector<16xf32>
          %parallel_loop3A_254 = arith.mulf %parallel_loop3A_253, %parallel_loop3A_252 : vector<16xf32>
          %parallel_loop3A_255 = arith.mulf %parallel_loop3A_254, %parallel_loop3A_252 : vector<16xf32>
          %parallel_loop3A_256 = arith.mulf %parallel_loop3A_255, %parallel_loop3A_252 : vector<16xf32>
          %parallel_loop3A_257 = arith.mulf %parallel_loop3A_256, %parallel_loop3A_252 : vector<16xf32>
          %parallel_loop3A_258 = arith.mulf %parallel_loop3A_257, %parallel_loop3A_252 : vector<16xf32>
          %parallel_loop3A_259 = arith.constant 1.000000e+00 : f32
          %parallel_loop3A_260 = vector.broadcast %parallel_loop3A_259 : f32 to vector<16xf32>
          %parallel_loop3A_261 = arith.subf %parallel_loop3A_260, %parallel_loop3A_253 : vector<16xf32>
          %parallel_loop3A_262 = arith.addf %parallel_loop3A_261, %parallel_loop3A_254 : vector<16xf32>
          %parallel_loop3A_263 = arith.constant 5.000000e-01 : f32
          %parallel_loop3A_264 = vector.broadcast %parallel_loop3A_263 : f32 to vector<16xf32>
          %parallel_loop3A_265 = arith.mulf %parallel_loop3A_264, %parallel_loop3A_255 : vector<16xf32>
          %parallel_loop3A_266 = arith.subf %parallel_loop3A_262, %parallel_loop3A_265 : vector<16xf32>
          %parallel_loop3A_267 = arith.constant 0.166666672 : f32
          %parallel_loop3A_268 = vector.broadcast %parallel_loop3A_267 : f32 to vector<16xf32>
          %parallel_loop3A_269 = arith.mulf %parallel_loop3A_268, %parallel_loop3A_256 : vector<16xf32>
          %parallel_loop3A_270 = arith.addf %parallel_loop3A_266, %parallel_loop3A_269 : vector<16xf32>
          %parallel_loop3A_271 = arith.constant 0.0416666679 : f32
          %parallel_loop3A_272 = vector.broadcast %parallel_loop3A_271 : f32 to vector<16xf32>
          %parallel_loop3A_273 = arith.mulf %parallel_loop3A_272, %parallel_loop3A_257 : vector<16xf32>
          %parallel_loop3A_274 = arith.subf %parallel_loop3A_270, %parallel_loop3A_273 : vector<16xf32>
          %parallel_loop3A_275 = arith.constant 0.00833333377 : f32
          %parallel_loop3A_276 = vector.broadcast %parallel_loop3A_275 : f32 to vector<16xf32>
          %parallel_loop3A_277 = arith.mulf %parallel_loop3A_276, %parallel_loop3A_258 : vector<16xf32>
          %parallel_loop3A_278 = arith.addf %parallel_loop3A_274, %parallel_loop3A_277 : vector<16xf32>
          %parallel_loop3A_279 = arith.constant 1.000000e+00 : f32
          %parallel_loop3A_280 = vector.broadcast %parallel_loop3A_279 : f32 to vector<16xf32>
          %parallel_loop3A_281 = arith.divf %parallel_loop3A_280, %parallel_loop3A_242 : vector<16xf32>
          %parallel_loop3A_282 = arith.mulf %parallel_loop3A_281, %parallel_loop3A_281 : vector<16xf32>
          %parallel_loop3A_283 = arith.mulf %parallel_loop3A_282, %parallel_loop3A_282 : vector<16xf32>
          %parallel_loop3A_284 = arith.mulf %parallel_loop3A_283, %parallel_loop3A_282 : vector<16xf32>
          %parallel_loop3A_285 = arith.mulf %parallel_loop3A_245, %parallel_loop3A_284 : vector<16xf32>
          %parallel_loop3A_286 = arith.mulf %parallel_loop3A_270, %parallel_loop3A_247 : vector<16xf32>
          %parallel_loop3A_287 = arith.mulf %parallel_loop3A_274, %parallel_loop3A_248 : vector<16xf32>
          %parallel_loop3A_288 = arith.mulf %parallel_loop3A_278, %parallel_loop3A_249 : vector<16xf32>
          %parallel_loop3A_289 = arith.mulf %parallel_loop3A_282, %parallel_loop3A_288 : vector<16xf32>
          %parallel_loop3A_290 = arith.addf %parallel_loop3A_287, %parallel_loop3A_289 : vector<16xf32>
          %parallel_loop3A_291 = arith.mulf %parallel_loop3A_282, %parallel_loop3A_290 : vector<16xf32>
          %parallel_loop3A_292 = arith.addf %parallel_loop3A_286, %parallel_loop3A_291 : vector<16xf32>
          %parallel_loop3A_293 = arith.mulf %parallel_loop3A_285, %parallel_loop3A_292 : vector<16xf32>
          %parallel_loop3A_294 = arith.index_cast %parallel_loop3A_193 : i32 to index
          %parallel_loop3A_295 = tpu.vector_load %arg25[%parallel_loop3A_294] {strides = array<i32>} : memref<2048xf32, #tpu.memory_space<vmem>>, vector<16xf32>,
          tpu.vector_store %arg25[%parallel_loop3A_294], %parallel_loop3A_293 {strides = array<i32>} : memref<2048xf32, #tpu.memory_space<vmem>>, vector<16xf32>,
          %parallel_loop3A_296 = arith.mulf %parallel_loop3A_250, %parallel_loop3A_253 : vector<16xf32>
          %parallel_loop3A_297 = arith.mulf %parallel_loop3A_296, %parallel_loop3A_281 : vector<16xf32>
          %parallel_loop3A_298 = arith.mulf %parallel_loop3A_297, %parallel_loop3A_245 : vector<16xf32>
          %parallel_loop3A_299 = arith.index_cast %parallel_loop3A_193 : i32 to index
          %parallel_loop3A_300 = tpu.vector_load %arg26[%parallel_loop3A_299] {strides = array<i32>} : memref<2048xf32, #tpu.memory_space<vmem>>, vector<16xf32>,
          tpu.vector_store %arg26[%parallel_loop3A_299], %parallel_loop3A_298 {strides = array<i32>} : memref<2048xf32, #tpu.memory_space<vmem>>, vector<16xf32>,
        } {sc.loop_unroll_factor = 8 : i64, sc.parallel_access}
        %dma_start3A_177 = arith.constant 0 : i32
        %dma_start3A_178 = tpu.memref_slice %arg42[%dma_start3A_177] : memref<100096xf32, #tpu.memory_space<vmem_shared>> -> memref<100096xf32, #tpu.memory_space<vmem_shared>>
        tpu.enqueue_indirect_dma source(%arg25 : memref<2048xf32, #tpu.memory_space<vmem>>) target(%dma_start3A_178 : memref<100096xf32, #tpu.memory_space<vmem_shared>>) offsets(%arg24 : memref<2048xi32, #tpu.memory_space<vmem>>) semaphore(%arg47 : memref<!tpu.dma_semaphore, #tpu.memory_space<semaphore_mem>>) {add = true}
        %dma_start3A_179 = arith.constant 0 : i32
        %dma_start3A_180 = tpu.memref_slice %arg43[%dma_start3A_179] : memref<100096xf32, #tpu.memory_space<vmem_shared>> -> memref<100096xf32, #tpu.memory_space<vmem_shared>>
        tpu.enqueue_indirect_dma source(%arg26 : memref<2048xf32, #tpu.memory_space<vmem>>) target(%dma_start3A_180 : memref<100096xf32, #tpu.memory_space<vmem_shared>>) offsets(%arg24 : memref<2048xi32, #tpu.memory_space<vmem>>) semaphore(%arg47 : memref<!tpu.dma_semaphore, #tpu.memory_space<semaphore_mem>>) {add = true}
        %ge3A = arith.constant 1 : i32
        %ge3A_181 = arith.cmpi sge, %mul3A_131, %ge3A : i32
        %convert_element_type3A_182 = arith.extui %ge3A_181 : i1 to i32
        %cond3A_183 = arith.constant 0 : i32
        %cond3A_184 = arith.cmpi ne, %convert_element_type3A_182, %cond3A_183 : i32
        scf.if %cond3A_184 {
          %dma_wait3A_191 = arith.constant 0 : i32
          %dma_wait3A_192 = tpu.memref_slice %arg42[%dma_wait3A_191] : memref<100096xf32, #tpu.memory_space<vmem_shared>> -> memref<100096xf32, #tpu.memory_space<vmem_shared>>
          tpu.wait_indirect_dma semaphore(%arg49 : memref<!tpu.dma_semaphore, #tpu.memory_space<semaphore_mem>>) src(%arg39 : memref<2048xf32, #tpu.memory_space<vmem>>) dst(%dma_wait3A_192 : memref<100096xf32, #tpu.memory_space<vmem_shared>>)
          %dma_wait3A_193 = arith.constant 0 : i32
          %dma_wait3A_194 = tpu.memref_slice %arg43[%dma_wait3A_193] : memref<100096xf32, #tpu.memory_space<vmem_shared>> -> memref<100096xf32, #tpu.memory_space<vmem_shared>>
          tpu.wait_indirect_dma semaphore(%arg49 : memref<!tpu.dma_semaphore, #tpu.memory_space<semaphore_mem>>) src(%arg40 : memref<2048xf32, #tpu.memory_space<vmem>>) dst(%dma_wait3A_194 : memref<100096xf32, #tpu.memory_space<vmem_shared>>)
        } else {
        }
        %add3A_185 = arith.constant 2 : i32
        %add3A_186 = arith.addi %mul3A_131, %add3A_185 : i32
        %lt3A_187 = arith.cmpi slt, %add3A_186, %add3A_13 : i32
        %convert_element_type3A_188 = arith.extui %lt3A_187 : i1 to i32
        %cond3A_189 = arith.constant 0 : i32
        %cond3A_190 = arith.cmpi ne, %convert_element_type3A_188, %cond3A_189 : i32
        scf.if %cond3A_190 {
          %add3A_191 = arith.constant 2 : i32
          %add3A_192 = arith.addi %mul3A_131, %add3A_191 : i32
          %mul3A_193 = arith.constant 32 : i32
          %mul3A_194 = arith.muli %mul3A_193, %add3A_192 : i32
          %add3A_195 = arith.addi %add3A, %mul3A_194 : i32
          %mul3A_196 = arith.constant 16 : i32
          %mul3A_197 = arith.muli %add3A_195, %mul3A_196 : i32
          %dma_start3A_198 = arith.constant 0 : i32
          %dma_start3A_199 = tpu.memref_slice %arg3[%mul3A_197, %dma_start3A_198] : memref<50000x128xi32, #tpu.memory_space<hbm>> -> memref<16x128xi32, #tpu.memory_space<hbm>>
          %dma_start3A_200 = arith.constant 0 : i32
          %dma_start3A_201 = tpu.memref_slice %arg3[%mul3A_197, %dma_start3A_200] : memref<50000x128xi32, #tpu.memory_space<hbm>> -> memref<16x128xi32, #tpu.memory_space<hbm>>
          tpu.enqueue_dma source(%dma_start3A_201 : memref<16x128xi32, #tpu.memory_space<hbm>>) target(%arg34 : memref<16x128xi32, #tpu.memory_space<vmem>>) target_semaphore(%arg46 : memref<!tpu.dma_semaphore, #tpu.memory_space<semaphore_mem>>)
          %dma_start3A_202 = arith.constant 0 : i32
          %dma_start3A_203 = tpu.memref_slice %arg4[%mul3A_197, %dma_start3A_202] : memref<50000x128xi32, #tpu.memory_space<hbm>> -> memref<16x128xi32, #tpu.memory_space<hbm>>
          %dma_start3A_204 = arith.constant 0 : i32
          %dma_start3A_205 = tpu.memref_slice %arg4[%mul3A_197, %dma_start3A_204] : memref<50000x128xi32, #tpu.memory_space<hbm>> -> memref<16x128xi32, #tpu.memory_space<hbm>>
          tpu.enqueue_dma source(%dma_start3A_205 : memref<16x128xi32, #tpu.memory_space<hbm>>) target(%arg35 : memref<16x128xi32, #tpu.memory_space<vmem>>) target_semaphore(%arg46 : memref<!tpu.dma_semaphore, #tpu.memory_space<semaphore_mem>>)
          %dma_start3A_206 = arith.constant 0 : i32
          %dma_start3A_207 = tpu.memref_slice %arg5[%mul3A_197, %dma_start3A_206] : memref<50000x128xf32, #tpu.memory_space<hbm>> -> memref<16x128xf32, #tpu.memory_space<hbm>>
          %dma_start3A_208 = arith.constant 0 : i32
          %dma_start3A_209 = tpu.memref_slice %arg5[%mul3A_197, %dma_start3A_208] : memref<50000x128xf32, #tpu.memory_space<hbm>> -> memref<16x128xf32, #tpu.memory_space<hbm>>
          tpu.enqueue_dma source(%dma_start3A_209 : memref<16x128xf32, #tpu.memory_space<hbm>>) target(%arg36 : memref<16x128xf32, #tpu.memory_space<vmem>>) target_semaphore(%arg46 : memref<!tpu.dma_semaphore, #tpu.memory_space<semaphore_mem>>)
          %dma_start3A_210 = arith.constant 0 : i32
          %dma_start3A_211 = tpu.memref_slice %arg6[%mul3A_197, %dma_start3A_210] : memref<50000x128xf32, #tpu.memory_space<hbm>> -> memref<16x128xf32, #tpu.memory_space<hbm>>
          %dma_start3A_212 = arith.constant 0 : i32
          %dma_start3A_213 = tpu.memref_slice %arg6[%mul3A_197, %dma_start3A_212] : memref<50000x128xf32, #tpu.memory_space<hbm>> -> memref<16x128xf32, #tpu.memory_space<hbm>>
          tpu.enqueue_dma source(%dma_start3A_213 : memref<16x128xf32, #tpu.memory_space<hbm>>) target(%arg37 : memref<16x128xf32, #tpu.memory_space<vmem>>) target_semaphore(%arg46 : memref<!tpu.dma_semaphore, #tpu.memory_space<semaphore_mem>>)
        } else {
        }
      } else {
      }
      %mul3A_136 = arith.constant 3 : i32
      %mul3A_137 = arith.muli %mul3A_136, %scan3A_129 : i32
      %add3A_138 = arith.constant 1 : i32
      %add3A_139 = arith.addi %mul3A_137, %add3A_138 : i32
      %lt3A_140 = arith.cmpi slt, %add3A_139, %add3A_13 : i32
      %convert_element_type3A_141 = arith.extui %lt3A_140 : i1 to i32
      %cond3A_142 = arith.constant 0 : i32
      %cond3A_143 = arith.cmpi ne, %convert_element_type3A_141, %cond3A_142 : i32
      scf.if %cond3A_143 {
        %dma_wait3A = arith.constant 0 : i32
        %dma_wait3A_152 = arith.constant 0 : i32
        %dma_wait3A_153 = tpu.memref_slice %arg3[%dma_wait3A, %dma_wait3A_152] : memref<50000x128xi32, #tpu.memory_space<hbm>> -> memref<16x128xi32, #tpu.memory_space<hbm>>
        %dma_wait3A_154 = arith.constant 0 : i32
        %dma_wait3A_155 = arith.constant 0 : i32
        %dma_wait3A_156 = tpu.memref_slice %arg3[%dma_wait3A_154, %dma_wait3A_155] : memref<50000x128xi32, #tpu.memory_space<hbm>> -> memref<16x128xi32, #tpu.memory_space<hbm>>
        tpu.wait_dma2 semaphore(%arg45 : memref<!tpu.dma_semaphore, #tpu.memory_space<semaphore_mem>>) src(%dma_wait3A_156 : memref<16x128xi32, #tpu.memory_space<hbm>>) dst(%arg27 : memref<16x128xi32, #tpu.memory_space<vmem>>)
        %dma_wait3A_157 = arith.constant 0 : i32
        %dma_wait3A_158 = arith.constant 0 : i32
        %dma_wait3A_159 = tpu.memref_slice %arg4[%dma_wait3A_157, %dma_wait3A_158] : memref<50000x128xi32, #tpu.memory_space<hbm>> -> memref<16x128xi32, #tpu.memory_space<hbm>>
        %dma_wait3A_160 = arith.constant 0 : i32
        %dma_wait3A_161 = arith.constant 0 : i32
        %dma_wait3A_162 = tpu.memref_slice %arg4[%dma_wait3A_160, %dma_wait3A_161] : memref<50000x128xi32, #tpu.memory_space<hbm>> -> memref<16x128xi32, #tpu.memory_space<hbm>>
        tpu.wait_dma2 semaphore(%arg45 : memref<!tpu.dma_semaphore, #tpu.memory_space<semaphore_mem>>) src(%dma_wait3A_162 : memref<16x128xi32, #tpu.memory_space<hbm>>) dst(%arg28 : memref<16x128xi32, #tpu.memory_space<vmem>>)
        %dma_wait3A_163 = arith.constant 0 : i32
        %dma_wait3A_164 = arith.constant 0 : i32
        %dma_wait3A_165 = tpu.memref_slice %arg5[%dma_wait3A_163, %dma_wait3A_164] : memref<50000x128xf32, #tpu.memory_space<hbm>> -> memref<16x128xf32, #tpu.memory_space<hbm>>
        %dma_wait3A_166 = arith.constant 0 : i32
        %dma_wait3A_167 = arith.constant 0 : i32
        %dma_wait3A_168 = tpu.memref_slice %arg5[%dma_wait3A_166, %dma_wait3A_167] : memref<50000x128xf32, #tpu.memory_space<hbm>> -> memref<16x128xf32, #tpu.memory_space<hbm>>
        tpu.wait_dma2 semaphore(%arg45 : memref<!tpu.dma_semaphore, #tpu.memory_space<semaphore_mem>>) src(%dma_wait3A_168 : memref<16x128xf32, #tpu.memory_space<hbm>>) dst(%arg29 : memref<16x128xf32, #tpu.memory_space<vmem>>)
        %dma_wait3A_169 = arith.constant 0 : i32
        %dma_wait3A_170 = arith.constant 0 : i32
        %dma_wait3A_171 = tpu.memref_slice %arg6[%dma_wait3A_169, %dma_wait3A_170] : memref<50000x128xf32, #tpu.memory_space<hbm>> -> memref<16x128xf32, #tpu.memory_space<hbm>>
        %dma_wait3A_172 = arith.constant 0 : i32
        %dma_wait3A_173 = arith.constant 0 : i32
        %dma_wait3A_174 = tpu.memref_slice %arg6[%dma_wait3A_172, %dma_wait3A_173] : memref<50000x128xf32, #tpu.memory_space<hbm>> -> memref<16x128xf32, #tpu.memory_space<hbm>>
        tpu.wait_dma2 semaphore(%arg45 : memref<!tpu.dma_semaphore, #tpu.memory_space<semaphore_mem>>) src(%dma_wait3A_174 : memref<16x128xf32, #tpu.memory_space<hbm>>) dst(%arg30 : memref<16x128xf32, #tpu.memory_space<vmem>>)
        %parallel_loop3A = arith.constant 0 : i32
        %parallel_loop3A_175 = arith.constant 128 : i32
        %parallel_loop3A_176 = arith.constant 1 : i32
        scf.for %parallel_loop3A_191 = %parallel_loop3A to %parallel_loop3A_175 step %parallel_loop3A_176  : i32 {
          %parallel_loop3A_192 = arith.constant 16 : i32
          %parallel_loop3A_193 = arith.muli %parallel_loop3A_191, %parallel_loop3A_192 : i32
          %parallel_loop3A_194 = arith.constant 3 : i32
          %parallel_loop3A_195 = arith.shrsi %parallel_loop3A_191, %parallel_loop3A_194 : i32
          %parallel_loop3A_196 = arith.constant 7 : i32
          %parallel_loop3A_197 = arith.andi %parallel_loop3A_191, %parallel_loop3A_196 : i32
          %parallel_loop3A_198 = arith.constant 4 : i32
          %parallel_loop3A_199 = arith.shli %parallel_loop3A_197, %parallel_loop3A_198 : i32
          %parallel_loop3A_200 = arith.index_cast %parallel_loop3A_195 : i32 to index
          %parallel_loop3A_201 = arith.index_cast %parallel_loop3A_199 : i32 to index
          %parallel_loop3A_202 = tpu.vector_load %arg27[%parallel_loop3A_200, %parallel_loop3A_201] {strides = array<i32>} : memref<16x128xi32, #tpu.memory_space<vmem>>, vector<16xi32>,
          %parallel_loop3A_203 = arith.index_cast %parallel_loop3A_193 : i32 to index
          %parallel_loop3A_204 = tpu.vector_load %arg31[%parallel_loop3A_203] {strides = array<i32>} : memref<2048xi32, #tpu.memory_space<vmem>>, vector<16xi32>,
          tpu.vector_store %arg31[%parallel_loop3A_203], %parallel_loop3A_202 {strides = array<i32>} : memref<2048xi32, #tpu.memory_space<vmem>>, vector<16xi32>,
          %parallel_loop3A_205 = arith.constant 2 : i32
          %parallel_loop3A_206 = vector.broadcast %parallel_loop3A_205 : i32 to vector<16xi32>
          %parallel_loop3A_207 = arith.shrsi %parallel_loop3A_202, %parallel_loop3A_206 : vector<16xi32>
          %parallel_loop3A_208 = tpu.vector_load_idx %arg14[%parallel_loop3A_207] : memref<25000xi32, #tpu.memory_space<vmem>>[vector<16xi32>], vector<16xi32>,
          %parallel_loop3A_209 = arith.constant 3 : i32
          %parallel_loop3A_210 = vector.broadcast %parallel_loop3A_209 : i32 to vector<16xi32>
          %parallel_loop3A_211 = arith.andi %parallel_loop3A_202, %parallel_loop3A_210 : vector<16xi32>
          %parallel_loop3A_212 = arith.constant 3 : i32
          %parallel_loop3A_213 = vector.broadcast %parallel_loop3A_212 : i32 to vector<16xi32>
          %parallel_loop3A_214 = arith.shli %parallel_loop3A_211, %parallel_loop3A_213 : vector<16xi32>
          %parallel_loop3A_215 = arith.shrsi %parallel_loop3A_208, %parallel_loop3A_214 : vector<16xi32>
          %parallel_loop3A_216 = arith.constant 255 : i32
          %parallel_loop3A_217 = vector.broadcast %parallel_loop3A_216 : i32 to vector<16xi32>
          %parallel_loop3A_218 = arith.andi %parallel_loop3A_215, %parallel_loop3A_217 : vector<16xi32>
          %parallel_loop3A_219 = arith.index_cast %parallel_loop3A_195 : i32 to index
          %parallel_loop3A_220 = arith.index_cast %parallel_loop3A_199 : i32 to index
          %parallel_loop3A_221 = tpu.vector_load %arg28[%parallel_loop3A_219, %parallel_loop3A_220] {strides = array<i32>} : memref<16x128xi32, #tpu.memory_space<vmem>>, vector<16xi32>,
          %parallel_loop3A_222 = arith.constant 2 : i32
          %parallel_loop3A_223 = vector.broadcast %parallel_loop3A_222 : i32 to vector<16xi32>
          %parallel_loop3A_224 = arith.shrsi %parallel_loop3A_221, %parallel_loop3A_223 : vector<16xi32>
          %parallel_loop3A_225 = tpu.vector_load_idx %arg14[%parallel_loop3A_224] : memref<25000xi32, #tpu.memory_space<vmem>>[vector<16xi32>], vector<16xi32>,
          %parallel_loop3A_226 = arith.constant 3 : i32
          %parallel_loop3A_227 = vector.broadcast %parallel_loop3A_226 : i32 to vector<16xi32>
          %parallel_loop3A_228 = arith.andi %parallel_loop3A_221, %parallel_loop3A_227 : vector<16xi32>
          %parallel_loop3A_229 = arith.constant 3 : i32
          %parallel_loop3A_230 = vector.broadcast %parallel_loop3A_229 : i32 to vector<16xi32>
          %parallel_loop3A_231 = arith.shli %parallel_loop3A_228, %parallel_loop3A_230 : vector<16xi32>
          %parallel_loop3A_232 = arith.shrsi %parallel_loop3A_225, %parallel_loop3A_231 : vector<16xi32>
          %parallel_loop3A_233 = arith.constant 255 : i32
          %parallel_loop3A_234 = vector.broadcast %parallel_loop3A_233 : i32 to vector<16xi32>
          %parallel_loop3A_235 = arith.andi %parallel_loop3A_232, %parallel_loop3A_234 : vector<16xi32>
          %parallel_loop3A_236 = arith.constant 87 : i32
          %parallel_loop3A_237 = vector.broadcast %parallel_loop3A_236 : i32 to vector<16xi32>
          %parallel_loop3A_238 = arith.muli %parallel_loop3A_218, %parallel_loop3A_237 : vector<16xi32>
          %parallel_loop3A_239 = arith.addi %parallel_loop3A_238, %parallel_loop3A_235 : vector<16xi32>
          %parallel_loop3A_240 = arith.index_cast %parallel_loop3A_195 : i32 to index
          %parallel_loop3A_241 = arith.index_cast %parallel_loop3A_199 : i32 to index
          %parallel_loop3A_242 = tpu.vector_load %arg29[%parallel_loop3A_240, %parallel_loop3A_241] {strides = array<i32>} : memref<16x128xf32, #tpu.memory_space<vmem>>, vector<16xf32>,
          %parallel_loop3A_243 = arith.index_cast %parallel_loop3A_195 : i32 to index
          %parallel_loop3A_244 = arith.index_cast %parallel_loop3A_199 : i32 to index
          %parallel_loop3A_245 = tpu.vector_load %arg30[%parallel_loop3A_243, %parallel_loop3A_244] {strides = array<i32>} : memref<16x128xf32, #tpu.memory_space<vmem>>, vector<16xf32>,
          %parallel_loop3A_246 = tpu.vector_load_idx %arg15[%parallel_loop3A_239] : memref<7569xf32, #tpu.memory_space<vmem>>[vector<16xi32>], vector<16xf32>,
          %parallel_loop3A_247 = tpu.vector_load_idx %arg16[%parallel_loop3A_239] : memref<7569xf32, #tpu.memory_space<vmem>>[vector<16xi32>], vector<16xf32>,
          %parallel_loop3A_248 = tpu.vector_load_idx %arg17[%parallel_loop3A_239] : memref<7569xf32, #tpu.memory_space<vmem>>[vector<16xi32>], vector<16xf32>,
          %parallel_loop3A_249 = tpu.vector_load_idx %arg18[%parallel_loop3A_239] : memref<7569xf32, #tpu.memory_space<vmem>>[vector<16xi32>], vector<16xf32>,
          %parallel_loop3A_250 = tpu.vector_load_idx %arg19[%parallel_loop3A_239] : memref<7569xf32, #tpu.memory_space<vmem>>[vector<16xi32>], vector<16xf32>,
          %parallel_loop3A_251 = arith.mulf %parallel_loop3A_242, %parallel_loop3A_242 : vector<16xf32>
          %parallel_loop3A_252 = arith.mulf %parallel_loop3A_246, %parallel_loop3A_251 : vector<16xf32>
          %parallel_loop3A_253 = math.exp %parallel_loop3A_252 : vector<16xf32>
          %parallel_loop3A_254 = arith.mulf %parallel_loop3A_253, %parallel_loop3A_252 : vector<16xf32>
          %parallel_loop3A_255 = arith.mulf %parallel_loop3A_254, %parallel_loop3A_252 : vector<16xf32>
          %parallel_loop3A_256 = arith.mulf %parallel_loop3A_255, %parallel_loop3A_252 : vector<16xf32>
          %parallel_loop3A_257 = arith.mulf %parallel_loop3A_256, %parallel_loop3A_252 : vector<16xf32>
          %parallel_loop3A_258 = arith.mulf %parallel_loop3A_257, %parallel_loop3A_252 : vector<16xf32>
          %parallel_loop3A_259 = arith.constant 1.000000e+00 : f32
          %parallel_loop3A_260 = vector.broadcast %parallel_loop3A_259 : f32 to vector<16xf32>
          %parallel_loop3A_261 = arith.subf %parallel_loop3A_260, %parallel_loop3A_253 : vector<16xf32>
          %parallel_loop3A_262 = arith.addf %parallel_loop3A_261, %parallel_loop3A_254 : vector<16xf32>
          %parallel_loop3A_263 = arith.constant 5.000000e-01 : f32
          %parallel_loop3A_264 = vector.broadcast %parallel_loop3A_263 : f32 to vector<16xf32>
          %parallel_loop3A_265 = arith.mulf %parallel_loop3A_264, %parallel_loop3A_255 : vector<16xf32>
          %parallel_loop3A_266 = arith.subf %parallel_loop3A_262, %parallel_loop3A_265 : vector<16xf32>
          %parallel_loop3A_267 = arith.constant 0.166666672 : f32
          %parallel_loop3A_268 = vector.broadcast %parallel_loop3A_267 : f32 to vector<16xf32>
          %parallel_loop3A_269 = arith.mulf %parallel_loop3A_268, %parallel_loop3A_256 : vector<16xf32>
          %parallel_loop3A_270 = arith.addf %parallel_loop3A_266, %parallel_loop3A_269 : vector<16xf32>
          %parallel_loop3A_271 = arith.constant 0.0416666679 : f32
          %parallel_loop3A_272 = vector.broadcast %parallel_loop3A_271 : f32 to vector<16xf32>
          %parallel_loop3A_273 = arith.mulf %parallel_loop3A_272, %parallel_loop3A_257 : vector<16xf32>
          %parallel_loop3A_274 = arith.subf %parallel_loop3A_270, %parallel_loop3A_273 : vector<16xf32>
          %parallel_loop3A_275 = arith.constant 0.00833333377 : f32
          %parallel_loop3A_276 = vector.broadcast %parallel_loop3A_275 : f32 to vector<16xf32>
          %parallel_loop3A_277 = arith.mulf %parallel_loop3A_276, %parallel_loop3A_258 : vector<16xf32>
          %parallel_loop3A_278 = arith.addf %parallel_loop3A_274, %parallel_loop3A_277 : vector<16xf32>
          %parallel_loop3A_279 = arith.constant 1.000000e+00 : f32
          %parallel_loop3A_280 = vector.broadcast %parallel_loop3A_279 : f32 to vector<16xf32>
          %parallel_loop3A_281 = arith.divf %parallel_loop3A_280, %parallel_loop3A_242 : vector<16xf32>
          %parallel_loop3A_282 = arith.mulf %parallel_loop3A_281, %parallel_loop3A_281 : vector<16xf32>
          %parallel_loop3A_283 = arith.mulf %parallel_loop3A_282, %parallel_loop3A_282 : vector<16xf32>
          %parallel_loop3A_284 = arith.mulf %parallel_loop3A_283, %parallel_loop3A_282 : vector<16xf32>
          %parallel_loop3A_285 = arith.mulf %parallel_loop3A_245, %parallel_loop3A_284 : vector<16xf32>
          %parallel_loop3A_286 = arith.mulf %parallel_loop3A_270, %parallel_loop3A_247 : vector<16xf32>
          %parallel_loop3A_287 = arith.mulf %parallel_loop3A_274, %parallel_loop3A_248 : vector<16xf32>
          %parallel_loop3A_288 = arith.mulf %parallel_loop3A_278, %parallel_loop3A_249 : vector<16xf32>
          %parallel_loop3A_289 = arith.mulf %parallel_loop3A_282, %parallel_loop3A_288 : vector<16xf32>
          %parallel_loop3A_290 = arith.addf %parallel_loop3A_287, %parallel_loop3A_289 : vector<16xf32>
          %parallel_loop3A_291 = arith.mulf %parallel_loop3A_282, %parallel_loop3A_290 : vector<16xf32>
          %parallel_loop3A_292 = arith.addf %parallel_loop3A_286, %parallel_loop3A_291 : vector<16xf32>
          %parallel_loop3A_293 = arith.mulf %parallel_loop3A_285, %parallel_loop3A_292 : vector<16xf32>
          %parallel_loop3A_294 = arith.index_cast %parallel_loop3A_193 : i32 to index
          %parallel_loop3A_295 = tpu.vector_load %arg32[%parallel_loop3A_294] {strides = array<i32>} : memref<2048xf32, #tpu.memory_space<vmem>>, vector<16xf32>,
          tpu.vector_store %arg32[%parallel_loop3A_294], %parallel_loop3A_293 {strides = array<i32>} : memref<2048xf32, #tpu.memory_space<vmem>>, vector<16xf32>,
          %parallel_loop3A_296 = arith.mulf %parallel_loop3A_250, %parallel_loop3A_253 : vector<16xf32>
          %parallel_loop3A_297 = arith.mulf %parallel_loop3A_296, %parallel_loop3A_281 : vector<16xf32>
          %parallel_loop3A_298 = arith.mulf %parallel_loop3A_297, %parallel_loop3A_245 : vector<16xf32>
          %parallel_loop3A_299 = arith.index_cast %parallel_loop3A_193 : i32 to index
          %parallel_loop3A_300 = tpu.vector_load %arg33[%parallel_loop3A_299] {strides = array<i32>} : memref<2048xf32, #tpu.memory_space<vmem>>, vector<16xf32>,
          tpu.vector_store %arg33[%parallel_loop3A_299], %parallel_loop3A_298 {strides = array<i32>} : memref<2048xf32, #tpu.memory_space<vmem>>, vector<16xf32>,
        } {sc.loop_unroll_factor = 8 : i64, sc.parallel_access}
        %dma_start3A_177 = arith.constant 0 : i32
        %dma_start3A_178 = tpu.memref_slice %arg42[%dma_start3A_177] : memref<100096xf32, #tpu.memory_space<vmem_shared>> -> memref<100096xf32, #tpu.memory_space<vmem_shared>>
        tpu.enqueue_indirect_dma source(%arg32 : memref<2048xf32, #tpu.memory_space<vmem>>) target(%dma_start3A_178 : memref<100096xf32, #tpu.memory_space<vmem_shared>>) offsets(%arg31 : memref<2048xi32, #tpu.memory_space<vmem>>) semaphore(%arg48 : memref<!tpu.dma_semaphore, #tpu.memory_space<semaphore_mem>>) {add = true}
        %dma_start3A_179 = arith.constant 0 : i32
        %dma_start3A_180 = tpu.memref_slice %arg43[%dma_start3A_179] : memref<100096xf32, #tpu.memory_space<vmem_shared>> -> memref<100096xf32, #tpu.memory_space<vmem_shared>>
        tpu.enqueue_indirect_dma source(%arg33 : memref<2048xf32, #tpu.memory_space<vmem>>) target(%dma_start3A_180 : memref<100096xf32, #tpu.memory_space<vmem_shared>>) offsets(%arg31 : memref<2048xi32, #tpu.memory_space<vmem>>) semaphore(%arg48 : memref<!tpu.dma_semaphore, #tpu.memory_space<semaphore_mem>>) {add = true}
        %ge3A = arith.constant 1 : i32
        %ge3A_181 = arith.cmpi sge, %add3A_139, %ge3A : i32
        %convert_element_type3A_182 = arith.extui %ge3A_181 : i1 to i32
        %cond3A_183 = arith.constant 0 : i32
        %cond3A_184 = arith.cmpi ne, %convert_element_type3A_182, %cond3A_183 : i32
        scf.if %cond3A_184 {
          %dma_wait3A_191 = arith.constant 0 : i32
          %dma_wait3A_192 = tpu.memref_slice %arg42[%dma_wait3A_191] : memref<100096xf32, #tpu.memory_space<vmem_shared>> -> memref<100096xf32, #tpu.memory_space<vmem_shared>>
          tpu.wait_indirect_dma semaphore(%arg47 : memref<!tpu.dma_semaphore, #tpu.memory_space<semaphore_mem>>) src(%arg25 : memref<2048xf32, #tpu.memory_space<vmem>>) dst(%dma_wait3A_192 : memref<100096xf32, #tpu.memory_space<vmem_shared>>)
          %dma_wait3A_193 = arith.constant 0 : i32
          %dma_wait3A_194 = tpu.memref_slice %arg43[%dma_wait3A_193] : memref<100096xf32, #tpu.memory_space<vmem_shared>> -> memref<100096xf32, #tpu.memory_space<vmem_shared>>
          tpu.wait_indirect_dma semaphore(%arg47 : memref<!tpu.dma_semaphore, #tpu.memory_space<semaphore_mem>>) src(%arg26 : memref<2048xf32, #tpu.memory_space<vmem>>) dst(%dma_wait3A_194 : memref<100096xf32, #tpu.memory_space<vmem_shared>>)
        } else {
        }
        %add3A_185 = arith.constant 2 : i32
        %add3A_186 = arith.addi %add3A_139, %add3A_185 : i32
        %lt3A_187 = arith.cmpi slt, %add3A_186, %add3A_13 : i32
        %convert_element_type3A_188 = arith.extui %lt3A_187 : i1 to i32
        %cond3A_189 = arith.constant 0 : i32
        %cond3A_190 = arith.cmpi ne, %convert_element_type3A_188, %cond3A_189 : i32
        scf.if %cond3A_190 {
          %add3A_191 = arith.constant 2 : i32
          %add3A_192 = arith.addi %add3A_139, %add3A_191 : i32
          %mul3A_193 = arith.constant 32 : i32
          %mul3A_194 = arith.muli %mul3A_193, %add3A_192 : i32
          %add3A_195 = arith.addi %add3A, %mul3A_194 : i32
          %mul3A_196 = arith.constant 16 : i32
          %mul3A_197 = arith.muli %add3A_195, %mul3A_196 : i32
          %dma_start3A_198 = arith.constant 0 : i32
          %dma_start3A_199 = tpu.memref_slice %arg3[%mul3A_197, %dma_start3A_198] : memref<50000x128xi32, #tpu.memory_space<hbm>> -> memref<16x128xi32, #tpu.memory_space<hbm>>
          %dma_start3A_200 = arith.constant 0 : i32
          %dma_start3A_201 = tpu.memref_slice %arg3[%mul3A_197, %dma_start3A_200] : memref<50000x128xi32, #tpu.memory_space<hbm>> -> memref<16x128xi32, #tpu.memory_space<hbm>>
          tpu.enqueue_dma source(%dma_start3A_201 : memref<16x128xi32, #tpu.memory_space<hbm>>) target(%arg20 : memref<16x128xi32, #tpu.memory_space<vmem>>) target_semaphore(%arg44 : memref<!tpu.dma_semaphore, #tpu.memory_space<semaphore_mem>>)
          %dma_start3A_202 = arith.constant 0 : i32
          %dma_start3A_203 = tpu.memref_slice %arg4[%mul3A_197, %dma_start3A_202] : memref<50000x128xi32, #tpu.memory_space<hbm>> -> memref<16x128xi32, #tpu.memory_space<hbm>>
          %dma_start3A_204 = arith.constant 0 : i32
          %dma_start3A_205 = tpu.memref_slice %arg4[%mul3A_197, %dma_start3A_204] : memref<50000x128xi32, #tpu.memory_space<hbm>> -> memref<16x128xi32, #tpu.memory_space<hbm>>
          tpu.enqueue_dma source(%dma_start3A_205 : memref<16x128xi32, #tpu.memory_space<hbm>>) target(%arg21 : memref<16x128xi32, #tpu.memory_space<vmem>>) target_semaphore(%arg44 : memref<!tpu.dma_semaphore, #tpu.memory_space<semaphore_mem>>)
          %dma_start3A_206 = arith.constant 0 : i32
          %dma_start3A_207 = tpu.memref_slice %arg5[%mul3A_197, %dma_start3A_206] : memref<50000x128xf32, #tpu.memory_space<hbm>> -> memref<16x128xf32, #tpu.memory_space<hbm>>
          %dma_start3A_208 = arith.constant 0 : i32
          %dma_start3A_209 = tpu.memref_slice %arg5[%mul3A_197, %dma_start3A_208] : memref<50000x128xf32, #tpu.memory_space<hbm>> -> memref<16x128xf32, #tpu.memory_space<hbm>>
          tpu.enqueue_dma source(%dma_start3A_209 : memref<16x128xf32, #tpu.memory_space<hbm>>) target(%arg22 : memref<16x128xf32, #tpu.memory_space<vmem>>) target_semaphore(%arg44 : memref<!tpu.dma_semaphore, #tpu.memory_space<semaphore_mem>>)
          %dma_start3A_210 = arith.constant 0 : i32
          %dma_start3A_211 = tpu.memref_slice %arg6[%mul3A_197, %dma_start3A_210] : memref<50000x128xf32, #tpu.memory_space<hbm>> -> memref<16x128xf32, #tpu.memory_space<hbm>>
          %dma_start3A_212 = arith.constant 0 : i32
          %dma_start3A_213 = tpu.memref_slice %arg6[%mul3A_197, %dma_start3A_212] : memref<50000x128xf32, #tpu.memory_space<hbm>> -> memref<16x128xf32, #tpu.memory_space<hbm>>
          tpu.enqueue_dma source(%dma_start3A_213 : memref<16x128xf32, #tpu.memory_space<hbm>>) target(%arg23 : memref<16x128xf32, #tpu.memory_space<vmem>>) target_semaphore(%arg44 : memref<!tpu.dma_semaphore, #tpu.memory_space<semaphore_mem>>)
        } else {
        }
      } else {
      }
      %mul3A_144 = arith.constant 3 : i32
      %mul3A_145 = arith.muli %mul3A_144, %scan3A_129 : i32
      %add3A_146 = arith.constant 2 : i32
      %add3A_147 = arith.addi %mul3A_145, %add3A_146 : i32
      %lt3A_148 = arith.cmpi slt, %add3A_147, %add3A_13 : i32
      %convert_element_type3A_149 = arith.extui %lt3A_148 : i1 to i32
      %cond3A_150 = arith.constant 0 : i32
      %cond3A_151 = arith.cmpi ne, %convert_element_type3A_149, %cond3A_150 : i32
      scf.if %cond3A_151 {
        %dma_wait3A = arith.constant 0 : i32
        %dma_wait3A_152 = arith.constant 0 : i32
        %dma_wait3A_153 = tpu.memref_slice %arg3[%dma_wait3A, %dma_wait3A_152] : memref<50000x128xi32, #tpu.memory_space<hbm>> -> memref<16x128xi32, #tpu.memory_space<hbm>>
        %dma_wait3A_154 = arith.constant 0 : i32
        %dma_wait3A_155 = arith.constant 0 : i32
        %dma_wait3A_156 = tpu.memref_slice %arg3[%dma_wait3A_154, %dma_wait3A_155] : memref<50000x128xi32, #tpu.memory_space<hbm>> -> memref<16x128xi32, #tpu.memory_space<hbm>>
        tpu.wait_dma2 semaphore(%arg46 : memref<!tpu.dma_semaphore, #tpu.memory_space<semaphore_mem>>) src(%dma_wait3A_156 : memref<16x128xi32, #tpu.memory_space<hbm>>) dst(%arg34 : memref<16x128xi32, #tpu.memory_space<vmem>>)
        %dma_wait3A_157 = arith.constant 0 : i32
        %dma_wait3A_158 = arith.constant 0 : i32
        %dma_wait3A_159 = tpu.memref_slice %arg4[%dma_wait3A_157, %dma_wait3A_158] : memref<50000x128xi32, #tpu.memory_space<hbm>> -> memref<16x128xi32, #tpu.memory_space<hbm>>
        %dma_wait3A_160 = arith.constant 0 : i32
        %dma_wait3A_161 = arith.constant 0 : i32
        %dma_wait3A_162 = tpu.memref_slice %arg4[%dma_wait3A_160, %dma_wait3A_161] : memref<50000x128xi32, #tpu.memory_space<hbm>> -> memref<16x128xi32, #tpu.memory_space<hbm>>
        tpu.wait_dma2 semaphore(%arg46 : memref<!tpu.dma_semaphore, #tpu.memory_space<semaphore_mem>>) src(%dma_wait3A_162 : memref<16x128xi32, #tpu.memory_space<hbm>>) dst(%arg35 : memref<16x128xi32, #tpu.memory_space<vmem>>)
        %dma_wait3A_163 = arith.constant 0 : i32
        %dma_wait3A_164 = arith.constant 0 : i32
        %dma_wait3A_165 = tpu.memref_slice %arg5[%dma_wait3A_163, %dma_wait3A_164] : memref<50000x128xf32, #tpu.memory_space<hbm>> -> memref<16x128xf32, #tpu.memory_space<hbm>>
        %dma_wait3A_166 = arith.constant 0 : i32
        %dma_wait3A_167 = arith.constant 0 : i32
        %dma_wait3A_168 = tpu.memref_slice %arg5[%dma_wait3A_166, %dma_wait3A_167] : memref<50000x128xf32, #tpu.memory_space<hbm>> -> memref<16x128xf32, #tpu.memory_space<hbm>>
        tpu.wait_dma2 semaphore(%arg46 : memref<!tpu.dma_semaphore, #tpu.memory_space<semaphore_mem>>) src(%dma_wait3A_168 : memref<16x128xf32, #tpu.memory_space<hbm>>) dst(%arg36 : memref<16x128xf32, #tpu.memory_space<vmem>>)
        %dma_wait3A_169 = arith.constant 0 : i32
        %dma_wait3A_170 = arith.constant 0 : i32
        %dma_wait3A_171 = tpu.memref_slice %arg6[%dma_wait3A_169, %dma_wait3A_170] : memref<50000x128xf32, #tpu.memory_space<hbm>> -> memref<16x128xf32, #tpu.memory_space<hbm>>
        %dma_wait3A_172 = arith.constant 0 : i32
        %dma_wait3A_173 = arith.constant 0 : i32
        %dma_wait3A_174 = tpu.memref_slice %arg6[%dma_wait3A_172, %dma_wait3A_173] : memref<50000x128xf32, #tpu.memory_space<hbm>> -> memref<16x128xf32, #tpu.memory_space<hbm>>
        tpu.wait_dma2 semaphore(%arg46 : memref<!tpu.dma_semaphore, #tpu.memory_space<semaphore_mem>>) src(%dma_wait3A_174 : memref<16x128xf32, #tpu.memory_space<hbm>>) dst(%arg37 : memref<16x128xf32, #tpu.memory_space<vmem>>)
        %parallel_loop3A = arith.constant 0 : i32
        %parallel_loop3A_175 = arith.constant 128 : i32
        %parallel_loop3A_176 = arith.constant 1 : i32
        scf.for %parallel_loop3A_191 = %parallel_loop3A to %parallel_loop3A_175 step %parallel_loop3A_176  : i32 {
          %parallel_loop3A_192 = arith.constant 16 : i32
          %parallel_loop3A_193 = arith.muli %parallel_loop3A_191, %parallel_loop3A_192 : i32
          %parallel_loop3A_194 = arith.constant 3 : i32
          %parallel_loop3A_195 = arith.shrsi %parallel_loop3A_191, %parallel_loop3A_194 : i32
          %parallel_loop3A_196 = arith.constant 7 : i32
          %parallel_loop3A_197 = arith.andi %parallel_loop3A_191, %parallel_loop3A_196 : i32
          %parallel_loop3A_198 = arith.constant 4 : i32
          %parallel_loop3A_199 = arith.shli %parallel_loop3A_197, %parallel_loop3A_198 : i32
          %parallel_loop3A_200 = arith.index_cast %parallel_loop3A_195 : i32 to index
          %parallel_loop3A_201 = arith.index_cast %parallel_loop3A_199 : i32 to index
          %parallel_loop3A_202 = tpu.vector_load %arg34[%parallel_loop3A_200, %parallel_loop3A_201] {strides = array<i32>} : memref<16x128xi32, #tpu.memory_space<vmem>>, vector<16xi32>,
          %parallel_loop3A_203 = arith.index_cast %parallel_loop3A_193 : i32 to index
          %parallel_loop3A_204 = tpu.vector_load %arg38[%parallel_loop3A_203] {strides = array<i32>} : memref<2048xi32, #tpu.memory_space<vmem>>, vector<16xi32>,
          tpu.vector_store %arg38[%parallel_loop3A_203], %parallel_loop3A_202 {strides = array<i32>} : memref<2048xi32, #tpu.memory_space<vmem>>, vector<16xi32>,
          %parallel_loop3A_205 = arith.constant 2 : i32
          %parallel_loop3A_206 = vector.broadcast %parallel_loop3A_205 : i32 to vector<16xi32>
          %parallel_loop3A_207 = arith.shrsi %parallel_loop3A_202, %parallel_loop3A_206 : vector<16xi32>
          %parallel_loop3A_208 = tpu.vector_load_idx %arg14[%parallel_loop3A_207] : memref<25000xi32, #tpu.memory_space<vmem>>[vector<16xi32>], vector<16xi32>,
          %parallel_loop3A_209 = arith.constant 3 : i32
          %parallel_loop3A_210 = vector.broadcast %parallel_loop3A_209 : i32 to vector<16xi32>
          %parallel_loop3A_211 = arith.andi %parallel_loop3A_202, %parallel_loop3A_210 : vector<16xi32>
          %parallel_loop3A_212 = arith.constant 3 : i32
          %parallel_loop3A_213 = vector.broadcast %parallel_loop3A_212 : i32 to vector<16xi32>
          %parallel_loop3A_214 = arith.shli %parallel_loop3A_211, %parallel_loop3A_213 : vector<16xi32>
          %parallel_loop3A_215 = arith.shrsi %parallel_loop3A_208, %parallel_loop3A_214 : vector<16xi32>
          %parallel_loop3A_216 = arith.constant 255 : i32
          %parallel_loop3A_217 = vector.broadcast %parallel_loop3A_216 : i32 to vector<16xi32>
          %parallel_loop3A_218 = arith.andi %parallel_loop3A_215, %parallel_loop3A_217 : vector<16xi32>
          %parallel_loop3A_219 = arith.index_cast %parallel_loop3A_195 : i32 to index
          %parallel_loop3A_220 = arith.index_cast %parallel_loop3A_199 : i32 to index
          %parallel_loop3A_221 = tpu.vector_load %arg35[%parallel_loop3A_219, %parallel_loop3A_220] {strides = array<i32>} : memref<16x128xi32, #tpu.memory_space<vmem>>, vector<16xi32>,
          %parallel_loop3A_222 = arith.constant 2 : i32
          %parallel_loop3A_223 = vector.broadcast %parallel_loop3A_222 : i32 to vector<16xi32>
          %parallel_loop3A_224 = arith.shrsi %parallel_loop3A_221, %parallel_loop3A_223 : vector<16xi32>
          %parallel_loop3A_225 = tpu.vector_load_idx %arg14[%parallel_loop3A_224] : memref<25000xi32, #tpu.memory_space<vmem>>[vector<16xi32>], vector<16xi32>,
          %parallel_loop3A_226 = arith.constant 3 : i32
          %parallel_loop3A_227 = vector.broadcast %parallel_loop3A_226 : i32 to vector<16xi32>
          %parallel_loop3A_228 = arith.andi %parallel_loop3A_221, %parallel_loop3A_227 : vector<16xi32>
          %parallel_loop3A_229 = arith.constant 3 : i32
          %parallel_loop3A_230 = vector.broadcast %parallel_loop3A_229 : i32 to vector<16xi32>
          %parallel_loop3A_231 = arith.shli %parallel_loop3A_228, %parallel_loop3A_230 : vector<16xi32>
          %parallel_loop3A_232 = arith.shrsi %parallel_loop3A_225, %parallel_loop3A_231 : vector<16xi32>
          %parallel_loop3A_233 = arith.constant 255 : i32
          %parallel_loop3A_234 = vector.broadcast %parallel_loop3A_233 : i32 to vector<16xi32>
          %parallel_loop3A_235 = arith.andi %parallel_loop3A_232, %parallel_loop3A_234 : vector<16xi32>
          %parallel_loop3A_236 = arith.constant 87 : i32
          %parallel_loop3A_237 = vector.broadcast %parallel_loop3A_236 : i32 to vector<16xi32>
          %parallel_loop3A_238 = arith.muli %parallel_loop3A_218, %parallel_loop3A_237 : vector<16xi32>
          %parallel_loop3A_239 = arith.addi %parallel_loop3A_238, %parallel_loop3A_235 : vector<16xi32>
          %parallel_loop3A_240 = arith.index_cast %parallel_loop3A_195 : i32 to index
          %parallel_loop3A_241 = arith.index_cast %parallel_loop3A_199 : i32 to index
          %parallel_loop3A_242 = tpu.vector_load %arg36[%parallel_loop3A_240, %parallel_loop3A_241] {strides = array<i32>} : memref<16x128xf32, #tpu.memory_space<vmem>>, vector<16xf32>,
          %parallel_loop3A_243 = arith.index_cast %parallel_loop3A_195 : i32 to index
          %parallel_loop3A_244 = arith.index_cast %parallel_loop3A_199 : i32 to index
          %parallel_loop3A_245 = tpu.vector_load %arg37[%parallel_loop3A_243, %parallel_loop3A_244] {strides = array<i32>} : memref<16x128xf32, #tpu.memory_space<vmem>>, vector<16xf32>,
          %parallel_loop3A_246 = tpu.vector_load_idx %arg15[%parallel_loop3A_239] : memref<7569xf32, #tpu.memory_space<vmem>>[vector<16xi32>], vector<16xf32>,
          %parallel_loop3A_247 = tpu.vector_load_idx %arg16[%parallel_loop3A_239] : memref<7569xf32, #tpu.memory_space<vmem>>[vector<16xi32>], vector<16xf32>,
          %parallel_loop3A_248 = tpu.vector_load_idx %arg17[%parallel_loop3A_239] : memref<7569xf32, #tpu.memory_space<vmem>>[vector<16xi32>], vector<16xf32>,
          %parallel_loop3A_249 = tpu.vector_load_idx %arg18[%parallel_loop3A_239] : memref<7569xf32, #tpu.memory_space<vmem>>[vector<16xi32>], vector<16xf32>,
          %parallel_loop3A_250 = tpu.vector_load_idx %arg19[%parallel_loop3A_239] : memref<7569xf32, #tpu.memory_space<vmem>>[vector<16xi32>], vector<16xf32>,
          %parallel_loop3A_251 = arith.mulf %parallel_loop3A_242, %parallel_loop3A_242 : vector<16xf32>
          %parallel_loop3A_252 = arith.mulf %parallel_loop3A_246, %parallel_loop3A_251 : vector<16xf32>
          %parallel_loop3A_253 = math.exp %parallel_loop3A_252 : vector<16xf32>
          %parallel_loop3A_254 = arith.mulf %parallel_loop3A_253, %parallel_loop3A_252 : vector<16xf32>
          %parallel_loop3A_255 = arith.mulf %parallel_loop3A_254, %parallel_loop3A_252 : vector<16xf32>
          %parallel_loop3A_256 = arith.mulf %parallel_loop3A_255, %parallel_loop3A_252 : vector<16xf32>
          %parallel_loop3A_257 = arith.mulf %parallel_loop3A_256, %parallel_loop3A_252 : vector<16xf32>
          %parallel_loop3A_258 = arith.mulf %parallel_loop3A_257, %parallel_loop3A_252 : vector<16xf32>
          %parallel_loop3A_259 = arith.constant 1.000000e+00 : f32
          %parallel_loop3A_260 = vector.broadcast %parallel_loop3A_259 : f32 to vector<16xf32>
          %parallel_loop3A_261 = arith.subf %parallel_loop3A_260, %parallel_loop3A_253 : vector<16xf32>
          %parallel_loop3A_262 = arith.addf %parallel_loop3A_261, %parallel_loop3A_254 : vector<16xf32>
          %parallel_loop3A_263 = arith.constant 5.000000e-01 : f32
          %parallel_loop3A_264 = vector.broadcast %parallel_loop3A_263 : f32 to vector<16xf32>
          %parallel_loop3A_265 = arith.mulf %parallel_loop3A_264, %parallel_loop3A_255 : vector<16xf32>
          %parallel_loop3A_266 = arith.subf %parallel_loop3A_262, %parallel_loop3A_265 : vector<16xf32>
          %parallel_loop3A_267 = arith.constant 0.166666672 : f32
          %parallel_loop3A_268 = vector.broadcast %parallel_loop3A_267 : f32 to vector<16xf32>
          %parallel_loop3A_269 = arith.mulf %parallel_loop3A_268, %parallel_loop3A_256 : vector<16xf32>
          %parallel_loop3A_270 = arith.addf %parallel_loop3A_266, %parallel_loop3A_269 : vector<16xf32>
          %parallel_loop3A_271 = arith.constant 0.0416666679 : f32
          %parallel_loop3A_272 = vector.broadcast %parallel_loop3A_271 : f32 to vector<16xf32>
          %parallel_loop3A_273 = arith.mulf %parallel_loop3A_272, %parallel_loop3A_257 : vector<16xf32>
          %parallel_loop3A_274 = arith.subf %parallel_loop3A_270, %parallel_loop3A_273 : vector<16xf32>
          %parallel_loop3A_275 = arith.constant 0.00833333377 : f32
          %parallel_loop3A_276 = vector.broadcast %parallel_loop3A_275 : f32 to vector<16xf32>
          %parallel_loop3A_277 = arith.mulf %parallel_loop3A_276, %parallel_loop3A_258 : vector<16xf32>
          %parallel_loop3A_278 = arith.addf %parallel_loop3A_274, %parallel_loop3A_277 : vector<16xf32>
          %parallel_loop3A_279 = arith.constant 1.000000e+00 : f32
          %parallel_loop3A_280 = vector.broadcast %parallel_loop3A_279 : f32 to vector<16xf32>
          %parallel_loop3A_281 = arith.divf %parallel_loop3A_280, %parallel_loop3A_242 : vector<16xf32>
          %parallel_loop3A_282 = arith.mulf %parallel_loop3A_281, %parallel_loop3A_281 : vector<16xf32>
          %parallel_loop3A_283 = arith.mulf %parallel_loop3A_282, %parallel_loop3A_282 : vector<16xf32>
          %parallel_loop3A_284 = arith.mulf %parallel_loop3A_283, %parallel_loop3A_282 : vector<16xf32>
          %parallel_loop3A_285 = arith.mulf %parallel_loop3A_245, %parallel_loop3A_284 : vector<16xf32>
          %parallel_loop3A_286 = arith.mulf %parallel_loop3A_270, %parallel_loop3A_247 : vector<16xf32>
          %parallel_loop3A_287 = arith.mulf %parallel_loop3A_274, %parallel_loop3A_248 : vector<16xf32>
          %parallel_loop3A_288 = arith.mulf %parallel_loop3A_278, %parallel_loop3A_249 : vector<16xf32>
          %parallel_loop3A_289 = arith.mulf %parallel_loop3A_282, %parallel_loop3A_288 : vector<16xf32>
          %parallel_loop3A_290 = arith.addf %parallel_loop3A_287, %parallel_loop3A_289 : vector<16xf32>
          %parallel_loop3A_291 = arith.mulf %parallel_loop3A_282, %parallel_loop3A_290 : vector<16xf32>
          %parallel_loop3A_292 = arith.addf %parallel_loop3A_286, %parallel_loop3A_291 : vector<16xf32>
          %parallel_loop3A_293 = arith.mulf %parallel_loop3A_285, %parallel_loop3A_292 : vector<16xf32>
          %parallel_loop3A_294 = arith.index_cast %parallel_loop3A_193 : i32 to index
          %parallel_loop3A_295 = tpu.vector_load %arg39[%parallel_loop3A_294] {strides = array<i32>} : memref<2048xf32, #tpu.memory_space<vmem>>, vector<16xf32>,
          tpu.vector_store %arg39[%parallel_loop3A_294], %parallel_loop3A_293 {strides = array<i32>} : memref<2048xf32, #tpu.memory_space<vmem>>, vector<16xf32>,
          %parallel_loop3A_296 = arith.mulf %parallel_loop3A_250, %parallel_loop3A_253 : vector<16xf32>
          %parallel_loop3A_297 = arith.mulf %parallel_loop3A_296, %parallel_loop3A_281 : vector<16xf32>
          %parallel_loop3A_298 = arith.mulf %parallel_loop3A_297, %parallel_loop3A_245 : vector<16xf32>
          %parallel_loop3A_299 = arith.index_cast %parallel_loop3A_193 : i32 to index
          %parallel_loop3A_300 = tpu.vector_load %arg40[%parallel_loop3A_299] {strides = array<i32>} : memref<2048xf32, #tpu.memory_space<vmem>>, vector<16xf32>,
          tpu.vector_store %arg40[%parallel_loop3A_299], %parallel_loop3A_298 {strides = array<i32>} : memref<2048xf32, #tpu.memory_space<vmem>>, vector<16xf32>,
        } {sc.loop_unroll_factor = 8 : i64, sc.parallel_access}
        %dma_start3A_177 = arith.constant 0 : i32
        %dma_start3A_178 = tpu.memref_slice %arg42[%dma_start3A_177] : memref<100096xf32, #tpu.memory_space<vmem_shared>> -> memref<100096xf32, #tpu.memory_space<vmem_shared>>
        tpu.enqueue_indirect_dma source(%arg39 : memref<2048xf32, #tpu.memory_space<vmem>>) target(%dma_start3A_178 : memref<100096xf32, #tpu.memory_space<vmem_shared>>) offsets(%arg38 : memref<2048xi32, #tpu.memory_space<vmem>>) semaphore(%arg49 : memref<!tpu.dma_semaphore, #tpu.memory_space<semaphore_mem>>) {add = true}
        %dma_start3A_179 = arith.constant 0 : i32
        %dma_start3A_180 = tpu.memref_slice %arg43[%dma_start3A_179] : memref<100096xf32, #tpu.memory_space<vmem_shared>> -> memref<100096xf32, #tpu.memory_space<vmem_shared>>
        tpu.enqueue_indirect_dma source(%arg40 : memref<2048xf32, #tpu.memory_space<vmem>>) target(%dma_start3A_180 : memref<100096xf32, #tpu.memory_space<vmem_shared>>) offsets(%arg38 : memref<2048xi32, #tpu.memory_space<vmem>>) semaphore(%arg49 : memref<!tpu.dma_semaphore, #tpu.memory_space<semaphore_mem>>) {add = true}
        %ge3A = arith.constant 1 : i32
        %ge3A_181 = arith.cmpi sge, %add3A_147, %ge3A : i32
        %convert_element_type3A_182 = arith.extui %ge3A_181 : i1 to i32
        %cond3A_183 = arith.constant 0 : i32
        %cond3A_184 = arith.cmpi ne, %convert_element_type3A_182, %cond3A_183 : i32
        scf.if %cond3A_184 {
          %dma_wait3A_191 = arith.constant 0 : i32
          %dma_wait3A_192 = tpu.memref_slice %arg42[%dma_wait3A_191] : memref<100096xf32, #tpu.memory_space<vmem_shared>> -> memref<100096xf32, #tpu.memory_space<vmem_shared>>
          tpu.wait_indirect_dma semaphore(%arg48 : memref<!tpu.dma_semaphore, #tpu.memory_space<semaphore_mem>>) src(%arg32 : memref<2048xf32, #tpu.memory_space<vmem>>) dst(%dma_wait3A_192 : memref<100096xf32, #tpu.memory_space<vmem_shared>>)
          %dma_wait3A_193 = arith.constant 0 : i32
          %dma_wait3A_194 = tpu.memref_slice %arg43[%dma_wait3A_193] : memref<100096xf32, #tpu.memory_space<vmem_shared>> -> memref<100096xf32, #tpu.memory_space<vmem_shared>>
          tpu.wait_indirect_dma semaphore(%arg48 : memref<!tpu.dma_semaphore, #tpu.memory_space<semaphore_mem>>) src(%arg33 : memref<2048xf32, #tpu.memory_space<vmem>>) dst(%dma_wait3A_194 : memref<100096xf32, #tpu.memory_space<vmem_shared>>)
        } else {
        }
        %add3A_185 = arith.constant 2 : i32
        %add3A_186 = arith.addi %add3A_147, %add3A_185 : i32
        %lt3A_187 = arith.cmpi slt, %add3A_186, %add3A_13 : i32
        %convert_element_type3A_188 = arith.extui %lt3A_187 : i1 to i32
        %cond3A_189 = arith.constant 0 : i32
        %cond3A_190 = arith.cmpi ne, %convert_element_type3A_188, %cond3A_189 : i32
        scf.if %cond3A_190 {
          %add3A_191 = arith.constant 2 : i32
          %add3A_192 = arith.addi %add3A_147, %add3A_191 : i32
          %mul3A_193 = arith.constant 32 : i32
          %mul3A_194 = arith.muli %mul3A_193, %add3A_192 : i32
          %add3A_195 = arith.addi %add3A, %mul3A_194 : i32
          %mul3A_196 = arith.constant 16 : i32
          %mul3A_197 = arith.muli %add3A_195, %mul3A_196 : i32
          %dma_start3A_198 = arith.constant 0 : i32
          %dma_start3A_199 = tpu.memref_slice %arg3[%mul3A_197, %dma_start3A_198] : memref<50000x128xi32, #tpu.memory_space<hbm>> -> memref<16x128xi32, #tpu.memory_space<hbm>>
          %dma_start3A_200 = arith.constant 0 : i32
          %dma_start3A_201 = tpu.memref_slice %arg3[%mul3A_197, %dma_start3A_200] : memref<50000x128xi32, #tpu.memory_space<hbm>> -> memref<16x128xi32, #tpu.memory_space<hbm>>
          tpu.enqueue_dma source(%dma_start3A_201 : memref<16x128xi32, #tpu.memory_space<hbm>>) target(%arg27 : memref<16x128xi32, #tpu.memory_space<vmem>>) target_semaphore(%arg45 : memref<!tpu.dma_semaphore, #tpu.memory_space<semaphore_mem>>)
          %dma_start3A_202 = arith.constant 0 : i32
          %dma_start3A_203 = tpu.memref_slice %arg4[%mul3A_197, %dma_start3A_202] : memref<50000x128xi32, #tpu.memory_space<hbm>> -> memref<16x128xi32, #tpu.memory_space<hbm>>
          %dma_start3A_204 = arith.constant 0 : i32
          %dma_start3A_205 = tpu.memref_slice %arg4[%mul3A_197, %dma_start3A_204] : memref<50000x128xi32, #tpu.memory_space<hbm>> -> memref<16x128xi32, #tpu.memory_space<hbm>>
          tpu.enqueue_dma source(%dma_start3A_205 : memref<16x128xi32, #tpu.memory_space<hbm>>) target(%arg28 : memref<16x128xi32, #tpu.memory_space<vmem>>) target_semaphore(%arg45 : memref<!tpu.dma_semaphore, #tpu.memory_space<semaphore_mem>>)
          %dma_start3A_206 = arith.constant 0 : i32
          %dma_start3A_207 = tpu.memref_slice %arg5[%mul3A_197, %dma_start3A_206] : memref<50000x128xf32, #tpu.memory_space<hbm>> -> memref<16x128xf32, #tpu.memory_space<hbm>>
          %dma_start3A_208 = arith.constant 0 : i32
          %dma_start3A_209 = tpu.memref_slice %arg5[%mul3A_197, %dma_start3A_208] : memref<50000x128xf32, #tpu.memory_space<hbm>> -> memref<16x128xf32, #tpu.memory_space<hbm>>
          tpu.enqueue_dma source(%dma_start3A_209 : memref<16x128xf32, #tpu.memory_space<hbm>>) target(%arg29 : memref<16x128xf32, #tpu.memory_space<vmem>>) target_semaphore(%arg45 : memref<!tpu.dma_semaphore, #tpu.memory_space<semaphore_mem>>)
          %dma_start3A_210 = arith.constant 0 : i32
          %dma_start3A_211 = tpu.memref_slice %arg6[%mul3A_197, %dma_start3A_210] : memref<50000x128xf32, #tpu.memory_space<hbm>> -> memref<16x128xf32, #tpu.memory_space<hbm>>
          %dma_start3A_212 = arith.constant 0 : i32
          %dma_start3A_213 = tpu.memref_slice %arg6[%mul3A_197, %dma_start3A_212] : memref<50000x128xf32, #tpu.memory_space<hbm>> -> memref<16x128xf32, #tpu.memory_space<hbm>>
          tpu.enqueue_dma source(%dma_start3A_213 : memref<16x128xf32, #tpu.memory_space<hbm>>) target(%arg30 : memref<16x128xf32, #tpu.memory_space<vmem>>) target_semaphore(%arg45 : memref<!tpu.dma_semaphore, #tpu.memory_space<semaphore_mem>>)
        } else {
        }
      } else {
      }
    }
    %scan3A_58 = arith.constant 33 : i32
    %sub3A = arith.constant 1 : i32
    %sub3A_59 = arith.subi %add3A_13, %sub3A : i32
    %jit3A_60 = arith.constant 3 : i32
    %eq3A = arith.constant 0 : i32
    %eq3A_61 = arith.cmpi eq, %jit3A_60, %eq3A : i32
    %jit3A_62 = arith.constant 1 : i32
    %select_n3A_63 = arith.select %eq3A_61, %jit3A_62, %jit3A_60 : i32
    %rem3A = arith.remsi %sub3A_59, %select_n3A_63 : i32
    %ne3A = arith.constant 0 : i32
    %ne3A_64 = arith.cmpi ne, %rem3A, %ne3A : i32
    %lt3A_65 = arith.constant 0 : i32
    %lt3A_66 = arith.cmpi slt, %rem3A, %lt3A_65 : i32
    %lt3A_67 = arith.constant 0 : i32
    %lt3A_68 = arith.cmpi slt, %select_n3A_63, %lt3A_67 : i32
    %ne3A_69 = arith.xori %lt3A_66, %lt3A_68 : i1
    %and3A = arith.andi %ne3A_69, %ne3A_64 : i1
    %add3A_70 = arith.addi %rem3A, %select_n3A_63 : i32
    %select_n3A_71 = arith.select %and3A, %add3A_70, %rem3A : i32
    %eq3A_72 = arith.constant 0 : i32
    %eq3A_73 = arith.cmpi eq, %select_n3A_71, %eq3A_72 : i32
    %convert_element_type3A = arith.extui %eq3A_73 : i1 to i32
    %cond3A = arith.constant 0 : i32
    %cond3A_74 = arith.cmpi ne, %convert_element_type3A, %cond3A : i32
    scf.if %cond3A_74 {
      %dma_wait3A = arith.constant 0 : i32
      %dma_wait3A_129 = tpu.memref_slice %arg42[%dma_wait3A] : memref<100096xf32, #tpu.memory_space<vmem_shared>> -> memref<100096xf32, #tpu.memory_space<vmem_shared>>
      tpu.wait_indirect_dma semaphore(%arg47 : memref<!tpu.dma_semaphore, #tpu.memory_space<semaphore_mem>>) src(%arg25 : memref<2048xf32, #tpu.memory_space<vmem>>) dst(%dma_wait3A_129 : memref<100096xf32, #tpu.memory_space<vmem_shared>>)
      %dma_wait3A_130 = arith.constant 0 : i32
      %dma_wait3A_131 = tpu.memref_slice %arg43[%dma_wait3A_130] : memref<100096xf32, #tpu.memory_space<vmem_shared>> -> memref<100096xf32, #tpu.memory_space<vmem_shared>>
      tpu.wait_indirect_dma semaphore(%arg47 : memref<!tpu.dma_semaphore, #tpu.memory_space<semaphore_mem>>) src(%arg26 : memref<2048xf32, #tpu.memory_space<vmem>>) dst(%dma_wait3A_131 : memref<100096xf32, #tpu.memory_space<vmem_shared>>)
    } else {
    }
    %sub3A_75 = arith.constant 1 : i32
    %sub3A_76 = arith.subi %add3A_13, %sub3A_75 : i32
    %jit3A_77 = arith.constant 3 : i32
    %eq3A_78 = arith.constant 0 : i32
    %eq3A_79 = arith.cmpi eq, %jit3A_77, %eq3A_78 : i32
    %jit3A_80 = arith.constant 1 : i32
    %select_n3A_81 = arith.select %eq3A_79, %jit3A_80, %jit3A_77 : i32
    %rem3A_82 = arith.remsi %sub3A_76, %select_n3A_81 : i32
    %ne3A_83 = arith.constant 0 : i32
    %ne3A_84 = arith.cmpi ne, %rem3A_82, %ne3A_83 : i32
    %lt3A_85 = arith.constant 0 : i32
    %lt3A_86 = arith.cmpi slt, %rem3A_82, %lt3A_85 : i32
    %lt3A_87 = arith.constant 0 : i32
    %lt3A_88 = arith.cmpi slt, %select_n3A_81, %lt3A_87 : i32
    %ne3A_89 = arith.xori %lt3A_86, %lt3A_88 : i1
    %and3A_90 = arith.andi %ne3A_89, %ne3A_84 : i1
    %add3A_91 = arith.addi %rem3A_82, %select_n3A_81 : i32
    %select_n3A_92 = arith.select %and3A_90, %add3A_91, %rem3A_82 : i32
    %eq3A_93 = arith.constant 1 : i32
    %eq3A_94 = arith.cmpi eq, %select_n3A_92, %eq3A_93 : i32
    %convert_element_type3A_95 = arith.extui %eq3A_94 : i1 to i32
    %cond3A_96 = arith.constant 0 : i32
    %cond3A_97 = arith.cmpi ne, %convert_element_type3A_95, %cond3A_96 : i32
    scf.if %cond3A_97 {
      %dma_wait3A = arith.constant 0 : i32
      %dma_wait3A_129 = tpu.memref_slice %arg42[%dma_wait3A] : memref<100096xf32, #tpu.memory_space<vmem_shared>> -> memref<100096xf32, #tpu.memory_space<vmem_shared>>
      tpu.wait_indirect_dma semaphore(%arg48 : memref<!tpu.dma_semaphore, #tpu.memory_space<semaphore_mem>>) src(%arg32 : memref<2048xf32, #tpu.memory_space<vmem>>) dst(%dma_wait3A_129 : memref<100096xf32, #tpu.memory_space<vmem_shared>>)
      %dma_wait3A_130 = arith.constant 0 : i32
      %dma_wait3A_131 = tpu.memref_slice %arg43[%dma_wait3A_130] : memref<100096xf32, #tpu.memory_space<vmem_shared>> -> memref<100096xf32, #tpu.memory_space<vmem_shared>>
      tpu.wait_indirect_dma semaphore(%arg48 : memref<!tpu.dma_semaphore, #tpu.memory_space<semaphore_mem>>) src(%arg33 : memref<2048xf32, #tpu.memory_space<vmem>>) dst(%dma_wait3A_131 : memref<100096xf32, #tpu.memory_space<vmem_shared>>)
    } else {
    }
    %sub3A_98 = arith.constant 1 : i32
    %sub3A_99 = arith.subi %add3A_13, %sub3A_98 : i32
    %jit3A_100 = arith.constant 3 : i32
    %eq3A_101 = arith.constant 0 : i32
    %eq3A_102 = arith.cmpi eq, %jit3A_100, %eq3A_101 : i32
    %jit3A_103 = arith.constant 1 : i32
    %select_n3A_104 = arith.select %eq3A_102, %jit3A_103, %jit3A_100 : i32
    %rem3A_105 = arith.remsi %sub3A_99, %select_n3A_104 : i32
    %ne3A_106 = arith.constant 0 : i32
    %ne3A_107 = arith.cmpi ne, %rem3A_105, %ne3A_106 : i32
    %lt3A_108 = arith.constant 0 : i32
    %lt3A_109 = arith.cmpi slt, %rem3A_105, %lt3A_108 : i32
    %lt3A_110 = arith.constant 0 : i32
    %lt3A_111 = arith.cmpi slt, %select_n3A_104, %lt3A_110 : i32
    %ne3A_112 = arith.xori %lt3A_109, %lt3A_111 : i1
    %and3A_113 = arith.andi %ne3A_112, %ne3A_107 : i1
    %add3A_114 = arith.addi %rem3A_105, %select_n3A_104 : i32
    %select_n3A_115 = arith.select %and3A_113, %add3A_114, %rem3A_105 : i32
    %eq3A_116 = arith.constant 2 : i32
    %eq3A_117 = arith.cmpi eq, %select_n3A_115, %eq3A_116 : i32
    %convert_element_type3A_118 = arith.extui %eq3A_117 : i1 to i32
    %cond3A_119 = arith.constant 0 : i32
    %cond3A_120 = arith.cmpi ne, %convert_element_type3A_118, %cond3A_119 : i32
    scf.if %cond3A_120 {
      %dma_wait3A = arith.constant 0 : i32
      %dma_wait3A_129 = tpu.memref_slice %arg42[%dma_wait3A] : memref<100096xf32, #tpu.memory_space<vmem_shared>> -> memref<100096xf32, #tpu.memory_space<vmem_shared>>
      tpu.wait_indirect_dma semaphore(%arg49 : memref<!tpu.dma_semaphore, #tpu.memory_space<semaphore_mem>>) src(%arg39 : memref<2048xf32, #tpu.memory_space<vmem>>) dst(%dma_wait3A_129 : memref<100096xf32, #tpu.memory_space<vmem_shared>>)
      %dma_wait3A_130 = arith.constant 0 : i32
      %dma_wait3A_131 = tpu.memref_slice %arg43[%dma_wait3A_130] : memref<100096xf32, #tpu.memory_space<vmem_shared>> -> memref<100096xf32, #tpu.memory_space<vmem_shared>>
      tpu.wait_indirect_dma semaphore(%arg49 : memref<!tpu.dma_semaphore, #tpu.memory_space<semaphore_mem>>) src(%arg40 : memref<2048xf32, #tpu.memory_space<vmem>>) dst(%dma_wait3A_131 : memref<100096xf32, #tpu.memory_space<vmem_shared>>)
    } else {
    }
    %barrier3A_121 = arith.constant 0 : index
    tpu.barrier barrier_id(%barrier3A_121)
    %mul3A_122 = arith.constant 6256 : i32
    %mul3A_123 = arith.muli %arg1, %mul3A_122 : i32
    %mul3A_124 = arith.constant 100096 : i32
    %mul3A_125 = arith.muli %arg0, %mul3A_124 : i32
    %mul3A_126 = arith.constant 6256 : i32
    %mul3A_127 = arith.muli %arg1, %mul3A_126 : i32
    %add3A_128 = arith.addi %mul3A_125, %mul3A_127 : i32
    "tpu.region"() ({
      %run_scoped3A = tpu.sem_alloc : memref<!tpu.dma_semaphore, #tpu.memory_space<semaphore_mem>>
      %dma_start3A_129 = tpu.memref_slice %arg42[%mul3A_123] : memref<100096xf32, #tpu.memory_space<vmem_shared>> -> memref<6256xf32, #tpu.memory_space<vmem_shared>>
      %dma_start3A_130 = tpu.memref_slice %arg42[%mul3A_123] : memref<100096xf32, #tpu.memory_space<vmem_shared>> -> memref<6256xf32, #tpu.memory_space<vmem_shared>>
      tpu.enqueue_dma source(%dma_start3A_130 : memref<6256xf32, #tpu.memory_space<vmem_shared>>) target(%arg41 : memref<6256xf32, #tpu.memory_space<vmem>>) target_semaphore(%run_scoped3A : memref<!tpu.dma_semaphore, #tpu.memory_space<semaphore_mem>>)
      %dma_wait3A = tpu.memref_slice %arg42[%mul3A_123] : memref<100096xf32, #tpu.memory_space<vmem_shared>> -> memref<6256xf32, #tpu.memory_space<vmem_shared>>
      %dma_wait3A_131 = tpu.memref_slice %arg42[%mul3A_123] : memref<100096xf32, #tpu.memory_space<vmem_shared>> -> memref<6256xf32, #tpu.memory_space<vmem_shared>>
      tpu.wait_dma2 semaphore(%run_scoped3A : memref<!tpu.dma_semaphore, #tpu.memory_space<semaphore_mem>>) src(%dma_wait3A_131 : memref<6256xf32, #tpu.memory_space<vmem_shared>>) dst(%arg41 : memref<6256xf32, #tpu.memory_space<vmem>>)
      tpu.yield
    }) : () -> ()
    "tpu.region"() ({
      %run_scoped3A = tpu.sem_alloc : memref<!tpu.dma_semaphore, #tpu.memory_space<semaphore_mem>>
      %dma_start3A_129 = tpu.memref_slice %arg12[%add3A_128] : memref<200192xf32, #tpu.memory_space<hbm>> -> memref<6256xf32, #tpu.memory_space<hbm>>
      %dma_start3A_130 = tpu.memref_slice %arg12[%add3A_128] : memref<200192xf32, #tpu.memory_space<hbm>> -> memref<6256xf32, #tpu.memory_space<hbm>>
      tpu.enqueue_dma source(%arg41 : memref<6256xf32, #tpu.memory_space<vmem>>) target(%dma_start3A_130 : memref<6256xf32, #tpu.memory_space<hbm>>) target_semaphore(%run_scoped3A : memref<!tpu.dma_semaphore, #tpu.memory_space<semaphore_mem>>)
      %dma_wait3A = tpu.memref_slice %arg12[%add3A_128] : memref<200192xf32, #tpu.memory_space<hbm>> -> memref<6256xf32, #tpu.memory_space<hbm>>
      %dma_wait3A_131 = tpu.memref_slice %arg12[%add3A_128] : memref<200192xf32, #tpu.memory_space<hbm>> -> memref<6256xf32, #tpu.memory_space<hbm>>
      tpu.wait_dma2 semaphore(%run_scoped3A : memref<!tpu.dma_semaphore, #tpu.memory_space<semaphore_mem>>) src(%arg41 : memref<6256xf32, #tpu.memory_space<vmem>>) dst(%dma_wait3A_131 : memref<6256xf32, #tpu.memory_space<hbm>>)
      tpu.yield
    }) : () -> ()
    "tpu.region"() ({
      %run_scoped3A = tpu.sem_alloc : memref<!tpu.dma_semaphore, #tpu.memory_space<semaphore_mem>>
      %dma_start3A_129 = tpu.memref_slice %arg43[%mul3A_123] : memref<100096xf32, #tpu.memory_space<vmem_shared>> -> memref<6256xf32, #tpu.memory_space<vmem_shared>>
      %dma_start3A_130 = tpu.memref_slice %arg43[%mul3A_123] : memref<100096xf32, #tpu.memory_space<vmem_shared>> -> memref<6256xf32, #tpu.memory_space<vmem_shared>>
      tpu.enqueue_dma source(%dma_start3A_130 : memref<6256xf32, #tpu.memory_space<vmem_shared>>) target(%arg41 : memref<6256xf32, #tpu.memory_space<vmem>>) target_semaphore(%run_scoped3A : memref<!tpu.dma_semaphore, #tpu.memory_space<semaphore_mem>>)
      %dma_wait3A = tpu.memref_slice %arg43[%mul3A_123] : memref<100096xf32, #tpu.memory_space<vmem_shared>> -> memref<6256xf32, #tpu.memory_space<vmem_shared>>
      %dma_wait3A_131 = tpu.memref_slice %arg43[%mul3A_123] : memref<100096xf32, #tpu.memory_space<vmem_shared>> -> memref<6256xf32, #tpu.memory_space<vmem_shared>>
      tpu.wait_dma2 semaphore(%run_scoped3A : memref<!tpu.dma_semaphore, #tpu.memory_space<semaphore_mem>>) src(%dma_wait3A_131 : memref<6256xf32, #tpu.memory_space<vmem_shared>>) dst(%arg41 : memref<6256xf32, #tpu.memory_space<vmem>>)
      tpu.yield
    }) : () -> ()
    "tpu.region"() ({
      %run_scoped3A = tpu.sem_alloc : memref<!tpu.dma_semaphore, #tpu.memory_space<semaphore_mem>>
      %dma_start3A_129 = tpu.memref_slice %arg13[%add3A_128] : memref<200192xf32, #tpu.memory_space<hbm>> -> memref<6256xf32, #tpu.memory_space<hbm>>
      %dma_start3A_130 = tpu.memref_slice %arg13[%add3A_128] : memref<200192xf32, #tpu.memory_space<hbm>> -> memref<6256xf32, #tpu.memory_space<hbm>>
      tpu.enqueue_dma source(%arg41 : memref<6256xf32, #tpu.memory_space<vmem>>) target(%dma_start3A_130 : memref<6256xf32, #tpu.memory_space<hbm>>) target_semaphore(%run_scoped3A : memref<!tpu.dma_semaphore, #tpu.memory_space<semaphore_mem>>)
      %dma_wait3A = tpu.memref_slice %arg13[%add3A_128] : memref<200192xf32, #tpu.memory_space<hbm>> -> memref<6256xf32, #tpu.memory_space<hbm>>
      %dma_wait3A_131 = tpu.memref_slice %arg13[%add3A_128] : memref<200192xf32, #tpu.memory_space<hbm>> -> memref<6256xf32, #tpu.memory_space<hbm>>
      tpu.wait_dma2 semaphore(%run_scoped3A : memref<!tpu.dma_semaphore, #tpu.memory_space<semaphore_mem>>) src(%arg41 : memref<6256xf32, #tpu.memory_space<vmem>>) dst(%dma_wait3A_131 : memref<6256xf32, #tpu.memory_space<hbm>>)
      tpu.yield
    }) : () -> ()
    return
  }
}

module attributes {stable_mosaic.version = 14 : i64} {
  func.func @_combine_body(%arg0: memref<2x782x128xf32, #tpu.memory_space<vmem>>, %arg1: memref<2x782x128xf32, #tpu.memory_space<vmem>>, %arg2: memref<782x128xf32, #tpu.memory_space<vmem>>, %arg3: memref<782x128xf32, #tpu.memory_space<vmem>>, %arg4: memref<782x128xf32, #tpu.memory_space<vmem>>) attributes {dimension_semantics = [], scalar_prefetch = 0 : i64, scratch_operands = 0 : i64, tpu.core_type = #tpu.core_type<tc>} {
    %get3A = arith.constant 0 : index
    %get3A_0 = arith.constant 0 : index
    %get3A_1 = arith.constant 0 : index
    %get3A_2 = vector.load %arg0[%get3A, %get3A_0, %get3A_1] : memref<2x782x128xf32, #tpu.memory_space<vmem>>, vector<1x782x128xf32>
    %get3A_3 = vector.shape_cast %get3A_2 : vector<1x782x128xf32> to vector<782x128xf32>
    %get3A_4 = arith.constant 1 : index
    %get3A_5 = arith.constant 0 : index
    %get3A_6 = arith.constant 0 : index
    %get3A_7 = vector.load %arg0[%get3A_4, %get3A_5, %get3A_6] : memref<2x782x128xf32, #tpu.memory_space<vmem>>, vector<1x782x128xf32>
    %get3A_8 = vector.shape_cast %get3A_7 : vector<1x782x128xf32> to vector<782x128xf32>
    %add3A = arith.addf %get3A_3, %get3A_8 : vector<782x128xf32>
    %get3A_9 = arith.constant 0 : index
    %get3A_10 = arith.constant 0 : index
    %get3A_11 = arith.constant 0 : index
    %get3A_12 = vector.load %arg1[%get3A_9, %get3A_10, %get3A_11] : memref<2x782x128xf32, #tpu.memory_space<vmem>>, vector<1x782x128xf32>
    %get3A_13 = vector.shape_cast %get3A_12 : vector<1x782x128xf32> to vector<782x128xf32>
    %get3A_14 = arith.constant 1 : index
    %get3A_15 = arith.constant 0 : index
    %get3A_16 = arith.constant 0 : index
    %get3A_17 = vector.load %arg1[%get3A_14, %get3A_15, %get3A_16] : memref<2x782x128xf32, #tpu.memory_space<vmem>>, vector<1x782x128xf32>
    %get3A_18 = vector.shape_cast %get3A_17 : vector<1x782x128xf32> to vector<782x128xf32>
    %add3A_19 = arith.addf %get3A_13, %get3A_18 : vector<782x128xf32>
    %swap3A = arith.constant 0 : index
    %swap3A_20 = arith.constant 0 : index
    %swap3A_21 = vector.load %arg2[%swap3A, %swap3A_20] : memref<782x128xf32, #tpu.memory_space<vmem>>, vector<782x128xf32>
    tpu.vector_store %arg2[%swap3A, %swap3A_20], %add3A {strides = array<i32>} : memref<782x128xf32, #tpu.memory_space<vmem>>, vector<782x128xf32>,
    %swap3A_22 = arith.constant 0 : index
    %swap3A_23 = arith.constant 0 : index
    %swap3A_24 = vector.load %arg3[%swap3A_22, %swap3A_23] : memref<782x128xf32, #tpu.memory_space<vmem>>, vector<782x128xf32>
    tpu.vector_store %arg3[%swap3A_22, %swap3A_23], %add3A_19 {strides = array<i32>} : memref<782x128xf32, #tpu.memory_space<vmem>>, vector<782x128xf32>,
    %add3A_25 = arith.addf %add3A, %add3A_19 : vector<782x128xf32>
    %swap3A_26 = arith.constant 0 : index
    %swap3A_27 = arith.constant 0 : index
    %swap3A_28 = vector.load %arg4[%swap3A_26, %swap3A_27] : memref<782x128xf32, #tpu.memory_space<vmem>>, vector<782x128xf32>
    tpu.vector_store %arg4[%swap3A_26, %swap3A_27], %add3A_25 {strides = array<i32>} : memref<782x128xf32, #tpu.memory_space<vmem>>, vector<782x128xf32>,
    return
  }
}

</mosaic_0001>

<sc_bundles>
// kernel: kernel.4.cloned.1.call-start
scs
__scs_entry_jumppad:
0x0: {  	(pc) =	sbr.rel $0x88, $3  }
0x1: {  	(tag) =	ssettag $0x0;
	lr =	simm.s32 $0x1  }
0x2: {  	[smem:$0x3F9C] =	sst lr;
	_ =	strace $0xD0000000  }
0x3: {  	_ = 	snop  }
0x4: {  	_ = 	snop  }
0x5: {  	_ = 	snop  }
0x6: {  	_ = 	snop  }
0x7: {  	_ = 	snop  }
__scs_overlays_trampoline_lowered:
0x8: {  	[smem:$0x3FAB] =	sst s0  }
0x9: {  	[smem:$0x3FAC] =	sst s1  }
0xa: {  	[smem:$0x3FAD] =	sst s2  }
0xb: {  	[smem:$0x3FAE] =	sst s3  }
0xc: {  	[smem:$0x3FAF] =	sst s4  }
0xd: {  	[smem:$0x3FB0] =	sst s5  }
0xe: {  	[smem:$0x3FB1] =	sst s6  }
0xf: {  	[smem:$0x3FB2] =	sst s7  }
0x10: {  	[smem:$0x3FB3] =	sst s8  }
0x11: {  	[smem:$0x3FB4] =	sst s9;
	s0 =	simm.s32 @!p0 $0x0  }
0x12: {  	s1 =	sld [smem:$0x3F9A];
	s0 =	simm.s32 @p0 $0x1  }
0x13: {  	[smem:$0x3FB5] =	sst s0;
	s0 =	simm.s32 @!p1 $0x0  }
0x14: {  	s2 =	sld [smem:$0x3F99];
	s0 =	simm.s32 @p1 $0x1  }
0x15: {  	[smem:$0x3FB6] =	sst s0;
	s0 =	simm.s32 @!p2 $0x0  }
0x16: {  	s3 =	sld [smem:$0x3FDB];
	s0 =	simm.s32 @p2 $0x1  }
0x17: {  	s4 =	simm.s32 $0x1BF5;
	[smem:$0x3FB8] =	sst s0  }
0x18: {  	s0 =	sld [smem:$0x3F9B];
	_ =	swait.ge [sflag:s4], $0x0  }
0x19: {  	s7 =	sld [smem:$0x3F9C]  }
0x1a: {  	s8 =	sadd.s32 $0xFFFFE003, lr  }
0x1b: {  	s9 =	sadd.s32 $0xFFFFFEF7, lr;
	s5 =	simm.s32 $0xFFFFFFFF;
	p2 =	slt.u32 s8, $0xFFFFF086  }
0x1c: {  	p1 =	slt.u32 s9, $0xF7A;
	s5 =	simm.s32 @!p2 $0x0  }
0x1d: {  	s5 =	simm.s32 @p1 $0x1;
	p0 =	seq.s32 s7, s2  }
0x1e: {  	s7 =	smul.u32 @!p0 $0xF7A, s2;
	p2 =	seq.s32 @!p0 s5, $0x0  }
0x1f: {  	s9 =	smul.u32 $0xF7A, s1;
	s8 =	simm.s32 @!p0 $0x1BF5;
	p2 =	por !p2, p0  }
0x20: {  	[sflag:s8] =	ssyncset.s32 @!p0 $0xFFFFF086;
	s6 =	sadd.s32 @!p0 s3, s7;
	s7 =	simm.s32 @!p0 $0x108  }
0x21: {  	s3 =	sadd.s32 s3, s9;
	s6 =	sadd.s32 @!p0 $0x88, s6;
	s7 =	simm.s32 @p2 $0x1082  }
0x22: {  	[simem:s7], [sflag:s8] =	dma.local @!p0 [hbm:s6], $0xF7A  }
0x23: {  	s9 =	sor.u32 $0xD0000000, s2;
	s6 =	simm.s32 $0x108;
	_ =	swait.ge @!p0 [sflag:s8], $0x0  }
0x24: {  	s3 =	sadd.s32 $0x88, s3;
	s6 =	simm.s32 @!p1 $0x1082;
	[sflag:s4] =	ssyncset.s32 $0xFFFFF086  }
0x25: {  	[simem:s6], [sflag:s4] =	dma.local [hbm:s3], $0xF7A  }
0x26: {  	[smem:$0x3F9C] =	sst s1;
	(tag) =	ssettag s2;
	_ =	strace s9  }
0x27: {  	s1 =	sld [smem:$0x3FAC]  }
0x28: {  	s2 =	sld [smem:$0x3FAD]  }
0x29: {  	s4 =	sld [smem:$0x3FAF]  }
0x2a: {  	p0 =	seq.s32 s5, $0x0;
	s5 =	sld [smem:$0x3FB0]  }
0x2b: {  	s6 =	sld [smem:$0x3FB1]  }
0x2c: {  	s7 =	sld [smem:$0x3FB2]  }
0x2d: {  	s3 =	simm.s32 $0x108;
	s8 =	sld [smem:$0x3FB3]  }
0x2e: {  	s3 =	simm.s32 @!p0 $0x1082;
	s9 =	sld [smem:$0x3FB4]  }
0x2f: {  	lr =	sadd.s32 s0, s3;
	s0 =	sld [smem:$0x3FAB]  }
0x30: {  	s3 =	sld [smem:$0x3FAE]  }
0x31: {  	[smem:$0x3FB7] =	sst s10  }
0x32: {  	s10 =	sld [smem:$0x3FB5];
	_ =	sdelay $0x3  }
0x33: {  	p0 =	seq.s32 s10, $0x1;
	s10 =	sld [smem:$0x3FB7];
	_ =	sdelay $0x3  }
0x34: {  	[smem:$0x3FB7] =	sst s10  }
0x35: {  	s10 =	sld [smem:$0x3FB6];
	_ =	sdelay $0x3  }
0x36: {  	p1 =	seq.s32 s10, $0x1;
	s10 =	sld [smem:$0x3FB7];
	_ =	sdelay $0x3  }
0x37: {  	[smem:$0x3FB7] =	sst s10  }
0x38: {  	s10 =	sld [smem:$0x3FB8]  }
0x39: {  	_ = 	snop;
	(pc) =	sbr.ind lr, $3  }
0x3a: {  	_ = 	snop  }
0x3b: {  	_ = 	snop  }
0x3c: {  	p2 =	seq.s32 s10, $0x1;
	s10 =	sld [smem:$0x3FB7]  }
0x3d: {  	_ =	shalt  }
0x3e: {  	_ =	shalt  }
0x3f: {  	_ =	shalt  }
0x40: {  	_ =	shalt  }
0x41: {  	_ =	shalt  }
0x42: {  	_ =	shalt  }
0x43: {  	_ =	shalt  }
0x44: {  	_ =	shalt  }
0x45: {  	_ =	shalt  }
0x46: {  	_ =	shalt  }
0x47: {  	_ =	shalt  }
0x48: {  	_ =	shalt  }
0x49: {  	_ =	shalt  }
0x4a: {  	_ =	shalt  }
0x4b: {  	_ =	shalt  }
0x4c: {  	_ =	shalt  }
0x4d: {  	_ =	shalt  }
0x4e: {  	_ =	shalt  }
0x4f: {  	_ =	shalt  }
0x50: {  	_ =	shalt  }
0x51: {  	_ =	shalt  }
0x52: {  	_ =	shalt  }
0x53: {  	_ =	shalt  }
0x54: {  	_ =	shalt  }
0x55: {  	_ =	shalt  }
0x56: {  	_ =	shalt  }
0x57: {  	_ =	shalt  }
0x58: {  	_ =	shalt  }
0x59: {  	_ =	shalt  }
0x5a: {  	_ =	shalt  }
0x5b: {  	_ =	shalt  }
0x5c: {  	_ =	shalt  }
0x5d: {  	_ =	shalt  }
0x5e: {  	_ =	shalt  }
0x5f: {  	_ =	shalt  }
0x60: {  	_ =	shalt  }
0x61: {  	_ =	shalt  }
0x62: {  	_ =	shalt  }
0x63: {  	_ =	shalt  }
0x64: {  	_ =	shalt  }
0x65: {  	_ =	shalt  }
0x66: {  	_ =	shalt  }
0x67: {  	_ =	shalt  }
0x68: {  	_ =	shalt  }
0x69: {  	_ =	shalt  }
0x6a: {  	_ =	shalt  }
0x6b: {  	_ =	shalt  }
0x6c: {  	_ =	shalt  }
0x6d: {  	_ =	shalt  }
0x6e: {  	_ =	shalt  }
0x6f: {  	_ =	shalt  }
0x70: {  	_ =	shalt  }
0x71: {  	_ =	shalt  }
0x72: {  	_ =	shalt  }
0x73: {  	_ =	shalt  }
0x74: {  	_ =	shalt  }
0x75: {  	_ =	shalt  }
0x76: {  	_ =	shalt  }
0x77: {  	_ =	shalt  }
0x78: {  	_ =	shalt  }
0x79: {  	_ =	shalt  }
0x7a: {  	_ =	shalt  }
0x7b: {  	_ =	shalt  }
0x7c: {  	_ =	shalt  }
0x7d: {  	_ =	shalt  }
0x7e: {  	_ =	shalt  }
0x7f: {  	_ =	shalt  }
0x80: {  	_ =	shalt  }
0x81: {  	_ =	shalt  }
0x82: {  	_ =	shalt  }
0x83: {  	_ =	shalt  }
0x84: {  	_ =	shalt  }
0x85: {  	_ =	shalt  }
0x86: {  	_ =	shalt  }
0x87: {  	_ =	shalt  }
.Lfunc_end0:
.L_simem_size_0:
called_computation_lowered:
.L_overlay_start_0:
0x88: {  	s2 =	sld [smem:$0x3FD9]  }
0x89: {  	s3 =	sld [smem:$0x3FFE];
	_ =	sdelay $0x1  }
0x8a: {  	s1 =	srdreg.scid  }
0x8b: {  	s0 =	sand.u32 $0x1, s1  }
0x8c: {  	s14 =	sshll.u32 s0, $0xA;
	s2 =	sadd.s32 s3, s2  }
0x8d: {  	s2 =	sadd.s32 s2, s14  }
0x8e: {  	[smem:$0x3FC3] =	sst s2  }
0x8f: {  	_ = 	snop  }
0x90: {  	s2 =	sld [smem:$0x3FC8]  }
0x91: {  	s15 =	sld [smem:$0x3FD0]  }
0x92: {  	s4 =	sld [smem:$0x3FC7]  }
0x93: {  	s5 =	sld [smem:$0x3FC6]  }
0x94: {  	s7 =	simm.s32 $0xA;
	s8 =	simm.s32 $0x10;
	s6 =	sld [smem:$0x3FC5]  }
0x95: {  	[smem:s8], [sflag:s7] =	dma.local [hbm:s15], $0x1  }
0x96: {  	_ =	swait.eq [sflag:s7], $0x1  }
0x97: {  	s16 =	sld [smem:$0x10];
	[sflag:s7] =	ssyncset.done $0x0  }
0x98: {  	s17 =	sld [smem:$0x11];
	[sflag:s7] =	ssyncadd.s32 $0xFFFFFFFF  }
0x99: {  	s18 =	sld [smem:$0x12];
	(tm) =	ssettm $0x1  }
0x9a: {  	s9 =	sld [smem:$0x3FFB];
	_ =	sdelay $0x3  }
0x9b: {  	_ =	strace s9  }
0x9c: {  	s9 =	sld [smem:$0x3FFC];
	_ =	sdelay $0x3  }
0x9d: {  	_ =	strace s9  }
0x9e: {  	s9 =	sld [smem:$0x3FFD];
	_ =	sdelay $0x3  }
0x9f: {  	_ =	strace s9  }
0xa0: {  	_ =	strace $0x8FFFFFFF  }
0xa1: {  	s19 =	sld [smem:$0x3FDB];
	_ =	sdelay $0x1  }
0xa2: {  	s10 =	simm.s32 $_scs_section_size  }
0xa3: {  	s11 =	simm.s32 $_size__tile_overlayer_lowered;
	s12 =	simm.s32 $_tile_overlayer_lowered  }
0xa4: {  	s22 =	simm.s32 $0x1BFF;
	s21 =	sshll.u32 s12, $0x1;
	s9 =	sadd.s32 s10, s19  }
0xa5: {  	s13 =	simm.s32 $0x0;
	s20 =	sshll.u32 s11, $0x1;
	s11 =	sadd.s32 s21, s9  }
0xa6: {  	[timem:s13], [sflag:s22] =	dma.local [hbm:s11], s20  }
0xa7: {  	_ =	swait.ge [sflag:s22], s20  }
0xa8: {  	s10 =	ssub.s32 $0x0, s20;
	[sflag:s22] =	ssyncset.done $0x0  }
0xa9: {  	[sflag:s22] =	ssyncadd.s32 s10;
	_ =	sdelay $0x1  }
0xaa: {  	s23 =	simm.s32 $0x1B8B  }
0xab: {  	_ =	swait.ge [sflag:s23], $0x1  }
0xac: {  	[sflag:s23] =	ssyncset.done $0x0  }
0xad: {  	s25 =	simm.s32 $0x1B8E;
	s24 =	sld [smem:$0x3FFE];
	[sflag:s23] =	ssyncadd.s32 $0xFFFFFFFF  }
0xae: {  	s26 =	simm.s32 $execute0_lowered;
	[smem:$0x3FD2] =	sst s25  }
0xaf: {  	s11 =	sshll.u32 s26, $0x1;
	_ =	strace $0x80000046;
	[dreg:$0x1] =	wrdreg $0xFFFFFFFF  }
0xb0: {  	s28 =	simm.s32 $_size_execute0_lowered;
	s9 =	sadd.s32 s9, s11;
	[dreg:$0x0] =	wrdreg $0x0  }
0xb1: {  	s11 =	sshll.u32 s28, $0x1;
	[dreg:$0x2] =	wrdreg s9  }
0xb2: {  	[dreg:$0x3] =	wrdreg s11  }
0xb3: {  	[dreg:$0x4] =	wrdreg $0xC0  }
0xb4: {  	_ =	task [dreg:s13], $0x5FFFF  }
0xb5: {  	[dreg:$0x1] =	wrdreg $0xFFFFFFFF  }
0xb6: {  	[dreg:$0x0] =	wrdreg $0x60  }
0xb7: {  	[dreg:$0x2] =	wrdreg s18  }
0xb8: {  	[dreg:$0x3] =	wrdreg s2  }
0xb9: {  	[dreg:$0x4] =	wrdreg s4  }
0xba: {  	[dreg:$0x5] =	wrdreg s5  }
0xbb: {  	[dreg:$0x6] =	wrdreg s6  }
0xbc: {  	[dreg:$0x7] =	wrdreg s17  }
0xbd: {  	[dreg:$0x8] =	wrdreg s16  }
0xbe: {  	[dreg:$0x9] =	wrdreg s24  }
0xbf: {  	[dreg:$0xa] =	wrdreg $0x1B8800  }
0xc0: {  	[dreg:$0xb] =	wrdreg $0x1D0F00  }
0xc1: {  	[dreg:$0xc] =	wrdreg $0x9  }
0xc2: {  	_ =	task.clear_ibuf [dreg:s13], $0xDFFFF;
	_ =	strace $0x90000046  }
0xc3: {  	s29 =	simm.s32 $0x9;
	_ =	strace $0x80000048  }
0xc4: {  	_ =	swait.ge [sflag:s29], $0x1  }
0xc5: {  	[sflag:s29] =	ssyncadd.s32 $0xFFFFFFFF  }
0xc6: {  	_ =	strace $0x90000048  }
0xc7: {  	_ =	sfence  }
0xc8: {  	s30 =	sld [smem:$0x0];
	_ =	sdelay $0x2  }
0xc9: {  	s31 =	sshll.u32 s1, $0xD;
	s1 =	sshrl.u32 s1, $0x2  }
0xca: {  	s3 =	sand.u32 $0x4000, s31;
	s1 =	sadd.s32 s1, s30  }
0xcb: {  	s0 =	sor.u32 s3, s0;
	s1 =	sshll.u32 s1, $0x11  }
0xcc: {  	s0 =	sor.u32 s1, s0  }
0xcd: {  	s0 =	sadd.s32 $0x8F2B, s0  }
0xce: {  	[sflag:s0] =	ssyncadd.remote.s32 $0x1  }
0xcf: {  	_ =	sfence.sel $0xFFFF  }
0xd0: {  	[dreg:$0x0] =	wrdreg $0xFFFFFFFF;
	(pc) =	sbr.abs _section_cstart, $3  }
0xd1: {  	[dreg:$0x1] =	wrdreg $0xFFFFFFFF  }
0xd2: {  	_ =	task.clear_ibuf [dreg:s13], $0x2FFFF;
	_ =	strace $0x9FFFFFFF  }
0xd3: {  	(tm) =	ssettm $0x7FFFFFFF  }
tec
execute0_lowered:
.L_overlay_start_1:
0x0: {  	(tag) =	ssettag $0x1  }
0x1: {  	s12 =	rddreg [dreg:$0x1]  }
0x2: {  	s13 =	rddreg [dreg:$0x2]  }
0x3: {  	s14 =	rddreg [dreg:$0x3]  }
0x4: {  	s15 =	rddreg [dreg:$0x4]  }
0x5: {  	s0 =	rddreg [dreg:$0x7]  }
0x6: {  	s3 =	rddreg [dreg:$0x8]  }
0x7: {  	s5 =	rddreg [dreg:$0x9]  }
0x8: {  	s1 =	srdreg.scid;
	s2 =	stileid.u32;
	s11 =	simm.s32 $0x0  }
0x9: {  	s28 =	simm.s32 $0x2;
	s1 =	sand.u32 $0x1, s1;
	s4 =	smul.u32 $0x1870, s2  }
0xa: {  	[smem:$0x7FF] =	sst s11;
	s7 =	sadd.s32 $0x1800, s0;
	s9 =	sadd.s32 $0x1400, s0  }
0xb: {  	s10 =	sadd.s32 $0x1000, s0;
	_ =	strace $0x80000047;
	[dreg:$0xb] =	wrdreg s7  }
0xc: {  	s8 =	sshll.u32 s2, $0x1;
	s2 =	smov.u32 s12;
	[dreg:$0xc] =	wrdreg s9  }
0xd: {  	s6 =	smul.u32 $0x18700, s1;
	[dreg:$0xd] =	wrdreg s10;
	s16 =	ssub.s32 $0x2, s1  }
0xe: {  	s1 =	sor.u32 s1, s8;
	s10 =	smov.u32 s5;
	s9 =	smov.u32 s15  }
0xf: {  	s7 =	simm.s32 $0x8000;
	s17 =	sshrl.u32 s16, $0x1;
	s19 =	sadd.s32 s4, s3  }
0x10: {  	p0 =	sgt.u32 s1, $0x14;
	s20 =	sadd.s32 s4, s5;
	s6 =	sadd.s32 s4, s6  }
0x11: {  	s3 =	smov.u32 s13;
	[dreg:$0xe] =	wrdreg s19;
	s6 =	sshrl.u32 s6, $0x3  }
0x12: {  	s5 =	smov.u32 s14;
	[dreg:$0xf] =	wrdreg s20;
	s0 =	sadd.s32 s6, s0  }
0x13: {  	s6 =	ssub.s32 s16, s17;
	s16 =	sshll.u32 s1, $0x8;
	s17 =	simm.s32 $0x61  }
0x14: {  	s18 =	sor.u32 $0x2000, s16;
	s17 =	simm.s32 @!p0 $0x62;
	s24 =	sadd.s32 $0x1C00, s0  }
0x15: {  	s0 =	sadd.s32 $0x7E00, s0;
	s25 =	smax.u32 s6, $0x1;
	[dreg:$0x14] =	wrdreg s24  }
0x16: {  	s26 =	sadd.s32 s12, s16;
	s29 =	sadd.s32 s13, s16;
	[dreg:$0x15] =	wrdreg s0  }
0x17: {  	s30 =	sadd.s32 s14, s16;
	s31 =	sadd.s32 s15, s16;
	[dreg:$0x17] =	wrdreg s25  }
0x18: {  	s6 =	simm.s32 $0x6200;
	s21 =	sadd.s32 s12, s18;
	[dreg:$0x18] =	wrdreg s26  }
0x19: {  	s22 =	sadd.s32 s13, s18;
	s23 =	sadd.s32 s14, s18;
	[dreg:$0x19] =	wrdreg s29  }
0x1a: {  	s1 =	sadd.s32 s15, s18;
	s0 =	simm.s32 $0x4;
	[dreg:$0x1a] =	wrdreg s30  }
0x1b: {  	[dreg:$0x1b] =	wrdreg s31;
	s4 =	sadd.s32 $0xFFFFFFFF, s17;
	s8 =	sadd.s32 $0xFFFFFFFE, s17  }
0x1c: {  	s12 =	simm.s32 $0x9E00;
	s13 =	simm.s32 $0xBC00;
	[dreg:$0x10] =	wrdreg s21  }
.Ltmp0:
0x1d: {  	s14 =	simm.s32 $0xDA00;
	[dreg:$0x11] =	wrdreg s22;
	(pc) =	sbr.rel .LBB2_1-.Ltmp0, $4  }
0x1e: {  	s25 =	simm.s32 $0x7;
	s15 =	simm.s32 $0x3;
	[dreg:$0x12] =	wrdreg s23  }
0x1f: {  	s24 =	simm.s32 $0x5;
	s18 =	simm.s32 $0x0;
	[dreg:$0x13] =	wrdreg s1  }
0x20: {  	s0 =	simm.s32 @!p0 $0x5;
	s23 =	simm.s32 $0x1A000;
	s21 =	simm.s32 $0x1  }
0x21: {  	v0 =	vimm.f32 $0.0e+00;
	s22 =	simm.s32 $0x800;
	[dreg:$0x16] =	wrdreg s0;
	s0 =	simm.s32 $0x4  }
.LBB2_17:
0x22: {  	s1 =	rddreg [dreg:$0x16]  }
0x23: {  	_ =	swait.ge [sflag:s1], $0x800  }
0x24: {  	[sflag:s1] =	ssyncset.done $0x0  }
0x25: {  	[sflag:s1] =	ssyncadd.s32 $0xFFFFF800  }
0x26: {  	_ =	swait.ge [sflag:s1], $0x800  }
0x27: {  	[sflag:s1] =	ssyncset.done $0x0  }
0x28: {  	[sflag:s1] =	ssyncadd.s32 $0xFFFFF800  }
0x29: {  	[bflag:$0x0] =	sbarrier.arrive $0xFFFF  }
0x2a: {  	s23 =	simm.s32 $0x1A000;
	s25 =	simm.s32 $0x7;
	s19 =	rddreg [dreg:$0xe]  }
0x2b: {  	[tilespmem:s23], [sflag:$0x7] =	stream.linear.gather [spmem:s19], $0x1870, $0x38;
	[tilespmem:$0x1E960] =	vst v63  }
0x2c: {  	_ =	swait.ge [sflag:s25], $0x1870  }
0x2d: {  	[sflag:s25] =	ssyncset.done $0x0  }
0x2e: {  	s29 =	rddreg [dreg:$0x14];
	[sflag:s25] =	ssyncadd.s32 $0xFFFFE790  }
0x2f: {  	[hbm4b:s29+s11] =	stream.linear.scatter [tilespmem:s23], [sflag:$0x7], $0x1870, $0x38;
	[tilespmem:$0x1E960] =	vst v63  }
0x30: {  	_ =	swait.ge [sflag:s25], $0x1870  }
0x31: {  	[sflag:s25] =	ssyncset.done $0x0  }
0x32: {  	s20 =	rddreg [dreg:$0xf];
	[sflag:s25] =	ssyncadd.s32 $0xFFFFE790  }
0x33: {  	[tilespmem:s23], [sflag:$0x7] =	stream.linear.gather [spmem:s20], $0x1870, $0x38;
	[tilespmem:$0x1E960] =	vst v63  }
0x34: {  	_ =	swait.ge [sflag:s25], $0x1870  }
0x35: {  	[sflag:s25] =	ssyncset.done $0x0  }
0x36: {  	s30 =	rddreg [dreg:$0x15];
	[sflag:s25] =	ssyncadd.s32 $0xFFFFE790  }
0x37: {  	[hbm4b:s30+s11] =	stream.linear.scatter [tilespmem:s23], [sflag:$0x7], $0x1870, $0x38;
	[tilespmem:$0x1E960] =	vst v63  }
0x38: {  	_ =	swait.ge [sflag:s25], $0x1870  }
0x39: {  	s18 =	rddreg [dreg:$0x1c]  }
0x3a: {  	s31 =	rddreg [dreg:$0x17];
	s18 =	sadd.s32 $0x1, s18  }
0x3b: {  	p0 =	sne.s32 s18, s31  }
.Ltmp1:
0x3c: {  	_ = 	snop;
	(pc) =	sbr.rel @!p0 .LBB2_18-.Ltmp1, $3  }
0x3d: {  	_ =	sdelay $0x1  }
0x3e: {  	[sflag:s25] =	ssyncset.done $0x0  }
0x3f: {  	[sflag:s25] =	ssyncadd.s32 $0xFFFFE790  }
.LBB2_1:
0x40: {  	[dreg:$0x1c] =	wrdreg s18  }
0x41: {  	s1 =	rddreg [dreg:$0x0]  }
0x42: {  	[tilespmem:s11], [sflag:$0x1] =	stream.linear.gather [hbm4b:s1+s11], $0x6200, $0x38;
	[tilespmem:$0x1E960] =	vst v63  }
0x43: {  	s18 =	rddreg [dreg:$0x5]  }
0x44: {  	[tilespmem:s6], [sflag:$0x1] =	stream.linear.gather [hbm4b:s18+s11], $0x1E00, $0x38;
	[tilespmem:$0x1E960] =	vst v63  }
0x45: {  	s26 =	rddreg [dreg:$0x6]  }
0x46: {  	[tilespmem:s7], [sflag:$0x1] =	stream.linear.gather [hbm4b:s26+s11], $0x1E00, $0x38;
	[tilespmem:$0x1E960] =	vst v63  }
0x47: {  	s29 =	rddreg [dreg:$0xb]  }
0x48: {  	[tilespmem:s12], [sflag:$0x1] =	stream.linear.gather [hbm4b:s29+s11], $0x1E00, $0x38;
	[tilespmem:$0x1E960] =	vst v63  }
0x49: {  	s30 =	rddreg [dreg:$0xc]  }
0x4a: {  	[tilespmem:s13], [sflag:$0x1] =	stream.linear.gather [hbm4b:s30+s11], $0x1E00, $0x38;
	[tilespmem:$0x1E960] =	vst v63  }
0x4b: {  	s31 =	rddreg [dreg:$0xd];
	s1 =	simm.s32 $0x40;
	s18 =	simm.s32 $0x0  }
0x4c: {  	[tilespmem:s14], [sflag:$0x1] =	stream.linear.gather [hbm4b:s31+s11], $0x1E00, $0x38;
	[tilespmem:$0x1E960] =	vst v63  }
.LBB2_2:
0x4d: {  	p0 =	sne.s32 s1, $0x6180;
	[tilespmem:s18+$0x1A000] =	vst v0;
	s18 =	smov.u32 s1;
	s1 =	sadd.s32 $0x40, s1  }
.Ltmp2:
0x4e: {  	(pc) =	sbr.rel @p0 .LBB2_2-.Ltmp2, $2  }
0x4f: {  	_ =	sdelay $0x2  }
0x50: {  	s18 =	sshra.s32 s18, $0x2  }
0x51: {  	[tilespmem:s18+$0x1A000] =	vst v0  }
0x52: {  	[spmem:s19] =	stream.linear.scatter [tilespmem:s23], [sflag:$0x7], $0x1870, $0x38;
	[tilespmem:$0x1E960] =	vst v63  }
0x53: {  	_ =	swait.ge [sflag:s25], $0x1870  }
0x54: {  	[sflag:s25] =	ssyncset.done $0x0  }
0x55: {  	[sflag:s25] =	ssyncadd.s32 $0xFFFFE790  }
0x56: {  	[spmem:s20] =	stream.linear.scatter [tilespmem:s23], [sflag:$0x7], $0x1870, $0x38;
	[tilespmem:$0x1E960] =	vst v63  }
0x57: {  	_ =	swait.ge [sflag:s25], $0x1870  }
0x58: {  	[sflag:s25] =	ssyncset.done $0x0  }
0x59: {  	[sflag:s25] =	ssyncadd.s32 $0xFFFFE790  }
0x5a: {  	_ =	swait.ge [sflag:s21], $0x6200  }
0x5b: {  	[sflag:s21] =	ssyncset.done $0x0  }
0x5c: {  	[sflag:s21] =	ssyncadd.s32 $0xFFFF9E00  }
0x5d: {  	_ =	swait.ge [sflag:s21], $0x1E00  }
0x5e: {  	[sflag:s21] =	ssyncset.done $0x0  }
0x5f: {  	[sflag:s21] =	ssyncadd.s32 $0xFFFFE200  }
0x60: {  	_ =	swait.ge [sflag:s21], $0x1E00  }
0x61: {  	[sflag:s21] =	ssyncset.done $0x0  }
0x62: {  	[sflag:s21] =	ssyncadd.s32 $0xFFFFE200  }
0x63: {  	_ =	swait.ge [sflag:s21], $0x1E00  }
0x64: {  	[sflag:s21] =	ssyncset.done $0x0  }
0x65: {  	[sflag:s21] =	ssyncadd.s32 $0xFFFFE200  }
0x66: {  	_ =	swait.ge [sflag:s21], $0x1E00  }
0x67: {  	[sflag:s21] =	ssyncset.done $0x0  }
0x68: {  	[sflag:s21] =	ssyncadd.s32 $0xFFFFE200  }
0x69: {  	_ =	swait.ge [sflag:s21], $0x1E00  }
0x6a: {  	[sflag:s21] =	ssyncset.done $0x0  }
0x6b: {  	[sflag:s21] =	ssyncadd.s32 $0xFFFFE200  }
0x6c: {  	[bflag:$0x0] =	sbarrier.arrive $0xFFFF  }
0x6d: {  	s26 =	simm.s32 $0x0;
	s19 =	simm.s32 $0xF800;
	s1 =	rddreg [dreg:$0x18]  }
0x6e: {  	[tilespmem:s19], [sflag:$0x1] =	stream.linear.gather [hbm4b:s1+s26], $0x800, $0x38;
	[tilespmem:$0x1E960] =	vst v63  }
0x6f: {  	s23 =	simm.s32 $0x10000;
	s20 =	rddreg [dreg:$0x19]  }
0x70: {  	[tilespmem:s23], [sflag:$0x1] =	stream.linear.gather [hbm4b:s20+s26], $0x800, $0x38;
	[tilespmem:$0x1E960] =	vst v63  }
0x71: {  	s29 =	simm.s32 $0x10800;
	s25 =	rddreg [dreg:$0x1a]  }
0x72: {  	[tilespmem:s29], [sflag:$0x1] =	stream.linear.gather [hbm4b:s25+s26], $0x800, $0x38;
	[tilespmem:$0x1E960] =	vst v63  }
0x73: {  	s31 =	simm.s32 $0x11000;
	s30 =	rddreg [dreg:$0x1b]  }
0x74: {  	[tilespmem:s31], [sflag:$0x1] =	stream.linear.gather [hbm4b:s30+s26], $0x800, $0x38;
	[tilespmem:$0x1E960] =	vst v63  }
0x75: {  	s18 =	rddreg [dreg:$0x10];
	s19 =	simm.s32 $0x13000  }
0x76: {  	[tilespmem:s19], [sflag:$0x2] =	stream.linear.gather [hbm4b:s18+s26], $0x800, $0x38;
	[tilespmem:$0x1E960] =	vst v63  }
0x77: {  	s20 =	rddreg [dreg:$0x11];
	s23 =	simm.s32 $0x13800  }
0x78: {  	[tilespmem:s23], [sflag:$0x2] =	stream.linear.gather [hbm4b:s20+s26], $0x800, $0x38;
	[tilespmem:$0x1E960] =	vst v63  }
.Ltmp3:
0x79: {  	_ = 	snop;
	(pc) =	sbr.rel .LBB2_4-.Ltmp3, $4  }
0x7a: {  	s25 =	rddreg [dreg:$0x12];
	s29 =	simm.s32 $0x14000  }
0x7b: {  	[tilespmem:s29], [sflag:$0x2] =	stream.linear.gather [hbm4b:s25+s26], $0x800, $0x38;
	[tilespmem:$0x1E960] =	vst v63  }
0x7c: {  	s30 =	rddreg [dreg:$0x13];
	s31 =	simm.s32 $0x14800  }
0x7d: {  	[tilespmem:s31], [sflag:$0x2] =	stream.linear.gather [hbm4b:s30+s26], $0x800, $0x38;
	[tilespmem:$0x1E960] =	vst v63  }
.LBB2_16:
0x7e: {  	s26 =	sadd.s32 $0x1, s26  }
0x7f: {  	p0 =	sne.s32 s26, $0x21  }
.Ltmp4:
0x80: {  	_ = 	snop;
	(pc) =	sbr.rel @!p0 .LBB2_17-.Ltmp4, $1  }
0x81: {  	_ =	sdelay $0x3  }
.LBB2_4:
0x82: {  	s30 =	smul.u32 $0x3, s26;
	_ =	sdelay $0x1  }
0x83: {  	p0 =	sge.u32 s30, s17  }
.Ltmp5:
0x84: {  	_ = 	snop;
	(pc) =	sbr.rel @p0 .LBB2_8-.Ltmp5, $1  }
0x85: {  	_ =	sdelay $0x3  }
0x86: {  	_ =	swait.ge [sflag:s21], $0x800  }
0x87: {  	[sflag:s21] =	ssyncset.done $0x0  }
0x88: {  	[sflag:s21] =	ssyncadd.s32 $0xFFFFF800  }
0x89: {  	_ =	swait.ge [sflag:s21], $0x800  }
0x8a: {  	[sflag:s21] =	ssyncset.done $0x0  }
0x8b: {  	[sflag:s21] =	ssyncadd.s32 $0xFFFFF800  }
0x8c: {  	_ =	swait.ge [sflag:s21], $0x800  }
0x8d: {  	[sflag:s21] =	ssyncset.done $0x0  }
0x8e: {  	[sflag:s21] =	ssyncadd.s32 $0xFFFFF800  }
0x8f: {  	_ =	swait.ge [sflag:s21], $0x800  }
0x90: {  	[sflag:s21] =	ssyncset.done $0x0  }
0x91: {  	s1 =	simm.s32 $0xF840;
	[sflag:s21] =	ssyncadd.s32 $0xFFFFF800  }
0x92: {  	v1 =	vld [tilespmem:s1+$0x30]  }
0x93: {  	v2 =	vld [tilespmem:s1+$0xFFFFFFD0]  }
0x94: {  	v3 =	vld [tilespmem:s1+$0xFFFFFFE0]  }
0x95: {  	v4 =	vld [tilespmem:s1+$0xFFFFFFF0]  }
0x96: {  	v5 =	vld [tilespmem:s1+$0x0]  }
0x97: {  	s31 =	simm.s32 $0x11840;
	v8 =	vld [tilespmem:s1+$0x20]  }
0x98: {  	s19 =	simm.s32 $0x10040;
	v9 =	vld [tilespmem:s1+$0xFFFFFFC0];
	[tilespmem:s31+$0x30] =	vst v1  }
0x99: {  	v6 =	vld [tilespmem:s19+$0x30]  }
0x9a: {  	v7 =	vld [tilespmem:s1+$0x10];
	[tilespmem:s31+$0xFFFFFFD0] =	vst v2  }
0x9b: {  	[tilespmem:s31+$0xFFFFFFE0] =	vst v3;
	v12 =	vld [tilespmem:s19+$0xFFFFFFD0]  }
0x9c: {  	v10 =	vshra.s32 v1, $0x2;
	v11 =	vshra.s32 v2, $0x2;
	v2 =	vshll.u32 v2, $0x3;
	[tilespmem:s31+$0xFFFFFFF0] =	vst v4;
	v14 =	vld [tilespmem:s19+$0xFFFFFFE0]  }
0x9d: {  	v13 =	vshll.u32 v3, $0x3;
	v3 =	vshra.s32 v3, $0x2;
	v16 =	vshra.s32 v4, $0x2;
	[tilespmem:s31+$0x0] =	vst v5;
	v17 =	vld [tilespmem:s19+$0xFFFFFFF0]  }
0x9e: {  	v4 =	vshll.u32 v4, $0x3;
	v24 =	vshll.u32 v8, $0x3;
	[tilespmem:s31+$0xFFFFFFC0] =	vst v9;
	v19 =	vld [tilespmem:s19+$0x0];
	v15 =	vshra.s32 v6, $0x2  }
0x9f: {  	v18 =	vshra.s32 v5, $0x2;
	v23 =	vshra.s32 v8, $0x2;
	[tilespmem:s31+$0x20] =	vst v8;
	v8 =	vand.u32 $0x18, v24;
	v24 =	vld [tilespmem:s19+$0xFFFFFFC0]  }
0xa0: {  	v5 =	vshll.u32 v5, $0x3;
	v20 =	vshll.u32 v7, $0x3;
	v21 =	vshra.s32 v9, $0x2;
	v26 =	vld [tilespmem:s19+$0x20]  }
0xa1: {  	s25 =	simm.s32 $0x10840;
	[tilespmem:s31+$0x10] =	vst v7;
	v7 =	vshra.s32 v7, $0x2;
	v9 =	vshll.u32 v9, $0x3;
	v1 =	vshll.u32 v1, $0x3;
	v10 =	vld.idx.msk [tilespmem:v10+s11+$0x0], $0xffff  }
0xa2: {  	v2 =	vand.u32 $0x18, v2;
	v13 =	vand.u32 $0x18, v13;
	v4 =	vand.u32 $0x18, v4;
	v30 =	vld [tilespmem:s25+$0x30]  }
0xa3: {  	v5 =	vand.u32 $0x18, v5;
	v20 =	vand.u32 $0x18, v20;
	v9 =	vand.u32 $0x18, v9;
	v15 =	vld.idx.msk [tilespmem:v15+s11+$0x0], $0xffff  }
0xa4: {  	v1 =	vand.u32 $0x18, v1;
	v51 =	vld [tilespmem:s25+$0x0];
	v25 =	vshra.s32 v12, $0x2;
	v12 =	vshll.u32 v12, $0x3  }
0xa5: {  	v21 =	vld.idx.msk [tilespmem:v21+s11+$0x0], $0xffff;
	v6 =	vshll.u32 v6, $0x3;
	v27 =	vshra.s32 v24, $0x2;
	v28 =	vshra.s32 v17, $0x2  }
0xa6: {  	v11 =	vld.idx.msk [tilespmem:v11+s11+$0x0], $0xffff;
	v17 =	vshll.u32 v17, $0x3;
	v24 =	vshll.u32 v24, $0x3;
	v1 =	vshra.s32 v10, v1  }
0xa7: {  	v3 =	vld.idx.msk [tilespmem:v3+s11+$0x0], $0xffff;
	v29 =	vshra.s32 v26, $0x2;
	v6 =	vand.u32 $0x18, v6;
	v1 =	vand.u32 $0xFF, v1  }
0xa8: {  	v16 =	vld.idx.msk [tilespmem:v16+s11+$0x0], $0xffff;
	v26 =	vshll.u32 v26, $0x3;
	v1 =	vmul.u32 $0x57, v1;
	v6 =	vshra.s32 v15, v6  }
0xa9: {  	v18 =	vld.idx.msk [tilespmem:v18+s11+$0x0], $0xffff;
	v10 =	vshra.s32 v14, $0x2;
	v14 =	vshll.u32 v14, $0x3;
	v6 =	vand.u32 $0xFF, v6  }
0xaa: {  	v7 =	vld.idx.msk [tilespmem:v7+s11+$0x0], $0xffff;
	v53 =	vmul.f32 v51, v51;
	v15 =	vand.u32 $0x18, v14;
	v14 =	vadd.s32 v1, v6  }
0xab: {  	v22 =	vld [tilespmem:s19+$0x10];
	v12 =	vand.u32 $0x18, v12;
	v49 =	vand.u32 $0x18, v17;
	v17 =	vshll.u32 v19, $0x3  }
0xac: {  	v24 =	vand.u32 $0x18, v24;
	v26 =	vand.u32 $0x18, v26;
	v17 =	vand.u32 $0x18, v17  }
0xad: {  	v23 =	vld.idx.msk [tilespmem:v23+s11+$0x0], $0xffff;
	v9 =	vshra.s32 v21, v9;
	v2 =	vshra.s32 v11, v2;
	v3 =	vshra.s32 v3, v13  }
0xae: {  	v4 =	vshra.s32 v16, v4;
	v5 =	vshra.s32 v18, v5;
	v16 =	vmul.f32 v30, v30;
	v21 =	vld.idx.msk [tilespmem:v27+s11+$0x0], $0xffff  }
0xaf: {  	v7 =	vshra.s32 v7, v20;
	v9 =	vand.u32 $0xFF, v9;
	v6 =	vshra.s32 v19, $0x2;
	v11 =	vld.idx.msk [tilespmem:v14+s6+$0x0], $0xffff  }
0xb0: {  	v2 =	vand.u32 $0xFF, v2;
	v25 =	vld.idx.msk [tilespmem:v25+s11+$0x0], $0xffff;
	v3 =	vand.u32 $0xFF, v3;
	v19 =	vshra.s32 v22, $0x2  }
0xb1: {  	v4 =	vand.u32 $0xFF, v4;
	v13 =	vld.idx.msk [tilespmem:v28+s11+$0x0], $0xffff;
	v5 =	vand.u32 $0xFF, v5;
	v9 =	vmul.u32 $0x57, v9  }
0xb2: {  	v18 =	vmul.u32 $0x57, v5;
	v5 =	vand.u32 $0xFF, v7;
	v7 =	vshra.s32 v23, v8;
	v23 =	vld [tilespmem:s25+$0xFFFFFFD0]  }
0xb3: {  	v2 =	vmul.u32 $0x57, v2;
	v3 =	vmul.u32 $0x57, v3;
	v10 =	vld.idx.msk [tilespmem:v10+s11+$0x0], $0xffff;
	v8 =	vshra.s32 v21, v24  }
0xb4: {  	v4 =	vmul.u32 $0x57, v4;
	v8 =	vand.u32 $0xFF, v8;
	v6 =	vld.idx.msk [tilespmem:v6+s11+$0x0], $0xffff;
	v16 =	vmul.f32 v11, v16  }
0xb5: {  	v20 =	vmul.u32 $0x57, v5;
	v5 =	vshra.s32 v25, v12;
	v9 =	vadd.s32 v9, v8;
	v19 =	vld.idx.msk [tilespmem:v19+s11+$0x0], $0xffff  }
0xb6: {  	v7 =	vand.u32 $0xFF, v7;
	v5 =	vand.u32 $0xFF, v5;
	v11 =	vld.idx.msk [tilespmem:v29+s11+$0x0], $0xffff;
	v21 =	vmul.f32 $1.442695020e+00, v16  }
0xb7: {  	v7 =	vmul.u32 $0x57, v7;
	v12 =	vld [tilespmem:s25+$0xFFFFFFC0];
	v5 =	vadd.s32 v2, v5;
	v1 =	vshra.s32 v13, v49  }
0xb8: {  	v1 =	vand.u32 $0xFF, v1;
	v10 =	vshra.s32 v10, v15;
	v15 =	vld [tilespmem:s25+$0xFFFFFFE0];
	(erf) = vpow2.f32 v21  }
0xb9: {  	v22 =	vshll.u32 v22, $0x3;
	v50 =	vand.u32 $0xFF, v10;
	v10 =	vadd.s32 v4, v1;
	v4 =	vld [tilespmem:s25+$0x10]  }
0xba: {  	v22 =	vand.u32 $0x18, v22;
	v8 =	vadd.s32 v3, v50;
	v3 =	vshra.s32 v6, v17;
	v17 =	vld.idx.msk [tilespmem:v9+s6+$0x0], $0xffff  }
0xbb: {  	v52 =	vshra.s32 v19, v22;
	v3 =	vand.u32 $0xFF, v3;
	v21 =	vld [tilespmem:s25+$0xFFFFFFF0];
	v13 =	vshra.s32 v11, v26  }
0xbc: {  	v6 =	vmul.f32 v12, v12;
	v11 =	vadd.s32 v18, v3;
	v3 =	vld.idx.msk [tilespmem:v5+s6+$0x0], $0xffff;
	v13 =	vand.u32 $0xFF, v13  }
0xbd: {  	v19 =	vmul.f32 v23, v23;
	(erf) = vrcp.f32 v12;
	v13 =	vadd.s32 v7, v13  }
0xbe: {  	v27 =	vld [tilespmem:s25+$0x20];
	v22 =	vmul.f32 v15, v15;
	v1 =	vand.u32 $0xFF, v52;
	(erf) = vrcp.f32 v23  }
0xbf: {  	v12 =	vadd.s32 v20, v1;
	v20 =	vld.idx.msk [tilespmem:v8+s6+$0x0], $0xffff;
	v26 =	vmul.f32 v4, v4;
	(erf) = vrcp.f32 v15  }
0xc0: {  	v18 =	vmul.f32 v21, v21;
	(erf) = vrcp.f32 v21;
	v21 =	vld.idx.msk [tilespmem:v10+s6+$0x0], $0xffff  }
0xc1: {  	v23 =	vmul.f32 v17, v6;
	v24 =	vmul.f32 v3, v19;
	v15 =	vpop (erf)  }
0xc2: {  	v19 =	vld.idx.msk [tilespmem:v13+s6+$0x0], $0xffff;
	(erf) = vrcp.f32 v51;
	v6 =	vmul.f32 v15, v16  }
0xc3: {  	v7 =	vmul.f32 v27, v27;
	(erf) = vrcp.f32 v4;
	v4 =	vsub.f32 $1.000000000e+00, v15  }
0xc4: {  	v17 =	vld.idx.msk [tilespmem:v11+s6+$0x0], $0xffff;
	v25 =	vmul.f32 v20, v22;
	v3 =	vmul.f32 v6, v16  }
0xc5: {  	v31 =	vld.idx.msk [tilespmem:v14+s12+$0x0], $0xffff;
	v28 =	vmul.f32 v21, v18;
	(erf) = vrcp.f32 v30;
	v4 =	vadd.f32 v6, v4  }
0xc6: {  	v54 =	vld.idx.msk [tilespmem:v12+s6+$0x0], $0xffff;
	v20 =	vmul.f32 v3, v16;
	v3 =	vmul.f32 $5.000000000e-01, v3  }
0xc7: {  	v34 =	vld.idx.msk [tilespmem:v14+s7+$0x0], $0xffff;
	v21 =	vmul.f32 $1.442695020e+00, v25;
	v30 =	vmul.f32 v19, v7  }
0xc8: {  	v19 =	vld.idx.msk [tilespmem:v14+s13+$0x0], $0xffff;
	v18 =	vmul.f32 v20, v16;
	v3 =	vsub.f32 v4, v3;
	v20 =	vmul.f32 $1.666666720e-01, v20  }
0xc9: {  	v29 =	vmul.f32 v17, v53;
	v6 =	vmul.f32 $1.442695020e+00, v23;
	v14 =	vld.idx.msk [tilespmem:v14+s14+$0x0], $0xffff;
	v4 =	vpop (erf)  }
0xca: {  	v1 =	vpop (erf);
	v16 =	vmul.f32 v18, v16;
	v17 =	vadd.f32 v20, v3;
	v18 =	vmul.f32 $4.166666790e-02, v18  }
0xcb: {  	v26 =	vmul.f32 v54, v26;
	v22 =	vmul.f32 $1.442695020e+00, v28;
	v2 =	vpop (erf)  }
0xcc: {  	v20 =	vmul.f32 $1.442695020e+00, v24;
	v3 =	vpop (erf);
	v18 =	vsub.f32 v17, v18;
	v16 =	vmul.f32 $8.333333770e-03, v16  }
0xcd: {  	v32 =	vmul.f32 $1.442695020e+00, v29;
	v7 =	vpop (erf);
	(erf) = vpow2.f32 v6  }
0xce: {  	v14 =	vmul.f32 v14, v15;
	v6 =	vpop (erf);
	v16 =	vadd.f32 v16, v18;
	(erf) = vpow2.f32 v20  }
0xcf: {  	v20 =	vmul.f32 $1.442695020e+00, v26;
	v33 =	vpop (erf);
	(erf) = vpow2.f32 v21  }
0xd0: {  	v21 =	vmul.f32 v33, v33;
	v16 =	vmul.f32 v16, v19  }
0xd1: {  	s20 =	simm.s32 $0x11040;
	v18 =	vmul.f32 v18, v31;
	v19 =	vmul.f32 $1.442695020e+00, v30  }
0xd2: {  	(erf) = vpow2.f32 v22;
	v22 =	vld [tilespmem:s20+$0x30];
	v16 =	vmul.f32 v16, v21  }
0xd3: {  	(erf) = vpow2.f32 v32;
	v31 =	vmul.f32 v21, v21  }
0xd4: {  	v14 =	vmul.f32 v14, v33;
	(erf) = vpow2.f32 v20;
	v16 =	vadd.f32 v16, v18  }
0xd5: {  	(erf) = vpow2.f32 v19;
	v18 =	vmul.f32 v31, v21  }
0xd6: {  	v19 =	vmul.f32 v17, v34;
	v20 =	vmul.f32 v16, v21;
	v17 =	vpop (erf)  }
0xd7: {  	v14 =	vmul.f32 v14, v22;
	v31 =	vmul.f32 v17, v23  }
0xd8: {  	v15 =	vmul.f32 v18, v22;
	(erf) = vrcp.f32 v27;
	v16 =	vpop (erf);
	v19 =	vadd.f32 v20, v19  }
0xd9: {  	v20 =	vsub.f32 $1.000000000e+00, v17;
	v55 =	vmul.f32 v16, v24;
	v18 =	vpop (erf);
	v35 =	vmul.f32 v31, v23  }
0xda: {  	v57 =	vsub.f32 $1.000000000e+00, v16;
	v56 =	vmul.f32 v18, v25;
	v15 =	vmul.f32 v19, v15  }
0xdb: {  	v36 =	vsub.f32 $1.000000000e+00, v18;
	v39 =	vmul.f32 v55, v24;
	v44 =	vmul.f32 v35, v23  }
0xdc: {  	v31 =	vadd.f32 v31, v20;
	v35 =	vmul.f32 $5.000000000e-01, v35;
	v19 =	vpop (erf);
	v40 =	vmul.f32 v56, v25  }
0xdd: {  	v32 =	vadd.f32 v55, v57;
	v37 =	vmul.f32 v19, v28;
	v33 =	vmul.f32 v39, v24  }
0xde: {  	v34 =	vadd.f32 v56, v36;
	v21 =	vpop (erf);
	v58 =	vmul.f32 $5.000000000e-01, v39;
	v0 =	vmul.f32 v44, v23  }
0xdf: {  	v38 =	vsub.f32 $1.000000000e+00, v19;
	v56 =	vmul.f32 $1.666666720e-01, v44;
	v42 =	vmul.f32 v21, v29  }
0xe0: {  	v31 =	vsub.f32 v31, v35;
	v22 =	vpop (erf);
	v59 =	vmul.f32 v40, v25;
	v60 =	vmul.f32 $5.000000000e-01, v40  }
0xe1: {  	v43 =	vsub.f32 $1.000000000e+00, v21;
	v41 =	vmul.f32 v37, v28;
	v45 =	vmul.f32 v22, v26  }
0xe2: {  	v46 =	vsub.f32 $1.000000000e+00, v22;
	v37 =	vadd.f32 v37, v38;
	v57 =	vmul.f32 v33, v24  }
0xe3: {  	v27 =	vsub.f32 v32, v58;
	v33 =	vmul.f32 $1.666666720e-01, v33;
	v23 =	vmul.f32 v0, v23  }
0xe4: {  	v20 =	vpop (erf);
	v31 =	vadd.f32 v56, v31;
	v32 =	vmul.f32 $4.166666790e-02, v0;
	v47 =	vmul.f32 v42, v29  }
0xe5: {  	v48 =	vmul.f32 v20, v30;
	v49 =	vsub.f32 $1.000000000e+00, v20;
	v58 =	vmul.f32 v59, v25  }
0xe6: {  	v42 =	vadd.f32 v42, v43;
	v39 =	vmul.f32 $1.666666720e-01, v59;
	v50 =	vmul.f32 v45, v26  }
0xe7: {  	v34 =	vsub.f32 v34, v60;
	v61 =	vmul.f32 v41, v28;
	v41 =	vmul.f32 $5.000000000e-01, v41  }
0xe8: {  	v45 =	vadd.f32 v45, v46;
	v24 =	vmul.f32 v57, v24;
	v38 =	vmul.f32 $4.166666790e-02, v57  }
0xe9: {  	v27 =	vadd.f32 v33, v27;
	v23 =	vmul.f32 $8.333333770e-03, v23;
	v51 =	vmul.f32 v48, v30  }
0xea: {  	v32 =	vsub.f32 v31, v32;
	v62 =	vmul.f32 v47, v29;
	v52 =	vmul.f32 $5.000000000e-01, v47  }
0xeb: {  	v44 =	vld.idx.msk [tilespmem:v13+s13+$0x0], $0xffff;
	v48 =	vadd.f32 v48, v49;
	v25 =	vmul.f32 v58, v25;
	v53 =	vmul.f32 v50, v26  }
0xec: {  	v0 =	vld.idx.msk [tilespmem:v12+s13+$0x0], $0xffff;
	v34 =	vadd.f32 v39, v34;
	v54 =	vmul.f32 $5.000000000e-01, v50;
	v59 =	vmul.f32 v61, v28  }
0xed: {  	v56 =	vld.idx.msk [tilespmem:v12+s12+$0x0], $0xffff;
	v37 =	vsub.f32 v37, v41;
	v40 =	vmul.f32 $1.666666720e-01, v61;
	v24 =	vmul.f32 $8.333333770e-03, v24  }
0xee: {  	v33 =	vld.idx.msk [tilespmem:v10+s13+$0x0], $0xffff;
	v38 =	vsub.f32 v27, v38;
	v55 =	vmul.f32 v51, v30;
	v63 =	vmul.f32 $5.000000000e-01, v51  }
0xef: {  	v57 =	vld.idx.msk [tilespmem:v13+s12+$0x0], $0xffff;
	v23 =	vadd.f32 v23, v32;
	v60 =	vmul.f32 v62, v29;
	v43 =	vmul.f32 $1.666666720e-01, v62  }
0xf0: {  	v49 =	vld.idx.msk [tilespmem:v9+s13+$0x0], $0xffff;
	v42 =	vsub.f32 v42, v52;
	v25 =	vmul.f32 $8.333333770e-03, v25;
	v61 =	vmul.f32 v53, v26  }
0xf1: {  	v39 =	vld.idx.msk [tilespmem:v11+s13+$0x0], $0xffff;
	v45 =	vsub.f32 v45, v54;
	v47 =	vmul.f32 $1.666666720e-01, v53;
	v28 =	vmul.f32 v59, v28  }
0xf2: {  	v51 =	vld.idx.msk [tilespmem:v5+s13+$0x0], $0xffff;
	v37 =	vadd.f32 v40, v37;
	v59 =	vmul.f32 $4.166666790e-02, v59;
	v62 =	vmul.f32 v55, v30  }
0xf3: {  	v52 =	vld.idx.msk [tilespmem:v8+s13+$0x0], $0xffff;
	v35 =	vsub.f32 v48, v63;
	v50 =	vmul.f32 $1.666666720e-01, v55;
	v63 =	vmul.f32 $4.166666790e-02, v58  }
0xf4: {  	v53 =	vld.idx.msk [tilespmem:v8+s12+$0x0], $0xffff;
	v24 =	vadd.f32 v24, v38;
	v29 =	vmul.f32 v60, v29;
	v46 =	vmul.f32 $4.166666790e-02, v60  }
0xf5: {  	v54 =	vld.idx.msk [tilespmem:v10+s12+$0x0], $0xffff;
	v42 =	vadd.f32 v43, v42;
	v26 =	vmul.f32 v61, v26;
	v48 =	vmul.f32 $4.166666790e-02, v61  }
0xf6: {  	v60 =	vld.idx.msk [tilespmem:v5+s12+$0x0], $0xffff;
	v45 =	vadd.f32 v47, v45;
	v28 =	vmul.f32 $8.333333770e-03, v28;
	v23 =	vmul.f32 v23, v49  }
0xf7: {  	v55 =	vld.idx.msk [tilespmem:v11+s12+$0x0], $0xffff;
	v43 =	vsub.f32 v37, v59;
	v30 =	vmul.f32 v62, v30;
	v36 =	vmul.f32 $4.166666790e-02, v62  }
0xf8: {  	v58 =	vld.idx.msk [tilespmem:v12+s7+$0x0], $0xffff;
	v40 =	vsub.f32 v34, v63;
	v46 =	vsub.f32 v42, v46;
	v29 =	vmul.f32 $8.333333770e-03, v29  }
0xf9: {  	v12 =	vld.idx.msk [tilespmem:v12+s14+$0x0], $0xffff;
	v26 =	vmul.f32 $8.333333770e-03, v26;
	v28 =	vadd.f32 v28, v43;
	v24 =	vmul.f32 v24, v51  }
0xfa: {  	v47 =	vld.idx.msk [tilespmem:v9+s12+$0x0], $0xffff;
	v30 =	vmul.f32 $8.333333770e-03, v30;
	v25 =	vadd.f32 v25, v40;
	v40 =	vmul.f32 v40, v53  }
0xfb: {  	v61 =	vld.idx.msk [tilespmem:v9+s7+$0x0], $0xffff;
	v48 =	vsub.f32 v45, v48;
	v43 =	vmul.f32 v43, v54;
	v53 =	vmul.f32 v6, v6  }
0xfc: {  	v9 =	vld.idx.msk [tilespmem:v9+s14+$0x0], $0xffff;
	v35 =	vadd.f32 v50, v35;
	v28 =	vmul.f32 v28, v33;
	v38 =	vmul.f32 v38, v60  }
0xfd: {  	v62 =	vld.idx.msk [tilespmem:v5+s7+$0x0], $0xffff;
	v29 =	vadd.f32 v29, v46;
	v46 =	vmul.f32 v46, v55;
	v59 =	vmul.f32 v48, v56  }
0xfe: {  	v63 =	vld.idx.msk [tilespmem:v8+s7+$0x0], $0xffff;
	v36 =	vsub.f32 v35, v36;
	v50 =	vmul.f32 v45, v58;
	v25 =	vmul.f32 v25, v52  }
0xff: {  	v5 =	vld.idx.msk [tilespmem:v5+s14+$0x0], $0xffff;
	v29 =	vmul.f32 v29, v39;
	v32 =	vmul.f32 v32, v47  }
0x100: {  	v8 =	vld.idx.msk [tilespmem:v8+s14+$0x0], $0xffff;
	v30 =	vadd.f32 v30, v36;
	v36 =	vmul.f32 v36, v57;
	v31 =	vmul.f32 v31, v61  }
0x101: {  	v54 =	vpop (erf);
	v26 =	vadd.f32 v26, v48;
	v60 =	vld.idx.msk [tilespmem:v13+s7+$0x0], $0xffff;
	v9 =	vmul.f32 v9, v17;
	v17 =	vmul.f32 v1, v1  }
0x102: {  	v52 =	vld.idx.msk [tilespmem:v11+s7+$0x0], $0xffff;
	v39 =	vmul.f32 v12, v22;
	v22 =	vmul.f32 v54, v54  }
0x103: {  	v11 =	vld.idx.msk [tilespmem:v11+s14+$0x0], $0xffff;
	v26 =	vmul.f32 v26, v0;
	v27 =	vmul.f32 v27, v62  }
0x104: {  	v0 =	vld.idx.msk [tilespmem:v10+s7+$0x0], $0xffff;
	v33 =	vmul.f32 v34, v63;
	v63 =	vmul.f32 v4, v4  }
0x105: {  	v10 =	vld.idx.msk [tilespmem:v10+s14+$0x0], $0xffff;
	v16 =	vmul.f32 v5, v16;
	v5 =	vmul.f32 v3, v3  }
0x106: {  	v8 =	vmul.f32 v8, v18;
	v18 =	vmul.f32 v7, v7  }
0x107: {  	v13 =	vld.idx.msk [tilespmem:v13+s14+$0x0], $0xffff;
	v30 =	vmul.f32 v30, v44;
	v12 =	vmul.f32 v24, v17  }
0x108: {  	v34 =	vmul.f32 v35, v60;
	v62 =	vmul.f32 v42, v52  }
0x109: {  	v52 =	vmul.f32 v2, v2;
	v11 =	vmul.f32 v11, v21  }
0x10a: {  	v61 =	vmul.f32 v37, v0;
	v10 =	vmul.f32 v10, v19  }
0x10b: {  	v12 =	vadd.f32 v12, v38;
	v19 =	vmul.f32 v23, v63;
	v23 =	vmul.f32 v28, v5  }
0x10c: {  	v0 =	vmul.f32 v13, v20;
	v13 =	vmul.f32 v63, v63  }
0x10d: {  	v20 =	vmul.f32 v29, v18;
	v28 =	vmul.f32 v12, v17  }
0x10e: {  	v21 =	vmul.f32 v25, v52;
	v25 =	vmul.f32 v26, v53  }
0x10f: {  	v12 =	vmul.f32 v52, v52;
	v7 =	vmul.f32 v11, v7  }
0x110: {  	v19 =	vadd.f32 v19, v32;
	v29 =	vmul.f32 v13, v63;
	v13 =	vmul.f32 v17, v17  }
0x111: {  	v21 =	vadd.f32 v21, v40;
	v24 =	vmul.f32 v12, v52;
	v12 =	vmul.f32 v5, v5  }
0x112: {  	v19 =	vmul.f32 v19, v63;
	v41 =	vmul.f32 v13, v17;
	v13 =	vadd.f32 v23, v43  }
0x113: {  	v17 =	vmul.f32 v30, v22;
	v23 =	vmul.f32 v18, v18  }
0x114: {  	v20 =	vadd.f32 v20, v46;
	v21 =	vmul.f32 v21, v52;
	v30 =	vmul.f32 v13, v5  }
0x115: {  	v13 =	vadd.f32 v25, v59;
	v25 =	vmul.f32 v12, v5;
	v5 =	vmul.f32 v53, v53  }
0x116: {  	v12 =	vmul.f32 v20, v18;
	v26 =	vmul.f32 v23, v18  }
0x117: {  	v17 =	vadd.f32 v17, v36;
	v59 =	vld [tilespmem:s20+$0xFFFFFFC0];
	v23 =	vmul.f32 v22, v22;
	v18 =	vmul.f32 v9, v4  }
0x118: {  	v19 =	vadd.f32 v19, v31;
	v9 =	vmul.f32 v39, v6;
	v31 =	vmul.f32 v13, v53;
	v13 =	vld [tilespmem:s20+$0xFFFFFFD0]  }
0x119: {  	v58 =	vld [tilespmem:s20+$0xFFFFFFE0];
	v20 =	vadd.f32 v28, v27;
	v6 =	vmul.f32 v0, v54;
	v27 =	vmul.f32 v5, v53  }
0x11a: {  	v44 =	vld [tilespmem:s20+$0xFFFFFFF0];
	v21 =	vadd.f32 v21, v33;
	v55 =	vmul.f32 v17, v22;
	v28 =	vmul.f32 v23, v22  }
0x11b: {  	s29 =	simm.s32 $0x12040;
	v52 =	vld [tilespmem:s20+$0x20];
	v22 =	vadd.f32 v30, v61;
	v17 =	vmul.f32 v16, v1;
	v16 =	vmul.f32 v8, v2  }
0x11c: {  	s23 =	simm.s32 $0x12840;
	[tilespmem:s29+$0x30] =	vst v15;
	v4 =	vld [tilespmem:s20+$0x10];
	v23 =	vadd.f32 v12, v62;
	v8 =	vmul.f32 v10, v3;
	v15 =	vadd.f32 v31, v50  }
0x11d: {  	s18 =	simm.s32 $0x0;
	s1 =	simm.s32 $0xF8C0;
	[tilespmem:s23+$0x30] =	vst v14;
	v61 =	vld [tilespmem:s20+$0x0];
	v14 =	vadd.f32 v55, v34;
	v11 =	vmul.f32 v29, v59;
	v10 =	vmul.f32 v41, v13  }
.LBB2_6:
0x11e: {  	_ = 	snop  }
0x11f: {  	v29 =	vld [tilespmem:s1+$0x30]  }
0x120: {  	v30 =	vld [tilespmem:s1+$0xFFFFFFD0];
	v25 =	vmul.f32 v25, v44;
	v11 =	vmul.f32 v19, v11  }
0x121: {  	v31 =	vld [tilespmem:s1+$0xFFFFFFE0];
	v10 =	vmul.f32 v20, v10;
	v24 =	vmul.f32 v24, v58  }
0x122: {  	v26 =	vmul.f32 v26, v61;
	v19 =	vmul.f32 v28, v52;
	v28 =	vld [tilespmem:s1+$0xFFFFFFF0]  }
0x123: {  	s31 =	sadd.s32 $0x80, s31;
	[tilespmem:s29+$0xFFFFFFC0] =	vst v11;
	v11 =	vmul.f32 v22, v25;
	v20 =	vmul.f32 v21, v24;
	v21 =	vld [tilespmem:s1+$0x0]  }
0x124: {  	s19 =	sadd.s32 $0x80, s19;
	v27 =	vmul.f32 v27, v4;
	[tilespmem:s31+$0x30] =	vst v29;
	v22 =	vmul.f32 v23, v26;
	v23 =	vld [tilespmem:s1+$0x10]  }
0x125: {  	v12 =	vmul.f32 v18, v59;
	[tilespmem:s31+$0xFFFFFFD0] =	vst v30;
	v25 =	vld [tilespmem:s19+$0x30]  }
0x126: {  	[tilespmem:s31+$0xFFFFFFE0] =	vst v31;
	v34 =	vshra.s32 v29, $0x2;
	v15 =	vmul.f32 v15, v27;
	v27 =	vld [tilespmem:s1+$0x20]  }
0x127: {  	v14 =	vmul.f32 v14, v19;
	v19 =	vshra.s32 v30, $0x2;
	v24 =	vshll.u32 v30, $0x3;
	v30 =	vld [tilespmem:s1+$0xFFFFFFC0];
	[tilespmem:s23+$0xFFFFFFC0] =	vst v12  }
0x128: {  	v13 =	vmul.f32 v17, v13;
	v2 =	vmul.f32 v8, v44;
	v32 =	vld [tilespmem:s19+$0xFFFFFFD0];
	[tilespmem:s29+$0xFFFFFFD0] =	vst v10  }
0x129: {  	v5 =	vmul.f32 v16, v58;
	v3 =	vmul.f32 v7, v61;
	v35 =	vld [tilespmem:s19+$0xFFFFFFE0];
	[tilespmem:s31+$0xFFFFFFF0] =	vst v28  }
0x12a: {  	v4 =	vmul.f32 v9, v4;
	v1 =	vmul.f32 v6, v52;
	v29 =	vshll.u32 v29, $0x3;
	[tilespmem:s23+$0xFFFFFFD0] =	vst v13;
	v37 =	vld [tilespmem:s19+$0xFFFFFFF0]  }
0x12b: {  	v26 =	vshll.u32 v31, $0x3;
	v18 =	vand.u32 $0x18, v24;
	v24 =	vshra.s32 v31, $0x2;
	v34 =	vld.idx.msk [tilespmem:v34+s11+$0x0], $0xffff;
	[tilespmem:s29+$0xFFFFFFF0] =	vst v11  }
0x12c: {  	s25 =	sadd.s32 $0x80, s25;
	v26 =	vand.u32 $0x18, v26;
	v31 =	vshra.s32 v28, $0x2;
	v28 =	vshll.u32 v28, $0x3;
	[tilespmem:s31+$0x0] =	vst v21;
	v19 =	vld.idx.msk [tilespmem:v19+s11+$0x0], $0xffff  }
0x12d: {  	v28 =	vand.u32 $0x18, v28;
	v33 =	vshra.s32 v21, $0x2;
	[tilespmem:s31+$0x10] =	vst v23;
	v38 =	vshra.s32 v25, $0x2;
	v9 =	vld [tilespmem:s25+$0xFFFFFFF0]  }
0x12e: {  	v21 =	vshll.u32 v21, $0x3;
	v36 =	vshra.s32 v23, $0x2;
	v23 =	vshll.u32 v23, $0x3;
	[tilespmem:s31+$0x20] =	vst v27;
	v12 =	vld [tilespmem:s19+$0x0]  }
0x12f: {  	v39 =	vshra.s32 v27, $0x2;
	v27 =	vshll.u32 v27, $0x3;
	[tilespmem:s31+$0xFFFFFFC0] =	vst v30;
	v17 =	vshra.s32 v30, $0x2;
	v40 =	vld [tilespmem:s19+$0x10]  }
0x130: {  	v30 =	vshll.u32 v30, $0x3;
	v41 =	vshra.s32 v32, $0x2;
	v32 =	vshll.u32 v32, $0x3;
	v10 =	vld [tilespmem:s19+$0xFFFFFFC0]  }
0x131: {  	v42 =	vshra.s32 v35, $0x2;
	v35 =	vshll.u32 v35, $0x3;
	v25 =	vshll.u32 v25, $0x3;
	v43 =	vld [tilespmem:s19+$0x20]  }
0x132: {  	[tilespmem:s29+$0xFFFFFFE0] =	vst v20;
	v21 =	vand.u32 $0x18, v21;
	v23 =	vand.u32 $0x18, v23;
	v27 =	vand.u32 $0x18, v27;
	v38 =	vld.idx.msk [tilespmem:v38+s11+$0x0], $0xffff  }
0x133: {  	v30 =	vand.u32 $0x18, v30;
	[tilespmem:s29+$0x0] =	vst v22;
	v24 =	vld.idx.msk [tilespmem:v24+s11+$0x0], $0xffff;
	v49 =	vshra.s32 v12, $0x2;
	v12 =	vshll.u32 v12, $0x3  }
0x134: {  	v32 =	vand.u32 $0x18, v32;
	[tilespmem:s29+$0x20] =	vst v14;
	v14 =	vld.idx.msk [tilespmem:v31+s11+$0x0], $0xffff;
	v22 =	vand.u32 $0x18, v12;
	v12 =	vand.u32 $0x18, v29  }
0x135: {  	[tilespmem:s29+$0x10] =	vst v15;
	v25 =	vand.u32 $0x18, v25;
	v48 =	vshra.s32 v37, $0x2;
	v11 =	vld.idx.msk [tilespmem:v17+s11+$0x0], $0xffff;
	v12 =	vshra.s32 v34, v12  }
0x136: {  	v50 =	vld.idx.msk [tilespmem:v36+s11+$0x0], $0xffff;
	v18 =	vshra.s32 v19, v18;
	v15 =	vshra.s32 v10, $0x2;
	v12 =	vand.u32 $0xFF, v12  }
0x137: {  	v16 =	vand.u32 $0xFF, v18;
	v18 =	vld.idx.msk [tilespmem:v41+s11+$0x0], $0xffff;
	v25 =	vshra.s32 v38, v25;
	v12 =	vmul.u32 $0x57, v12  }
0x138: {  	v37 =	vshll.u32 v37, $0x3;
	v19 =	vshra.s32 v24, v26;
	v24 =	vld.idx.msk [tilespmem:v42+s11+$0x0], $0xffff;
	v25 =	vand.u32 $0xFF, v25  }
0x139: {  	v13 =	vand.u32 $0x18, v35;
	v20 =	vand.u32 $0x18, v37;
	[tilespmem:s23+$0xFFFFFFE0] =	vst v5;
	v29 =	vld.idx.msk [tilespmem:v33+s11+$0x0], $0xffff;
	v12 =	vadd.s32 v12, v25  }
0x13a: {  	v17 =	vshra.s32 v40, $0x2;
	v40 =	vshll.u32 v40, $0x3;
	v10 =	vshll.u32 v10, $0x3;
	v8 =	vld [tilespmem:s25+$0xFFFFFFE0]  }
0x13b: {  	v31 =	vshra.s32 v43, $0x2;
	v51 =	vshll.u32 v43, $0x3;
	v40 =	vand.u32 $0x18, v40;
	v15 =	vld.idx.msk [tilespmem:v15+s11+$0x0], $0xffff  }
0x13c: {  	v10 =	vand.u32 $0x18, v10;
	v16 =	vmul.u32 $0x57, v16;
	v19 =	vand.u32 $0xFF, v19;
	v25 =	vld [tilespmem:s25+$0x30]  }
0x13d: {  	v34 =	vand.u32 $0x18, v51;
	v14 =	vshra.s32 v14, v28;
	v5 =	vmul.u32 $0x57, v19;
	v26 =	vld.idx.msk [tilespmem:v48+s11+$0x0], $0xffff  }
0x13e: {  	v11 =	vshra.s32 v11, v30;
	v19 =	vshra.s32 v29, v21;
	v21 =	vshra.s32 v50, v23;
	v23 =	vld.idx.msk [tilespmem:v12+s6+$0x0], $0xffff  }
0x13f: {  	v30 =	vld.idx.msk [tilespmem:v39+s11+$0x0], $0xffff;
	v11 =	vand.u32 $0xFF, v11;
	v18 =	vshra.s32 v18, v32;
	v13 =	vshra.s32 v24, v13  }
0x140: {  	v17 =	vld.idx.msk [tilespmem:v17+s11+$0x0], $0xffff;
	v11 =	vmul.u32 $0x57, v11;
	v18 =	vand.u32 $0xFF, v18;
	v10 =	vshra.s32 v15, v10  }
0x141: {  	v24 =	vld.idx.msk [tilespmem:v31+s11+$0x0], $0xffff;
	v32 =	vadd.s32 v16, v18;
	v10 =	vand.u32 $0xFF, v10;
	v29 =	vmul.f32 v25, v25  }
0x142: {  	v14 =	vand.u32 $0xFF, v14;
	v15 =	vld.idx.msk [tilespmem:v49+s11+$0x0], $0xffff;
	v28 =	vadd.s32 v11, v10;
	v11 =	vand.u32 $0xFF, v13  }
0x143: {  	v14 =	vmul.u32 $0x57, v14;
	v50 =	vld [tilespmem:s25+$0x20];
	v5 =	vadd.s32 v5, v11;
	v11 =	vmul.f32 v23, v29  }
0x144: {  	v19 =	vand.u32 $0xFF, v19;
	v21 =	vand.u32 $0xFF, v21;
	v16 =	vld [tilespmem:s25+$0xFFFFFFD0];
	v13 =	vshra.s32 v26, v20  }
0x145: {  	v19 =	vmul.u32 $0x57, v19;
	v10 =	vld [tilespmem:s25+$0xFFFFFFC0];
	v7 =	vand.u32 $0xFF, v13;
	v18 =	vmul.f32 $1.442695020e+00, v11  }
0x146: {  	v21 =	vmul.u32 $0x57, v21;
	v27 =	vshra.s32 v30, v27;
	v20 =	vld.idx.msk [tilespmem:v32+s6+$0x0], $0xffff;
	v13 =	vadd.s32 v14, v7  }
0x147: {  	v7 =	vld [tilespmem:s25+$0x0];
	v14 =	vshra.s32 v17, v40;
	v15 =	vshra.s32 v15, v22;
	(erf) = vpow2.f32 v18  }
0x148: {  	[tilespmem:s23+$0x0] =	vst v3;
	v3 =	vand.u32 $0xFF, v14;
	v14 =	vld [tilespmem:s25+$0x10];
	v53 =	vand.u32 $0xFF, v15;
	v15 =	vshra.s32 v24, v34  }
0x149: {  	v27 =	vand.u32 $0xFF, v27;
	v22 =	vmul.f32 v9, v9;
	v54 =	vand.u32 $0xFF, v15;
	v15 =	vld.idx.msk [tilespmem:v28+s6+$0x0], $0xffff  }
0x14a: {  	[tilespmem:s23+$0x10] =	vst v4;
	v3 =	vadd.s32 v21, v3;
	v21 =	vmul.f32 v8, v8;
	v4 =	vadd.s32 v19, v53  }
0x14b: {  	v27 =	vmul.u32 $0x57, v27;
	v29 =	vmul.f32 v50, v50;
	v17 =	vmul.f32 v10, v10;
	v23 =	vld.idx.msk [tilespmem:v5+s6+$0x0], $0xffff  }
0x14c: {  	v31 =	vld.idx.msk [tilespmem:v12+s13+$0x0], $0xffff;
	v24 =	vmul.f32 v7, v7;
	v18 =	vmul.f32 v16, v16  }
0x14d: {  	[tilespmem:s23+$0xFFFFFFF0] =	vst v2;
	v38 =	vld.idx.msk [tilespmem:v12+s12+$0x0], $0xffff;
	v2 =	vadd.s32 v27, v54;
	v26 =	vmul.f32 v14, v14;
	(erf) = vrcp.f32 v10  }
0x14e: {  	v10 =	vld.idx.msk [tilespmem:v13+s6+$0x0], $0xffff;
	(erf) = vrcp.f32 v16;
	v44 =	vmul.f32 v15, v17  }
0x14f: {  	v16 =	vld.idx.msk [tilespmem:v4+s6+$0x0], $0xffff;
	v45 =	vmul.f32 v20, v18;
	(erf) = vrcp.f32 v8  }
0x150: {  	v51 =	vld.idx.msk [tilespmem:v12+s7+$0x0], $0xffff;
	v46 =	vmul.f32 v23, v21;
	(erf) = vrcp.f32 v9;
	v33 =	vpop (erf)  }
0x151: {  	v8 =	vld.idx.msk [tilespmem:v3+s6+$0x0], $0xffff;
	v15 =	vmul.f32 $1.442695020e+00, v44;
	v56 =	vmul.f32 v33, v11  }
0x152: {  	v9 =	vld.idx.msk [tilespmem:v2+s6+$0x0], $0xffff;
	(erf) = vrcp.f32 v7;
	v18 =	vmul.f32 $1.442695020e+00, v46  }
0x153: {  	v12 =	vld.idx.msk [tilespmem:v12+s14+$0x0], $0xffff;
	v49 =	vmul.f32 v10, v22;
	v10 =	vsub.f32 $1.000000000e+00, v33;
	v7 =	vmul.f32 v56, v11  }
0x154: {  	v6 =	vld.idx.msk [tilespmem:v3+s13+$0x0], $0xffff;
	[tilespmem:s23+$0x20] =	vst v1;
	(erf) = vrcp.f32 v14;
	v47 =	vmul.f32 v16, v24  }
0x155: {  	v1 =	vadd.f32 v56, v10;
	v14 =	vmul.f32 v7, v11;
	v10 =	vmul.f32 $5.000000000e-01, v7;
	v7 =	vld.idx.msk [tilespmem:v2+s13+$0x0], $0xffff  }
0x156: {  	v48 =	vmul.f32 v8, v26;
	v8 =	vld.idx.msk [tilespmem:v28+s12+$0x0], $0xffff;
	v60 =	vpop (erf);
	(erf) = vrcp.f32 v25  }
0x157: {  	v16 =	vmul.f32 $1.442695020e+00, v45;
	v53 =	vmul.f32 v9, v29;
	v9 =	vld.idx.msk [tilespmem:v32+s12+$0x0], $0xffff  }
0x158: {  	v17 =	vmul.f32 v14, v11;
	v1 =	vsub.f32 v1, v10;
	v14 =	vmul.f32 $1.666666720e-01, v14  }
0x159: {  	[tilespmem:$0x1FF50] =	vst v6;
	v30 =	vmul.f32 $1.442695020e+00, v49;
	v62 =	vmul.f32 $1.442695020e+00, v47;
	v6 =	vpop (erf)  }
0x15a: {  	v61 =	vmul.f32 v17, v11;
	v1 =	vadd.f32 v14, v1;
	v14 =	vmul.f32 $4.166666790e-02, v17;
	[tilespmem:$0x1FF60] =	vst v7;
	v7 =	vpop (erf)  }
0x15b: {  	v57 =	vld.idx.msk [tilespmem:v5+s13+$0x0], $0xffff;
	v63 =	vmul.f32 $1.442695020e+00, v48;
	v12 =	vmul.f32 v12, v33;
	[tilespmem:$0x1FF70] =	vst v8;
	v8 =	vpop (erf)  }
0x15c: {  	v35 =	vmul.f32 $1.442695020e+00, v53;
	[tilespmem:$0x1FF80] =	vst v9;
	v56 =	vsub.f32 v1, v14;
	v17 =	vmul.f32 $8.333333770e-03, v61;
	v9 =	vpop (erf)  }
0x15d: {  	v58 =	vld.idx.msk [tilespmem:v13+s13+$0x0], $0xffff;
	v14 =	vmul.f32 v60, v60;
	v29 =	vpop (erf);
	(erf) = vpow2.f32 v15  }
0x15e: {  	v59 =	vld.idx.msk [tilespmem:v4+s13+$0x0], $0xffff;
	v1 =	vmul.f32 v1, v51;
	v17 =	vadd.f32 v17, v56;
	(erf) = vpow2.f32 v16  }
0x15f: {  	v15 =	vmul.f32 v6, v6;
	v42 =	vpop (erf);
	(erf) = vpow2.f32 v18  }
0x160: {  	v55 =	vld.idx.msk [tilespmem:v32+s13+$0x0], $0xffff;
	[tilespmem:$0x1FF20] =	vst v57;
	v57 =	vmul.f32 v42, v42;
	v18 =	vmul.f32 v17, v31  }
0x161: {  	s20 =	sadd.s32 $0x80, s20;
	v0 =	vld.idx.msk [tilespmem:v28+s13+$0x0], $0xffff;
	v16 =	vmul.f32 v7, v7;
	(erf) = vpow2.f32 v30  }
0x162: {  	v54 =	vld [tilespmem:s20+$0x30];
	[tilespmem:$0x1FF30] =	vst v58;
	v31 =	vmul.f32 v56, v38;
	v58 =	vmul.f32 v18, v57  }
0x163: {  	v27 =	vld.idx.msk [tilespmem:v13+s12+$0x0], $0xffff;
	[tilespmem:$0x1FF40] =	vst v59;
	v17 =	vmul.f32 v8, v8;
	v59 =	vmul.f32 v57, v57  }
0x164: {  	v19 =	vld.idx.msk [tilespmem:v13+s7+$0x0], $0xffff;
	[tilespmem:$0x1FFC0] =	vst v6;
	v12 =	vmul.f32 v12, v42;
	(erf) = vpow2.f32 v62;
	v6 =	vadd.f32 v58, v31  }
0x165: {  	[tilespmem:$0x1FFB0] =	vst v60;
	v60 =	vld.idx.msk [tilespmem:v28+s14+$0x0], $0xffff;
	(erf) = vpow2.f32 v63;
	v61 =	vmul.f32 v59, v57  }
0x166: {  	v10 =	vld.idx.msk [tilespmem:v5+s12+$0x0], $0xffff;
	v18 =	vmul.f32 v9, v9;
	v62 =	vmul.f32 v6, v57;
	v31 =	vpop (erf)  }
0x167: {  	[tilespmem:$0x1FF00] =	vst v0;
	v21 =	vld.idx.msk [tilespmem:v5+s7+$0x0], $0xffff;
	(erf) = vpow2.f32 v35;
	v0 =	vmul.f32 v61, v54;
	v33 =	vpop (erf)  }
0x168: {  	v23 =	vld.idx.msk [tilespmem:v13+s14+$0x0], $0xffff;
	v6 =	vmul.f32 v12, v54;
	v51 =	vmul.f32 v31, v44;
	v1 =	vadd.f32 v62, v1;
	v37 =	vpop (erf)  }
0x169: {  	[tilespmem:$0x1FF10] =	vst v55;
	v22 =	vld.idx.msk [tilespmem:v5+s14+$0x0], $0xffff;
	v55 =	vsub.f32 $1.000000000e+00, v31;
	v58 =	vmul.f32 v33, v45;
	v5 =	vmul.f32 v37, v46  }
0x16a: {  	v25 =	vld.idx.msk [tilespmem:v32+s7+$0x0], $0xffff;
	[tilespmem:$0x1FFA0] =	vst v60;
	v60 =	vsub.f32 $1.000000000e+00, v33;
	v61 =	vmul.f32 v51, v44;
	v1 =	vmul.f32 v1, v0;
	v40 =	vpop (erf)  }
0x16b: {  	[tilespmem:$0x1FF90] =	vst v10;
	v30 =	vld.idx.msk [tilespmem:v28+s7+$0x0], $0xffff;
	v62 =	vsub.f32 $1.000000000e+00, v37;
	v13 =	vmul.f32 v40, v49;
	v12 =	vmul.f32 v58, v45  }
0x16c: {  	s29 =	sadd.s32 $0x80, s29;
	v28 =	vld.idx.msk [tilespmem:v32+s14+$0x0], $0xffff;
	v0 =	vadd.f32 v51, v55;
	v32 =	vmul.f32 v5, v46;
	v36 =	vmul.f32 v61, v44  }
0x16d: {  	v26 =	vld.idx.msk [tilespmem:v4+s12+$0x0], $0xffff;
	v63 =	vsub.f32 $1.000000000e+00, v40;
	[tilespmem:s29+$0x30] =	vst v1;
	v51 =	vpop (erf);
	v61 =	vmul.f32 $5.000000000e-01, v61;
	v1 =	vmul.f32 v13, v49  }
0x16e: {  	v10 =	vld.idx.msk [tilespmem:v4+s14+$0x0], $0xffff;
	v60 =	vadd.f32 v58, v60;
	v34 =	vmul.f32 v51, v47;
	v54 =	vpop (erf);
	v43 =	vmul.f32 v12, v45  }
0x16f: {  	[tilespmem:$0x1FFF0] =	vst v9;
	v9 =	vld.idx.msk [tilespmem:v4+s7+$0x0], $0xffff;
	v5 =	vadd.f32 v5, v62;
	v56 =	vmul.f32 $5.000000000e-01, v12;
	v4 =	vmul.f32 v54, v48  }
0x170: {  	v20 =	vld.idx.msk [tilespmem:v2+s12+$0x0], $0xffff;
	v35 =	vsub.f32 $1.000000000e+00, v51;
	v57 =	vmul.f32 v32, v46;
	v32 =	vmul.f32 $5.000000000e-01, v32  }
0x171: {  	s23 =	sadd.s32 $0x80, s23;
	v24 =	vld.idx.msk [tilespmem:v3+s12+$0x0], $0xffff;
	v63 =	vadd.f32 v13, v63;
	v55 =	vpop (erf);
	(erf) = vrcp.f32 v50;
	v50 =	vmul.f32 v36, v44  }
0x172: {  	[tilespmem:s23+$0x30] =	vst v6;
	v6 =	vld.idx.msk [tilespmem:v2+s7+$0x0], $0xffff;
	v38 =	vsub.f32 $1.000000000e+00, v54;
	v36 =	vmul.f32 $1.666666720e-01, v36;
	v39 =	vmul.f32 v34, v47  }
0x173: {  	[tilespmem:$0x1FFD0] =	vst v7;
	v12 =	vld.idx.msk [tilespmem:v2+s14+$0x0], $0xffff;
	v41 =	vmul.f32 v55, v53;
	v42 =	vsub.f32 $1.000000000e+00, v55;
	v2 =	vmul.f32 v1, v49  }
0x174: {  	[tilespmem:$0x1FFE0] =	vst v8;
	v7 =	vld.idx.msk [tilespmem:v3+s7+$0x0], $0xffff;
	v34 =	vadd.f32 v34, v35;
	v35 =	vmul.f32 $5.000000000e-01, v1;
	v56 =	vsub.f32 v60, v56  }
0x175: {  	v8 =	vld.idx.msk [tilespmem:v3+s14+$0x0], $0xffff;
	v3 =	vmul.f32 v4, v48;
	v5 =	vsub.f32 v5, v32;
	v32 =	vmul.f32 v43, v45  }
0x176: {  	v38 =	vadd.f32 v4, v38;
	v43 =	vmul.f32 $1.666666720e-01, v43;
	v52 =	vmul.f32 v41, v53  }
0x177: {  	v1 =	vmul.f32 v39, v47;
	v39 =	vmul.f32 $5.000000000e-01, v39;
	v41 =	vadd.f32 v41, v42  }
0x178: {  	v35 =	vsub.f32 v63, v35;
	v63 =	vmul.f32 v57, v46;
	v57 =	vmul.f32 $1.666666720e-01, v57  }
0x179: {  	v42 =	vsub.f32 v0, v61;
	v62 =	vmul.f32 v3, v48;
	v3 =	vmul.f32 $5.000000000e-01, v3  }
0x17a: {  	v43 =	vadd.f32 v43, v56;
	v0 =	vmul.f32 v52, v53;
	v60 =	vmul.f32 $5.000000000e-01, v52  }
0x17b: {  	v34 =	vsub.f32 v34, v39;
	v39 =	vmul.f32 v2, v49;
	v36 =	vadd.f32 v36, v42  }
0x17c: {  	v42 =	vmul.f32 v62, v48;
	v41 =	vsub.f32 v41, v60;
	v60 =	vmul.f32 $1.666666720e-01, v62  }
0x17d: {  	v3 =	vsub.f32 v38, v3;
	v56 =	vmul.f32 v0, v53;
	v0 =	vmul.f32 $1.666666720e-01, v0  }
0x17e: {  	v62 =	vmul.f32 v50, v44;
	v50 =	vmul.f32 $4.166666790e-02, v50  }
0x17f: {  	v2 =	vmul.f32 $1.666666720e-01, v2;
	v5 =	vadd.f32 v57, v5;
	v3 =	vadd.f32 v60, v3;
	v60 =	vld [tilespmem:$0x1FF00]  }
0x180: {  	v0 =	vadd.f32 v0, v41;
	v41 =	vsub.f32 v36, v50;
	v57 =	vmul.f32 $8.333333770e-03, v62  }
0x181: {  	v2 =	vadd.f32 v2, v35;
	v35 =	vmul.f32 v63, v46  }
0x182: {  	v46 =	vmul.f32 $4.166666790e-02, v63;
	v63 =	vmul.f32 v56, v53;
	v53 =	vadd.f32 v57, v41  }
0x183: {  	v45 =	vmul.f32 v32, v45;
	v32 =	vmul.f32 $4.166666790e-02, v32  }
0x184: {  	v53 =	vmul.f32 v53, v60;
	v60 =	vld [tilespmem:$0x1FF10]  }
0x185: {  	v32 =	vsub.f32 v43, v32;
	v45 =	vmul.f32 $8.333333770e-03, v45;
	_ =	sdelay $0x1  }
0x186: {  	v45 =	vadd.f32 v45, v32;
	_ =	sdelay $0x1  }
0x187: {  	v45 =	vmul.f32 v45, v60;
	v60 =	vld [tilespmem:$0x1FF20]  }
0x188: {  	v46 =	vsub.f32 v5, v46;
	v35 =	vmul.f32 $8.333333770e-03, v35  }
0x189: {  	v38 =	vmul.f32 v1, v47;
	v1 =	vmul.f32 $1.666666720e-01, v1  }
0x18a: {  	v35 =	vadd.f32 v35, v46  }
0x18b: {  	v1 =	vadd.f32 v1, v34;
	v34 =	vmul.f32 v39, v49;
	v39 =	vmul.f32 $4.166666790e-02, v39  }
0x18c: {  	v35 =	vmul.f32 v35, v60;
	v60 =	vld [tilespmem:$0x1FF30]  }
0x18d: {  	v39 =	vsub.f32 v2, v39;
	v34 =	vmul.f32 $8.333333770e-03, v34;
	_ =	sdelay $0x1  }
0x18e: {  	v34 =	vadd.f32 v34, v39  }
0x18f: {  	v47 =	vmul.f32 v38, v47;
	v38 =	vmul.f32 $4.166666790e-02, v38  }
0x190: {  	v34 =	vmul.f32 v34, v60;
	v60 =	vld [tilespmem:$0x1FF40]  }
0x191: {  	v38 =	vsub.f32 v1, v38;
	v47 =	vmul.f32 $8.333333770e-03, v47;
	_ =	sdelay $0x1  }
0x192: {  	v47 =	vadd.f32 v47, v38  }
0x193: {  	v48 =	vmul.f32 v42, v48;
	v42 =	vmul.f32 $4.166666790e-02, v42  }
0x194: {  	v47 =	vmul.f32 v47, v60;
	v60 =	vld [tilespmem:$0x1FF50]  }
0x195: {  	v48 =	vmul.f32 $8.333333770e-03, v48;
	v42 =	vsub.f32 v3, v42;
	_ =	sdelay $0x1  }
0x196: {  	v48 =	vadd.f32 v48, v42  }
0x197: {  	v56 =	vmul.f32 $4.166666790e-02, v56  }
0x198: {  	v48 =	vmul.f32 v48, v60;
	v60 =	vld [tilespmem:$0x1FF60]  }
0x199: {  	v50 =	vsub.f32 v0, v56;
	v49 =	vmul.f32 $8.333333770e-03, v63  }
0x19a: {  	v54 =	vmul.f32 v8, v54  }
0x19b: {  	v25 =	vmul.f32 v43, v25;
	v5 =	vmul.f32 v5, v21;
	v49 =	vadd.f32 v49, v50  }
0x19c: {  	v2 =	vmul.f32 v2, v19;
	v1 =	vmul.f32 v1, v9  }
0x19d: {  	v9 =	vmul.f32 v10, v51;
	v49 =	vmul.f32 v49, v60;
	v60 =	vld [tilespmem:$0x1FF70]  }
0x19e: {  	v44 =	vpop (erf);
	v10 =	vmul.f32 v12, v55;
	v56 =	vmul.f32 v29, v29  }
0x19f: {  	v57 =	vmul.f32 v44, v44;
	v3 =	vmul.f32 v3, v7  }
0x1a0: {  	v0 =	vmul.f32 v0, v6;
	v6 =	vmul.f32 v28, v33  }
0x1a1: {  	v7 =	vld [tilespmem:$0x1FFA0];
	v27 =	vmul.f32 v39, v27;
	v26 =	vmul.f32 v38, v26  }
0x1a2: {  	v38 =	vmul.f32 v14, v14;
	v41 =	vmul.f32 v41, v60;
	v60 =	vld [tilespmem:$0x1FF80]  }
0x1a3: {  	v39 =	vmul.f32 v16, v16;
	v24 =	vmul.f32 v42, v24  }
0x1a4: {  	v20 =	vmul.f32 v50, v20;
	v62 =	vmul.f32 v57, v57  }
0x1a5: {  	v42 =	vmul.f32 v17, v17;
	v12 =	vmul.f32 v38, v14  }
0x1a6: {  	v28 =	vmul.f32 v62, v57;
	v53 =	vmul.f32 v53, v14  }
0x1a7: {  	v7 =	vmul.f32 v7, v31;
	v32 =	vmul.f32 v32, v60;
	v60 =	vld [tilespmem:$0x1FF90]  }
0x1a8: {  	v45 =	vmul.f32 v45, v15;
	v35 =	vmul.f32 v35, v16  }
0x1a9: {  	v34 =	vmul.f32 v34, v17;
	v47 =	vmul.f32 v47, v18  }
0x1aa: {  	v48 =	vmul.f32 v48, v56;
	v49 =	vmul.f32 v49, v57  }
0x1ab: {  	v27 =	vadd.f32 v34, v27;
	v34 =	vmul.f32 v15, v15;
	v26 =	vadd.f32 v47, v26  }
0x1ac: {  	v24 =	vadd.f32 v48, v24;
	v20 =	vadd.f32 v49, v20;
	v46 =	vmul.f32 v46, v60  }
0x1ad: {  	v62 =	vld [tilespmem:$0x1FFE0];
	v27 =	vmul.f32 v27, v17;
	v26 =	vmul.f32 v26, v18  }
0x1ae: {  	v24 =	vmul.f32 v24, v56;
	v63 =	vmul.f32 v20, v57;
	v35 =	vadd.f32 v35, v46  }
0x1af: {  	v11 =	vld [tilespmem:s20+$0xFFFFFFF0];
	v20 =	vmul.f32 v36, v30;
	v30 =	vmul.f32 v34, v15;
	v41 =	vadd.f32 v53, v41  }
0x1b0: {  	v59 =	vld [tilespmem:s20+$0xFFFFFFC0];
	v53 =	vmul.f32 v23, v40;
	v35 =	vmul.f32 v35, v16  }
0x1b1: {  	v13 =	vld [tilespmem:s20+$0xFFFFFFD0];
	v23 =	vadd.f32 v26, v1;
	v41 =	vmul.f32 v41, v14;
	v60 =	vmul.f32 v56, v56  }
0x1b2: {  	v57 =	vld [tilespmem:$0x1FFC0];
	v8 =	vmul.f32 v53, v62;
	v32 =	vadd.f32 v45, v32;
	v21 =	vadd.f32 v35, v5  }
0x1b3: {  	v5 =	vmul.f32 v22, v37;
	v22 =	vadd.f32 v27, v2;
	v27 =	vmul.f32 v60, v56;
	v56 =	vld [tilespmem:$0x1FFB0]  }
0x1b4: {  	s18 =	sadd.s32 $0x8, s18;
	v14 =	vadd.f32 v63, v0;
	v45 =	vmul.f32 v18, v18;
	v32 =	vmul.f32 v32, v15;
	v60 =	vld [tilespmem:$0x1FFD0]  }
0x1b5: {  	p0 =	slt.u32 s18, $0x78;
	v63 =	vld [tilespmem:$0x1FFF0];
	v19 =	vadd.f32 v41, v20;
	v15 =	vadd.f32 v24, v3;
	v24 =	vmul.f32 v39, v16  }
.Ltmp6:
0x1b6: {  	v26 =	vmul.f32 v45, v18;
	v20 =	vadd.f32 v32, v25;
	v25 =	vmul.f32 v42, v17;
	(pc) =	sbr.rel @p0 .LBB2_6-.Ltmp6, $4  }
0x1b7: {  	v58 =	vld [tilespmem:s20+$0xFFFFFFE0];
	v17 =	vmul.f32 v6, v57;
	v6 =	vmul.f32 v10, v44  }
0x1b8: {  	v4 =	vld [tilespmem:s20+$0x10];
	v44 =	vmov v11;
	v11 =	vmul.f32 v12, v59;
	v10 =	vmul.f32 v30, v13  }
0x1b9: {  	v61 =	vld [tilespmem:s20+$0x0];
	v18 =	vmul.f32 v7, v56;
	v16 =	vmul.f32 v5, v60  }
0x1ba: {  	s1 =	sadd.s32 $0x80, s1;
	v52 =	vld [tilespmem:s20+$0x20];
	v7 =	vmul.f32 v9, v63;
	v9 =	vmul.f32 v54, v29  }
0x1bb: {  	v0 =	vmul.f32 v19, v11  }
0x1bc: {  	v1 =	vmul.f32 v18, v59  }
0x1bd: {  	v3 =	vmul.f32 v20, v10;
	v2 =	vmul.f32 v24, v58;
	[tilespmem:s29+$0xFFFFFFC0] =	vst v0  }
0x1be: {  	v0 =	vmul.f32 v25, v44;
	[tilespmem:s23+$0xFFFFFFC0] =	vst v1;
	v1 =	vmul.f32 v17, v13  }
0x1bf: {  	[tilespmem:s29+$0xFFFFFFD0] =	vst v3;
	v5 =	vmul.f32 v26, v61;
	v2 =	vmul.f32 v21, v2  }
0x1c0: {  	v3 =	vmul.f32 v27, v4;
	v0 =	vmul.f32 v22, v0;
	[tilespmem:s23+$0xFFFFFFD0] =	vst v1  }
0x1c1: {  	v1 =	vmul.f32 v28, v52;
	v5 =	vmul.f32 v23, v5;
	[tilespmem:s29+$0xFFFFFFE0] =	vst v2  }
0x1c2: {  	v2 =	vmul.f32 v15, v3;
	[tilespmem:s29+$0xFFFFFFF0] =	vst v0  }
0x1c3: {  	v0 =	vmul.f32 v14, v1;
	[tilespmem:s29+$0x0] =	vst v5  }
0x1c4: {  	[tilespmem:s29+$0x10] =	vst v2;
	v1 =	vmul.f32 v16, v58  }
0x1c5: {  	v2 =	vmul.f32 v9, v4;
	[tilespmem:s29+$0x20] =	vst v0  }
0x1c6: {  	v0 =	vmul.f32 v8, v44;
	[tilespmem:s23+$0xFFFFFFE0] =	vst v1  }
0x1c7: {  	v1 =	vmul.f32 v7, v61;
	[tilespmem:s23+$0x10] =	vst v2  }
0x1c8: {  	[tilespmem:s23+$0xFFFFFFF0] =	vst v0;
	v0 =	vmul.f32 v6, v52  }
0x1c9: {  	s1 =	rddreg [dreg:$0x8];
	[tilespmem:s23+$0x0] =	vst v1  }
0x1ca: {  	s18 =	simm.s32 $0x11800;
	s19 =	simm.s32 $0x12000;
	p1 =	seq.s32 s26, $0x0;
	[tilespmem:s23+$0x20] =	vst v0  }
0x1cb: {  	[spmem:s1] =	stream.indirect.scatter.add.f32 [tilespmem:s19], [sflag:$0x4], $0x1, s18, s22, $0xb8;
	[tilespmem:$0x1E960] =	vst v63  }
0x1cc: {  	s31 =	simm.s32 $0x12800;
	s1 =	simm.s32 @!p1 $0x6  }
0x1cd: {  	[spmem:s10] =	stream.indirect.scatter.add.f32 [tilespmem:s31], [sflag:$0x4], $0x1, s18, s22, $0xb8;
	[tilespmem:$0x1E960] =	vst v63  }
0x1ce: {  	_ =	swait.ge @!p1 [sflag:s1], $0x800  }
0x1cf: {  	[sflag:s1] =	ssyncset.done @!p1 $0x0  }
0x1d0: {  	s18 =	sadd.s32 $0x2, s30;
	[sflag:s1] =	ssyncadd.s32 @!p1 $0xFFFFF800  }
0x1d1: {  	p0 =	sge.u32 s18, s17;
	_ =	swait.ge @!p1 [sflag:s1], $0x800  }
0x1d2: {  	s18 =	sshll.u32 @!p0 s18, $0xD;
	[sflag:s1] =	ssyncset.done @!p1 $0x0  }
0x1d3: {  	[sflag:s1] =	ssyncadd.s32 @!p1 $0xFFFFF800;
	s1 =	sor.u32 @!p0 s16, s18  }
0x1d4: {  	s19 =	simm.s32 @!p0 $0x0;
	s20 =	simm.s32 @!p0 $0x16800;
	s18 =	sadd.s32 @!p0 s2, s1  }
0x1d5: {  	[tilespmem:s20], [sflag:$0x3] =	stream.linear.gather @!p0 [hbm4b:s18+s19], $0x800, $0x38;
	[tilespmem:$0x1E960] =	vst v63  }
0x1d6: {  	s18 =	sadd.s32 @!p0 s3, s1;
	s20 =	simm.s32 @!p0 $0x17000  }
0x1d7: {  	[tilespmem:s20], [sflag:$0x3] =	stream.linear.gather @!p0 [hbm4b:s18+s19], $0x800, $0x38;
	[tilespmem:$0x1E960] =	vst v63  }
0x1d8: {  	s18 =	sadd.s32 @!p0 s5, s1;
	s20 =	simm.s32 @!p0 $0x17800  }
0x1d9: {  	[tilespmem:s20], [sflag:$0x3] =	stream.linear.gather @!p0 [hbm4b:s18+s19], $0x800, $0x38;
	[tilespmem:$0x1E960] =	vst v63  }
0x1da: {  	s1 =	sadd.s32 @!p0 s9, s1;
	s18 =	simm.s32 @!p0 $0x18000  }
0x1db: {  	v0 =	vimm.f32 $0.0e+00;
	[tilespmem:s18], [sflag:$0x3] =	stream.linear.gather @!p0 [hbm4b:s1+s19], $0x800, $0x38;
	[tilespmem:$0x1E960] =	vst v63  }
.LBB2_8:
0x1dc: {  	p0 =	sge.u32 s30, s4  }
.Ltmp7:
0x1dd: {  	_ = 	snop;
	(pc) =	sbr.rel @p0 .LBB2_12-.Ltmp7, $1  }
0x1de: {  	_ =	sdelay $0x3  }
0x1df: {  	_ =	swait.ge [sflag:s28], $0x800  }
0x1e0: {  	[sflag:s28] =	ssyncset.done $0x0  }
0x1e1: {  	[sflag:s28] =	ssyncadd.s32 $0xFFFFF800  }
0x1e2: {  	_ =	swait.ge [sflag:s28], $0x800  }
0x1e3: {  	[sflag:s28] =	ssyncset.done $0x0  }
0x1e4: {  	[sflag:s28] =	ssyncadd.s32 $0xFFFFF800  }
0x1e5: {  	_ =	swait.ge [sflag:s28], $0x800  }
0x1e6: {  	[sflag:s28] =	ssyncset.done $0x0  }
0x1e7: {  	[sflag:s28] =	ssyncadd.s32 $0xFFFFF800  }
0x1e8: {  	_ =	swait.ge [sflag:s28], $0x800  }
0x1e9: {  	[sflag:s28] =	ssyncset.done $0x0  }
0x1ea: {  	s1 =	simm.s32 $0x13040;
	[sflag:s28] =	ssyncadd.s32 $0xFFFFF800  }
0x1eb: {  	v0 =	vld [tilespmem:s1+$0x30]  }
0x1ec: {  	v1 =	vld [tilespmem:s1+$0xFFFFFFD0]  }
0x1ed: {  	v2 =	vld [tilespmem:s1+$0xFFFFFFE0]  }
0x1ee: {  	v3 =	vld [tilespmem:s1+$0xFFFFFFF0]  }
0x1ef: {  	v4 =	vld [tilespmem:s1+$0x0]  }
0x1f0: {  	v6 =	vld [tilespmem:s1+$0x10]  }
0x1f1: {  	s31 =	simm.s32 $0x15040;
	v7 =	vld [tilespmem:s1+$0x20]  }
0x1f2: {  	s19 =	simm.s32 $0x13840;
	v8 =	vld [tilespmem:s1+$0xFFFFFFC0];
	[tilespmem:s31+$0x30] =	vst v0  }
0x1f3: {  	[tilespmem:s31+$0xFFFFFFD0] =	vst v1;
	v5 =	vld [tilespmem:s19+$0x30]  }
0x1f4: {  	[tilespmem:s31+$0xFFFFFFE0] =	vst v2;
	v11 =	vld [tilespmem:s19+$0xFFFFFFD0]  }
0x1f5: {  	v9 =	vshra.s32 v0, $0x2;
	[tilespmem:s31+$0xFFFFFFF0] =	vst v3;
	v13 =	vld [tilespmem:s19+$0xFFFFFFE0]  }
0x1f6: {  	v10 =	vshra.s32 v1, $0x2;
	v1 =	vshll.u32 v1, $0x3;
	v12 =	vshll.u32 v2, $0x3;
	[tilespmem:s31+$0x0] =	vst v4;
	v16 =	vld [tilespmem:s19+$0xFFFFFFF0]  }
0x1f7: {  	v2 =	vshra.s32 v2, $0x2;
	v15 =	vshra.s32 v3, $0x2;
	[tilespmem:s31+$0x10] =	vst v6;
	v20 =	vshra.s32 v8, $0x2;
	v18 =	vld [tilespmem:s19+$0x0]  }
0x1f8: {  	v3 =	vshll.u32 v3, $0x3;
	v23 =	vshll.u32 v7, $0x3;
	[tilespmem:s31+$0xFFFFFFC0] =	vst v8;
	v21 =	vld [tilespmem:s19+$0x10];
	v14 =	vshra.s32 v5, $0x2  }
0x1f9: {  	v17 =	vshra.s32 v4, $0x2;
	v22 =	vshra.s32 v7, $0x2;
	[tilespmem:s31+$0x20] =	vst v7;
	v7 =	vand.u32 $0x18, v23;
	v23 =	vld [tilespmem:s19+$0xFFFFFFC0]  }
0x1fa: {  	v4 =	vshll.u32 v4, $0x3;
	v19 =	vshll.u32 v6, $0x3;
	v6 =	vshra.s32 v6, $0x2;
	v25 =	vld [tilespmem:s19+$0x20]  }
0x1fb: {  	v8 =	vshll.u32 v8, $0x3;
	v0 =	vshll.u32 v0, $0x3;
	v1 =	vand.u32 $0x18, v1;
	v9 =	vld.idx.msk [tilespmem:v9+s11+$0x0], $0xffff  }
0x1fc: {  	v12 =	vand.u32 $0x18, v12;
	v3 =	vand.u32 $0x18, v3;
	v4 =	vand.u32 $0x18, v4;
	v20 =	vld.idx.msk [tilespmem:v20+s11+$0x0], $0xffff  }
0x1fd: {  	v19 =	vand.u32 $0x18, v19;
	v8 =	vand.u32 $0x18, v8;
	v0 =	vand.u32 $0x18, v0;
	v14 =	vld.idx.msk [tilespmem:v14+s11+$0x0], $0xffff  }
0x1fe: {  	v10 =	vld.idx.msk [tilespmem:v10+s11+$0x0], $0xffff;
	v24 =	vshra.s32 v11, $0x2;
	v11 =	vshll.u32 v11, $0x3;
	v5 =	vshll.u32 v5, $0x3  }
0x1ff: {  	v2 =	vld.idx.msk [tilespmem:v2+s11+$0x0], $0xffff;
	v26 =	vshra.s32 v23, $0x2;
	v27 =	vshra.s32 v16, $0x2;
	v16 =	vshll.u32 v16, $0x3  }
0x200: {  	v15 =	vld.idx.msk [tilespmem:v15+s11+$0x0], $0xffff;
	v23 =	vshll.u32 v23, $0x3;
	v28 =	vshra.s32 v25, $0x2;
	v0 =	vshra.s32 v9, v0  }
0x201: {  	s25 =	simm.s32 $0x14040;
	v17 =	vld.idx.msk [tilespmem:v17+s11+$0x0], $0xffff;
	v25 =	vshll.u32 v25, $0x3;
	v5 =	vand.u32 $0x18, v5;
	v0 =	vand.u32 $0xFF, v0  }
0x202: {  	v29 =	vld [tilespmem:s25+$0x30];
	v11 =	vand.u32 $0x18, v11;
	v0 =	vmul.u32 $0x57, v0;
	v5 =	vshra.s32 v14, v5  }
0x203: {  	v22 =	vld.idx.msk [tilespmem:v22+s11+$0x0], $0xffff;
	v23 =	vand.u32 $0x18, v23;
	v25 =	vand.u32 $0x18, v25;
	v5 =	vand.u32 $0xFF, v5  }
0x204: {  	v9 =	vshra.s32 v13, $0x2;
	v13 =	vshll.u32 v13, $0x3;
	v14 =	vadd.s32 v0, v5  }
0x205: {  	v6 =	vld.idx.msk [tilespmem:v6+s11+$0x0], $0xffff;
	v8 =	vshra.s32 v20, v8;
	v1 =	vshra.s32 v10, v1;
	v2 =	vshra.s32 v2, v12  }
0x206: {  	v3 =	vshra.s32 v15, v3;
	v4 =	vshra.s32 v17, v4;
	v20 =	vld.idx.msk [tilespmem:v26+s11+$0x0], $0xffff;
	v5 =	vshra.s32 v18, $0x2  }
0x207: {  	v24 =	vld.idx.msk [tilespmem:v24+s11+$0x0], $0xffff;
	v0 =	vand.u32 $0x18, v16;
	v16 =	vshll.u32 v18, $0x3;
	v18 =	vshra.s32 v21, $0x2  }
0x208: {  	v15 =	vmul.f32 v29, v29;
	v7 =	vshra.s32 v22, v7;
	v13 =	vand.u32 $0x18, v13;
	v12 =	vld.idx.msk [tilespmem:v27+s11+$0x0], $0xffff  }
0x209: {  	v8 =	vand.u32 $0xFF, v8;
	v1 =	vand.u32 $0xFF, v1;
	v2 =	vand.u32 $0xFF, v2;
	v10 =	vld.idx.msk [tilespmem:v14+s6+$0x0], $0xffff  }
0x20a: {  	v3 =	vand.u32 $0xFF, v3;
	v4 =	vand.u32 $0xFF, v4;
	v7 =	vand.u32 $0xFF, v7;
	v9 =	vld.idx.msk [tilespmem:v9+s11+$0x0], $0xffff  }
0x20b: {  	v8 =	vmul.u32 $0x57, v8;
	v1 =	vmul.u32 $0x57, v1;
	v2 =	vmul.u32 $0x57, v2;
	v17 =	vld.idx.msk [tilespmem:v5+s11+$0x0], $0xffff  }
0x20c: {  	v3 =	vmul.u32 $0x57, v3;
	v4 =	vmul.u32 $0x57, v4;
	v5 =	vshra.s32 v6, v19;
	v6 =	vld.idx.msk [tilespmem:v18+s11+$0x0], $0xffff  }
0x20d: {  	v7 =	vmul.u32 $0x57, v7;
	v16 =	vand.u32 $0x18, v16;
	v18 =	vld.idx.msk [tilespmem:v28+s11+$0x0], $0xffff;
	v5 =	vand.u32 $0xFF, v5  }
0x20e: {  	v19 =	vmul.u32 $0x57, v5;
	v5 =	vshra.s32 v24, v11;
	v15 =	vmul.f32 v10, v15  }
0x20f: {  	v22 =	vld [tilespmem:s25+$0xFFFFFFD0];
	v0 =	vshra.s32 v12, v0;
	v13 =	vshra.s32 v9, v13;
	v5 =	vand.u32 $0xFF, v5  }
0x210: {  	v27 =	vld [tilespmem:s25+$0x20];
	v5 =	vadd.s32 v1, v5;
	v10 =	vshra.s32 v20, v23;
	v11 =	vmul.f32 $1.442695020e+00, v15  }
0x211: {  	v0 =	vand.u32 $0xFF, v0;
	v24 =	vld [tilespmem:s25+$0xFFFFFFF0];
	v1 =	vand.u32 $0xFF, v13;
	v10 =	vand.u32 $0xFF, v10  }
0x212: {  	v20 =	vld [tilespmem:s25+$0xFFFFFFC0];
	v13 =	vshra.s32 v18, v25;
	v9 =	vadd.s32 v8, v10;
	(erf) = vpow2.f32 v11  }
0x213: {  	v23 =	vld [tilespmem:s25+$0xFFFFFFE0];
	v8 =	vadd.s32 v2, v1;
	v2 =	vshra.s32 v17, v16;
	v10 =	vadd.s32 v3, v0  }
0x214: {  	v13 =	vand.u32 $0xFF, v13;
	v1 =	vld [tilespmem:s25+$0x0];
	v2 =	vand.u32 $0xFF, v2  }
0x215: {  	v21 =	vshll.u32 v21, $0x3;
	v13 =	vadd.s32 v7, v13;
	v11 =	vadd.s32 v4, v2;
	v2 =	vld.idx.msk [tilespmem:v5+s6+$0x0], $0xffff  }
0x216: {  	v21 =	vand.u32 $0x18, v21;
	v3 =	vld [tilespmem:s25+$0x10];
	v17 =	vmul.f32 v22, v22;
	v7 =	vmul.f32 v27, v27  }
0x217: {  	v0 =	vshra.s32 v6, v21;
	v4 =	vmul.f32 v24, v24;
	(erf) = vrcp.f32 v20;
	v16 =	vld.idx.msk [tilespmem:v9+s6+$0x0], $0xffff  }
0x218: {  	v0 =	vand.u32 $0xFF, v0;
	v6 =	vmul.f32 v20, v20;
	(erf) = vrcp.f32 v22;
	v22 =	vld.idx.msk [tilespmem:v10+s6+$0x0], $0xffff  }
0x219: {  	v12 =	vadd.s32 v19, v0;
	v18 =	vmul.f32 v23, v23;
	v19 =	vld.idx.msk [tilespmem:v8+s6+$0x0], $0xffff;
	(erf) = vrcp.f32 v23  }
0x21a: {  	(erf) = vrcp.f32 v24;
	v24 =	vmul.f32 v2, v17;
	v17 =	vld.idx.msk [tilespmem:v13+s6+$0x0], $0xffff  }
0x21b: {  	v0 =	vmul.f32 v1, v1;
	v20 =	vmul.f32 v3, v3;
	v21 =	vpop (erf)  }
0x21c: {  	v33 =	vld.idx.msk [tilespmem:v14+s7+$0x0], $0xffff;
	v23 =	vmul.f32 v16, v6;
	v6 =	vmul.f32 v21, v15  }
0x21d: {  	v16 =	vld.idx.msk [tilespmem:v11+s6+$0x0], $0xffff;
	v28 =	vmul.f32 v22, v4;
	(erf) = vrcp.f32 v1  }
0x21e: {  	v22 =	vld.idx.msk [tilespmem:v14+s12+$0x0], $0xffff;
	(erf) = vrcp.f32 v3;
	v3 =	vsub.f32 $1.000000000e+00, v21;
	v2 =	vmul.f32 v6, v15  }
0x21f: {  	v25 =	vmul.f32 v19, v18;
	v1 =	vld.idx.msk [tilespmem:v12+s6+$0x0], $0xffff;
	v30 =	vmul.f32 v17, v7  }
0x220: {  	v17 =	vld.idx.msk [tilespmem:v14+s13+$0x0], $0xffff;
	v3 =	vadd.f32 v6, v3;
	v18 =	vmul.f32 v2, v15;
	v2 =	vmul.f32 $5.000000000e-01, v2  }
0x221: {  	v14 =	vld.idx.msk [tilespmem:v14+s14+$0x0], $0xffff;
	(erf) = vrcp.f32 v29  }
0x222: {  	v6 =	vmul.f32 $1.442695020e+00, v23;
	v29 =	vmul.f32 v16, v0;
	v2 =	vsub.f32 v3, v2  }
0x223: {  	v19 =	vmul.f32 v18, v15;
	v3 =	vmul.f32 $1.666666720e-01, v18  }
0x224: {  	v4 =	vpop (erf);
	v26 =	vmul.f32 v1, v20;
	v20 =	vmul.f32 $1.442695020e+00, v28  }
0x225: {  	v1 =	vpop (erf);
	v0 =	vmul.f32 v19, v15;
	v15 =	vadd.f32 v3, v2;
	v16 =	vmul.f32 $4.166666790e-02, v19  }
0x226: {  	v31 =	vmul.f32 $1.442695020e+00, v29;
	v14 =	vmul.f32 v14, v21;
	v2 =	vpop (erf)  }
0x227: {  	v18 =	vmul.f32 $1.442695020e+00, v24;
	v16 =	vsub.f32 v15, v16;
	v0 =	vmul.f32 $8.333333770e-03, v0;
	v3 =	vpop (erf)  }
0x228: {  	v19 =	vmul.f32 $1.442695020e+00, v25;
	v7 =	vpop (erf);
	(erf) = vpow2.f32 v6  }
0x229: {  	v0 =	vadd.f32 v0, v16;
	v16 =	vmul.f32 v16, v22;
	v6 =	vpop (erf);
	(erf) = vpow2.f32 v18  }
0x22a: {  	v18 =	vmul.f32 $1.442695020e+00, v26;
	v32 =	vpop (erf);
	(erf) = vpow2.f32 v19  }
0x22b: {  	s20 =	simm.s32 $0x14840;
	v0 =	vmul.f32 v0, v17;
	v19 =	vmul.f32 v32, v32  }
0x22c: {  	v17 =	vmul.f32 $1.442695020e+00, v30;
	(erf) = vpow2.f32 v20;
	v20 =	vld [tilespmem:s20+$0x30]  }
0x22d: {  	v0 =	vmul.f32 v0, v19;
	v22 =	vmul.f32 v19, v19  }
0x22e: {  	v15 =	vmul.f32 v15, v33;
	(erf) = vpow2.f32 v31  }
0x22f: {  	(erf) = vpow2.f32 v18;
	v0 =	vadd.f32 v0, v16;
	v18 =	vmul.f32 v22, v19  }
0x230: {  	v14 =	vmul.f32 v14, v32;
	(erf) = vpow2.f32 v17  }
0x231: {  	v0 =	vmul.f32 v0, v19;
	v17 =	vpop (erf);
	v19 =	vmul.f32 v18, v20  }
0x232: {  	v14 =	vmul.f32 v14, v20;
	v16 =	vpop (erf)  }
0x233: {  	(erf) = vrcp.f32 v27;
	v22 =	vmul.f32 v17, v23;
	v0 =	vadd.f32 v0, v15;
	v18 =	vpop (erf)  }
0x234: {  	v57 =	vsub.f32 $1.000000000e+00, v17;
	v31 =	vmul.f32 v16, v24;
	v34 =	vmul.f32 v18, v25  }
0x235: {  	v58 =	vsub.f32 $1.000000000e+00, v16;
	v35 =	vmul.f32 v22, v23;
	v15 =	vmul.f32 v0, v19;
	v19 =	vpop (erf)  }
0x236: {  	v33 =	vadd.f32 v22, v57;
	v38 =	vmul.f32 v31, v24;
	v36 =	vmul.f32 v19, v28  }
0x237: {  	v0 =	vsub.f32 $1.000000000e+00, v18;
	v39 =	vmul.f32 v34, v25;
	v21 =	vpop (erf);
	v43 =	vmul.f32 v35, v23  }
0x238: {  	v31 =	vadd.f32 v31, v58;
	v35 =	vmul.f32 $5.000000000e-01, v35;
	v41 =	vmul.f32 v21, v29  }
0x239: {  	v37 =	vsub.f32 $1.000000000e+00, v19;
	v22 =	vpop (erf);
	v32 =	vmul.f32 v38, v24;
	v59 =	vmul.f32 $5.000000000e-01, v38  }
0x23a: {  	v42 =	vsub.f32 $1.000000000e+00, v21;
	v40 =	vmul.f32 v36, v28;
	v44 =	vmul.f32 v22, v26  }
0x23b: {  	v0 =	vadd.f32 v34, v0;
	v60 =	vmul.f32 v39, v25;
	v61 =	vmul.f32 $5.000000000e-01, v39  }
0x23c: {  	v20 =	vpop (erf);
	v45 =	vsub.f32 $1.000000000e+00, v22;
	v57 =	vmul.f32 $1.666666720e-01, v43;
	v46 =	vmul.f32 v41, v29  }
0x23d: {  	v47 =	vmul.f32 v20, v30;
	v27 =	vsub.f32 v31, v59;
	v31 =	vmul.f32 v43, v23  }
0x23e: {  	v36 =	vadd.f32 v36, v37;
	v58 =	vmul.f32 v32, v24;
	v32 =	vmul.f32 $1.666666720e-01, v32  }
0x23f: {  	v33 =	vsub.f32 v33, v35;
	v49 =	vmul.f32 v44, v26;
	v62 =	vmul.f32 v40, v28  }
0x240: {  	v48 =	vsub.f32 $1.000000000e+00, v20;
	v40 =	vmul.f32 $5.000000000e-01, v40;
	v59 =	vmul.f32 v60, v25  }
0x241: {  	v41 =	vadd.f32 v41, v42;
	v38 =	vmul.f32 $1.666666720e-01, v60;
	v50 =	vmul.f32 v47, v30  }
0x242: {  	v44 =	vadd.f32 v44, v45;
	v63 =	vmul.f32 v46, v29;
	v52 =	vmul.f32 $5.000000000e-01, v46  }
0x243: {  	v0 =	vsub.f32 v0, v61;
	v23 =	vmul.f32 v31, v23;
	v31 =	vmul.f32 $4.166666790e-02, v31  }
0x244: {  	v33 =	vadd.f32 v57, v33;
	v24 =	vmul.f32 v58, v24;
	v37 =	vmul.f32 $4.166666790e-02, v58  }
0x245: {  	v47 =	vadd.f32 v47, v48;
	v53 =	vmul.f32 v49, v26;
	v54 =	vmul.f32 $5.000000000e-01, v49  }
0x246: {  	v27 =	vadd.f32 v32, v27;
	v60 =	vmul.f32 v62, v28;
	v39 =	vmul.f32 $1.666666720e-01, v62  }
0x247: {  	v51 =	vld.idx.msk [tilespmem:v8+s13+$0x0], $0xffff;
	v36 =	vsub.f32 v36, v40;
	v25 =	vmul.f32 v59, v25;
	v58 =	vmul.f32 $4.166666790e-02, v59  }
0x248: {  	v48 =	vld.idx.msk [tilespmem:v9+s13+$0x0], $0xffff;
	v0 =	vadd.f32 v38, v0;
	v55 =	vmul.f32 v50, v30;
	v56 =	vmul.f32 $5.000000000e-01, v50  }
0x249: {  	v32 =	vld.idx.msk [tilespmem:v10+s13+$0x0], $0xffff;
	v41 =	vsub.f32 v41, v52;
	v61 =	vmul.f32 v63, v29;
	v42 =	vmul.f32 $1.666666720e-01, v63  }
0x24a: {  	v38 =	vld.idx.msk [tilespmem:v11+s13+$0x0], $0xffff;
	v31 =	vsub.f32 v33, v31;
	v37 =	vsub.f32 v27, v37;
	v23 =	vmul.f32 $8.333333770e-03, v23  }
0x24b: {  	v40 =	vld.idx.msk [tilespmem:v12+s13+$0x0], $0xffff;
	v24 =	vmul.f32 $8.333333770e-03, v24;
	v50 =	vmul.f32 v2, v2;
	v44 =	vsub.f32 v44, v54  }
0x24c: {  	v63 =	vld.idx.msk [tilespmem:v5+s13+$0x0], $0xffff;
	v62 =	vmul.f32 v53, v26;
	v46 =	vmul.f32 $1.666666720e-01, v53;
	v36 =	vadd.f32 v39, v36  }
0x24d: {  	v52 =	vld.idx.msk [tilespmem:v8+s12+$0x0], $0xffff;
	v28 =	vmul.f32 v60, v28;
	v59 =	vmul.f32 $4.166666790e-02, v60;
	v39 =	vsub.f32 v0, v58  }
0x24e: {  	v53 =	vld.idx.msk [tilespmem:v10+s12+$0x0], $0xffff;
	v25 =	vmul.f32 $8.333333770e-03, v25;
	v35 =	vsub.f32 v47, v56;
	v57 =	vmul.f32 v55, v30  }
0x24f: {  	v54 =	vld.idx.msk [tilespmem:v11+s12+$0x0], $0xffff;
	v49 =	vmul.f32 $1.666666720e-01, v55;
	v41 =	vadd.f32 v42, v41;
	v29 =	vmul.f32 v61, v29  }
0x250: {  	v58 =	vld.idx.msk [tilespmem:v10+s7+$0x0], $0xffff;
	v45 =	vmul.f32 $4.166666790e-02, v61;
	v23 =	vadd.f32 v23, v31;
	v24 =	vadd.f32 v24, v37  }
0x251: {  	v10 =	vld.idx.msk [tilespmem:v10+s14+$0x0], $0xffff;
	v44 =	vadd.f32 v46, v44;
	v26 =	vmul.f32 v62, v26;
	v47 =	vmul.f32 $4.166666790e-02, v62  }
0x252: {  	v61 =	vld.idx.msk [tilespmem:v9+s12+$0x0], $0xffff;
	v42 =	vsub.f32 v36, v59;
	v28 =	vmul.f32 $8.333333770e-03, v28;
	v30 =	vmul.f32 v57, v30  }
0x253: {  	v55 =	vld.idx.msk [tilespmem:v12+s12+$0x0], $0xffff;
	v25 =	vadd.f32 v25, v39;
	v34 =	vmul.f32 $4.166666790e-02, v57;
	v29 =	vmul.f32 $8.333333770e-03, v29  }
0x254: {  	v56 =	vld.idx.msk [tilespmem:v13+s12+$0x0], $0xffff;
	v35 =	vadd.f32 v49, v35;
	v23 =	vmul.f32 v23, v48;
	v26 =	vmul.f32 $8.333333770e-03, v26  }
0x255: {  	v62 =	vld.idx.msk [tilespmem:v5+s12+$0x0], $0xffff;
	v45 =	vsub.f32 v41, v45;
	v24 =	vmul.f32 v24, v63;
	v25 =	vmul.f32 v25, v51  }
0x256: {  	v59 =	vld.idx.msk [tilespmem:v11+s7+$0x0], $0xffff;
	v47 =	vsub.f32 v44, v47;
	v39 =	vmul.f32 v39, v52;
	v51 =	vmul.f32 v6, v6  }
0x257: {  	v11 =	vld.idx.msk [tilespmem:v11+s14+$0x0], $0xffff;
	v28 =	vadd.f32 v28, v42;
	v30 =	vmul.f32 $8.333333770e-03, v30;
	v42 =	vmul.f32 v42, v53  }
0x258: {  	v48 =	vld.idx.msk [tilespmem:v9+s7+$0x0], $0xffff;
	v29 =	vadd.f32 v29, v45;
	v45 =	vmul.f32 v45, v54;
	v10 =	vmul.f32 v10, v19  }
0x259: {  	v57 =	vld.idx.msk [tilespmem:v8+s7+$0x0], $0xffff;
	v34 =	vsub.f32 v35, v34;
	v28 =	vmul.f32 v28, v32;
	v31 =	vmul.f32 v31, v61  }
0x25a: {  	v9 =	vld.idx.msk [tilespmem:v9+s14+$0x0], $0xffff;
	v61 =	vmul.f32 v47, v55;
	v29 =	vmul.f32 v29, v38  }
0x25b: {  	v8 =	vld.idx.msk [tilespmem:v8+s14+$0x0], $0xffff;
	v30 =	vadd.f32 v30, v34;
	v37 =	vmul.f32 v37, v62;
	v34 =	vmul.f32 v34, v56  }
0x25c: {  	v60 =	vld.idx.msk [tilespmem:v13+s13+$0x0], $0xffff;
	v26 =	vadd.f32 v26, v47;
	v49 =	vmul.f32 v41, v59;
	v38 =	vmul.f32 v4, v4  }
0x25d: {  	v63 =	vld.idx.msk [tilespmem:v5+s7+$0x0], $0xffff;
	v11 =	vmul.f32 v11, v21;
	v21 =	vmul.f32 v25, v50  }
0x25e: {  	v5 =	vld.idx.msk [tilespmem:v5+s14+$0x0], $0xffff;
	v26 =	vmul.f32 v26, v40;
	v33 =	vmul.f32 v33, v48  }
0x25f: {  	v0 =	vmul.f32 v0, v57;
	v9 =	vmul.f32 v9, v17  }
0x260: {  	v17 =	vmul.f32 v1, v1;
	v8 =	vmul.f32 v8, v18  }
0x261: {  	v62 =	vld.idx.msk [tilespmem:v13+s7+$0x0], $0xffff;
	v18 =	vmul.f32 v7, v7;
	v30 =	vmul.f32 v30, v60  }
0x262: {  	v13 =	vld.idx.msk [tilespmem:v13+s14+$0x0], $0xffff;
	v27 =	vmul.f32 v27, v63;
	v63 =	vmul.f32 v36, v58  }
0x263: {  	v60 =	vld.idx.msk [tilespmem:v12+s7+$0x0], $0xffff;
	v16 =	vmul.f32 v5, v16;
	v5 =	vmul.f32 v3, v3  }
0x264: {  	v12 =	vld.idx.msk [tilespmem:v12+s14+$0x0], $0xffff;
	v19 =	vmul.f32 v23, v38;
	v21 =	vadd.f32 v21, v39;
	v7 =	vmul.f32 v11, v7  }
0x265: {  	v25 =	vmul.f32 v26, v51;
	v23 =	vmul.f32 v28, v5  }
0x266: {  	v19 =	vadd.f32 v19, v31;
	v21 =	vmul.f32 v21, v50;
	v32 =	vmul.f32 v35, v62  }
0x267: {  	v31 =	vmul.f32 v13, v20;
	v13 =	vmul.f32 v38, v38  }
0x268: {  	v59 =	vld [tilespmem:s20+$0xFFFFFFC0];
	v20 =	vmul.f32 v29, v18;
	v19 =	vmul.f32 v19, v38  }
0x269: {  	v53 =	vmul.f32 v12, v22;
	v12 =	vmul.f32 v24, v17  }
0x26a: {  	v52 =	vpop (erf);
	v29 =	vmul.f32 v13, v38;
	v13 =	vmul.f32 v17, v17  }
0x26b: {  	v36 =	vmul.f32 v44, v60;
	v22 =	vmul.f32 v52, v52;
	v12 =	vadd.f32 v12, v37  }
0x26c: {  	v54 =	vmul.f32 v13, v17;
	v13 =	vadd.f32 v23, v42;
	v23 =	vmul.f32 v18, v18  }
0x26d: {  	v11 =	vmul.f32 v29, v59;
	v28 =	vmul.f32 v12, v17  }
0x26e: {  	v12 =	vmul.f32 v50, v50;
	v17 =	vmul.f32 v30, v22  }
0x26f: {  	v30 =	vmul.f32 v13, v5;
	v13 =	vadd.f32 v25, v61;
	v26 =	vmul.f32 v23, v18  }
0x270: {  	v24 =	vmul.f32 v12, v50;
	v12 =	vmul.f32 v5, v5  }
0x271: {  	v20 =	vadd.f32 v20, v45;
	v23 =	vmul.f32 v22, v22;
	v55 =	vmul.f32 v13, v51  }
0x272: {  	v17 =	vadd.f32 v17, v34;
	v25 =	vmul.f32 v12, v5;
	v5 =	vmul.f32 v51, v51  }
0x273: {  	v21 =	vadd.f32 v21, v0;
	v13 =	vld [tilespmem:s20+$0xFFFFFFD0];
	v12 =	vmul.f32 v20, v18;
	v18 =	vmul.f32 v9, v4  }
0x274: {  	v58 =	vld [tilespmem:s20+$0xFFFFFFE0];
	v20 =	vadd.f32 v28, v27;
	v0 =	vmul.f32 v17, v22;
	v28 =	vmul.f32 v23, v22  }
0x275: {  	v60 =	vld [tilespmem:s20+$0x0];
	v19 =	vadd.f32 v19, v33;
	v17 =	vmul.f32 v16, v1;
	v16 =	vmul.f32 v8, v2  }
0x276: {  	s29 =	simm.s32 $0x15840;
	v61 =	vld [tilespmem:s20+$0xFFFFFFF0];
	v22 =	vadd.f32 v30, v63;
	v8 =	vmul.f32 v10, v3;
	v9 =	vmul.f32 v53, v6  }
0x277: {  	s23 =	simm.s32 $0x16040;
	[tilespmem:s29+$0x30] =	vst v15;
	v15 =	vadd.f32 v55, v36;
	v6 =	vmul.f32 v31, v52;
	v4 =	vld [tilespmem:s20+$0x10];
	v27 =	vmul.f32 v5, v51  }
0x278: {  	s18 =	simm.s32 $0x0;
	s1 =	simm.s32 $0x130C0;
	[tilespmem:s23+$0x30] =	vst v14;
	v1 =	vld [tilespmem:s20+$0x20];
	v23 =	vadd.f32 v12, v49;
	v14 =	vadd.f32 v0, v32;
	v10 =	vmul.f32 v54, v13  }
.LBB2_10:
0x279: {  	_ = 	snop  }
0x27a: {  	v0 =	vld [tilespmem:s1+$0x30]  }
0x27b: {  	v29 =	vld [tilespmem:s1+$0xFFFFFFD0];
	v11 =	vmul.f32 v19, v11;
	v10 =	vmul.f32 v20, v10  }
0x27c: {  	v30 =	vld [tilespmem:s1+$0xFFFFFFE0];
	v24 =	vmul.f32 v24, v58;
	v25 =	vmul.f32 v25, v61  }
0x27d: {  	v26 =	vmul.f32 v26, v60;
	v19 =	vmul.f32 v28, v1;
	v28 =	vld [tilespmem:s1+$0xFFFFFFF0]  }
0x27e: {  	s31 =	sadd.s32 $0x80, s31;
	[tilespmem:s29+$0xFFFFFFC0] =	vst v11;
	v27 =	vmul.f32 v27, v4;
	v20 =	vmul.f32 v21, v24;
	v21 =	vld [tilespmem:s1+$0x0]  }
0x27f: {  	s19 =	sadd.s32 $0x80, s19;
	[tilespmem:s31+$0x30] =	vst v0;
	v11 =	vmul.f32 v22, v25;
	v22 =	vmul.f32 v23, v26;
	v23 =	vld [tilespmem:s1+$0x10]  }
0x280: {  	v12 =	vmul.f32 v18, v59;
	[tilespmem:s31+$0xFFFFFFD0] =	vst v29;
	v25 =	vld [tilespmem:s19+$0x30]  }
0x281: {  	v13 =	vmul.f32 v17, v13;
	[tilespmem:s31+$0xFFFFFFE0] =	vst v30;
	v33 =	vshra.s32 v0, $0x2;
	v15 =	vmul.f32 v15, v27;
	v27 =	vld [tilespmem:s1+$0x20]  }
0x282: {  	v14 =	vmul.f32 v14, v19;
	v19 =	vshra.s32 v29, $0x2;
	v24 =	vshll.u32 v29, $0x3;
	v29 =	vld [tilespmem:s1+$0xFFFFFFC0];
	[tilespmem:s23+$0xFFFFFFC0] =	vst v12  }
0x283: {  	v5 =	vmul.f32 v16, v58;
	v2 =	vmul.f32 v8, v61;
	v31 =	vld [tilespmem:s19+$0xFFFFFFD0];
	[tilespmem:s29+$0xFFFFFFD0] =	vst v10  }
0x284: {  	v3 =	vmul.f32 v7, v60;
	v4 =	vmul.f32 v9, v4;
	v34 =	vld [tilespmem:s19+$0xFFFFFFE0];
	[tilespmem:s31+$0xFFFFFFF0] =	vst v28  }
0x285: {  	v1 =	vmul.f32 v6, v1;
	v0 =	vshll.u32 v0, $0x3;
	v26 =	vshll.u32 v30, $0x3;
	[tilespmem:s23+$0xFFFFFFD0] =	vst v13;
	v36 =	vld [tilespmem:s19+$0xFFFFFFF0]  }
0x286: {  	v0 =	vand.u32 $0x18, v0;
	v18 =	vand.u32 $0x18, v24;
	v24 =	vshra.s32 v30, $0x2;
	v33 =	vld.idx.msk [tilespmem:v33+s11+$0x0], $0xffff;
	[tilespmem:s29+$0xFFFFFFF0] =	vst v11  }
0x287: {  	s25 =	sadd.s32 $0x80, s25;
	v26 =	vand.u32 $0x18, v26;
	v30 =	vshra.s32 v28, $0x2;
	v28 =	vshll.u32 v28, $0x3;
	[tilespmem:s31+$0x0] =	vst v21;
	v19 =	vld.idx.msk [tilespmem:v19+s11+$0x0], $0xffff  }
0x288: {  	v28 =	vand.u32 $0x18, v28;
	v32 =	vshra.s32 v21, $0x2;
	v21 =	vshll.u32 v21, $0x3;
	[tilespmem:s31+$0x10] =	vst v23;
	v9 =	vld [tilespmem:s25+$0xFFFFFFF0]  }
0x289: {  	v35 =	vshra.s32 v23, $0x2;
	v23 =	vshll.u32 v23, $0x3;
	v37 =	vshra.s32 v25, $0x2;
	[tilespmem:s31+$0x20] =	vst v27;
	v12 =	vld [tilespmem:s19+$0x0]  }
0x28a: {  	v38 =	vshra.s32 v27, $0x2;
	v27 =	vshll.u32 v27, $0x3;
	[tilespmem:s31+$0xFFFFFFC0] =	vst v29;
	v17 =	vshra.s32 v29, $0x2;
	v39 =	vld [tilespmem:s19+$0x10]  }
0x28b: {  	v29 =	vshll.u32 v29, $0x3;
	v40 =	vshra.s32 v31, $0x2;
	v31 =	vshll.u32 v31, $0x3;
	v10 =	vld [tilespmem:s19+$0xFFFFFFC0]  }
0x28c: {  	[tilespmem:s29+$0xFFFFFFE0] =	vst v20;
	v41 =	vshra.s32 v34, $0x2;
	v34 =	vshll.u32 v34, $0x3;
	v21 =	vand.u32 $0x18, v21;
	v42 =	vld [tilespmem:s19+$0x20]  }
0x28d: {  	v23 =	vand.u32 $0x18, v23;
	v27 =	vand.u32 $0x18, v27;
	v29 =	vand.u32 $0x18, v29;
	v24 =	vld.idx.msk [tilespmem:v24+s11+$0x0], $0xffff  }
0x28e: {  	v31 =	vand.u32 $0x18, v31;
	[tilespmem:s29+$0x20] =	vst v14;
	v14 =	vld.idx.msk [tilespmem:v30+s11+$0x0], $0xffff;
	v55 =	vshra.s32 v36, $0x2;
	v36 =	vshll.u32 v36, $0x3  }
0x28f: {  	v13 =	vand.u32 $0x18, v34;
	v0 =	vshra.s32 v33, v0;
	v37 =	vld.idx.msk [tilespmem:v37+s11+$0x0], $0xffff;
	v20 =	vand.u32 $0x18, v36  }
0x290: {  	v11 =	vld.idx.msk [tilespmem:v17+s11+$0x0], $0xffff;
	v0 =	vand.u32 $0xFF, v0;
	v56 =	vshra.s32 v12, $0x2;
	v12 =	vshll.u32 v12, $0x3  }
0x291: {  	[tilespmem:s29+$0x10] =	vst v15;
	v50 =	vld [tilespmem:s25+$0x20];
	v17 =	vshra.s32 v39, $0x2;
	v39 =	vshll.u32 v39, $0x3;
	v15 =	vshra.s32 v10, $0x2  }
0x292: {  	[tilespmem:s29+$0x0] =	vst v22;
	v57 =	vld.idx.msk [tilespmem:v35+s11+$0x0], $0xffff;
	v10 =	vshll.u32 v10, $0x3;
	v22 =	vand.u32 $0x18, v12;
	v12 =	vshll.u32 v25, $0x3  }
0x293: {  	v16 =	vld.idx.msk [tilespmem:v40+s11+$0x0], $0xffff;
	v30 =	vshra.s32 v42, $0x2;
	v0 =	vmul.u32 $0x57, v0;
	v12 =	vand.u32 $0x18, v12  }
0x294: {  	v59 =	vshll.u32 v42, $0x3;
	v39 =	vand.u32 $0x18, v39;
	v25 =	vld.idx.msk [tilespmem:v32+s11+$0x0], $0xffff;
	v12 =	vshra.s32 v37, v12  }
0x295: {  	v14 =	vshra.s32 v14, v28;
	v11 =	vshra.s32 v11, v29;
	v29 =	vld.idx.msk [tilespmem:v38+s11+$0x0], $0xffff;
	v12 =	vand.u32 $0xFF, v12  }
0x296: {  	v10 =	vand.u32 $0x18, v10;
	v14 =	vand.u32 $0xFF, v14;
	v17 =	vld.idx.msk [tilespmem:v17+s11+$0x0], $0xffff;
	v12 =	vadd.s32 v0, v12  }
0x297: {  	v33 =	vand.u32 $0x18, v59;
	v14 =	vmul.u32 $0x57, v14;
	v0 =	vand.u32 $0xFF, v11;
	v11 =	vld.idx.msk [tilespmem:v15+s11+$0x0], $0xffff  }
0x298: {  	v16 =	vshra.s32 v16, v31;
	v15 =	vshra.s32 v19, v18;
	v18 =	vshra.s32 v24, v26;
	v19 =	vld.idx.msk [tilespmem:v41+s11+$0x0], $0xffff  }
0x299: {  	v16 =	vand.u32 $0xFF, v16;
	v24 =	vld [tilespmem:s25+$0x30];
	v0 =	vmul.u32 $0x57, v0;
	v18 =	vand.u32 $0xFF, v18  }
0x29a: {  	[tilespmem:s23+$0xFFFFFFE0] =	vst v5;
	v15 =	vand.u32 $0xFF, v15;
	v5 =	vmul.u32 $0x57, v18;
	v18 =	vshra.s32 v25, v21;
	v25 =	vld.idx.msk [tilespmem:v55+s11+$0x0], $0xffff  }
0x29b: {  	v15 =	vmul.u32 $0x57, v15;
	v21 =	vshra.s32 v57, v23;
	v18 =	vand.u32 $0xFF, v18;
	v23 =	vld.idx.msk [tilespmem:v12+s6+$0x0], $0xffff  }
0x29c: {  	v21 =	vand.u32 $0xFF, v21;
	v26 =	vshra.s32 v29, v27;
	v10 =	vshra.s32 v11, v10;
	v11 =	vld.idx.msk [tilespmem:v56+s11+$0x0], $0xffff  }
0x29d: {  	v8 =	vld [tilespmem:s25+$0xFFFFFFE0];
	v18 =	vmul.u32 $0x57, v18;
	v21 =	vmul.u32 $0x57, v21;
	v10 =	vand.u32 $0xFF, v10  }
0x29e: {  	v26 =	vand.u32 $0xFF, v26;
	v13 =	vshra.s32 v19, v13;
	v19 =	vld.idx.msk [tilespmem:v30+s11+$0x0], $0xffff;
	v28 =	vadd.s32 v0, v10  }
0x29f: {  	v62 =	vadd.s32 v15, v16;
	v15 =	vld [tilespmem:s25+$0xFFFFFFD0];
	v27 =	vmul.f32 v24, v24;
	v10 =	vand.u32 $0xFF, v13  }
0x2a0: {  	v26 =	vmul.u32 $0x57, v26;
	v34 =	vld.idx.msk [tilespmem:v12+s13+$0x0], $0xffff;
	v5 =	vadd.s32 v5, v10;
	v10 =	vshra.s32 v25, v20  }
0x2a1: {  	v0 =	vld [tilespmem:s25+$0xFFFFFFC0];
	v7 =	vand.u32 $0xFF, v10;
	v16 =	vmul.f32 v23, v27;
	v10 =	vshra.s32 v11, v22  }
0x2a2: {  	[tilespmem:s23+$0xFFFFFFF0] =	vst v2;
	v13 =	vadd.s32 v14, v7;
	v7 =	vld [tilespmem:s25+$0x0];
	v2 =	vand.u32 $0xFF, v10;
	v10 =	vshra.s32 v17, v39  }
0x2a3: {  	[tilespmem:s23+$0x0] =	vst v3;
	v14 =	vshra.s32 v19, v33;
	v11 =	vmul.f32 $1.442695020e+00, v16;
	v3 =	vand.u32 $0xFF, v10;
	v6 =	vld.idx.msk [tilespmem:v28+s13+$0x0], $0xffff  }
0x2a4: {  	v10 =	vld [tilespmem:s25+$0x10];
	[tilespmem:s23+$0x10] =	vst v4;
	v4 =	vadd.s32 v18, v2;
	v2 =	vand.u32 $0xFF, v14;
	v3 =	vadd.s32 v21, v3  }
0x2a5: {  	v18 =	vld.idx.msk [tilespmem:v62+s6+$0x0], $0xffff;
	v2 =	vadd.s32 v26, v2  }
0x2a6: {  	v23 =	vld.idx.msk [tilespmem:v5+s6+$0x0], $0xffff;
	(erf) = vpow2.f32 v11  }
0x2a7: {  	v14 =	vmul.f32 v0, v0;
	(erf) = vrcp.f32 v0;
	v0 =	vld.idx.msk [tilespmem:v13+s6+$0x0], $0xffff  }
0x2a8: {  	(erf) = vrcp.f32 v15;
	[tilespmem:$0x1FE00] =	vst v6;
	v6 =	vld.idx.msk [tilespmem:v5+s13+$0x0], $0xffff  }
0x2a9: {  	v21 =	vmul.f32 v8, v8;
	(erf) = vrcp.f32 v8;
	v8 =	vld.idx.msk [tilespmem:v3+s6+$0x0], $0xffff  }
0x2aa: {  	v22 =	vmul.f32 v9, v9;
	(erf) = vrcp.f32 v9;
	v9 =	vld.idx.msk [tilespmem:v2+s6+$0x0], $0xffff  }
0x2ab: {  	[tilespmem:s23+$0x20] =	vst v1;
	v1 =	vld.idx.msk [tilespmem:v62+s13+$0x0], $0xffff  }
0x2ac: {  	v11 =	vld.idx.msk [tilespmem:v28+s6+$0x0], $0xffff  }
0x2ad: {  	v26 =	vmul.f32 v10, v10;
	v49 =	vmul.f32 v0, v22;
	v0 =	vld.idx.msk [tilespmem:v13+s13+$0x0], $0xffff  }
0x2ae: {  	v29 =	vmul.f32 v50, v50;
	v59 =	vld.idx.msk [tilespmem:v12+s12+$0x0], $0xffff;
	v17 =	vmul.f32 v15, v15  }
0x2af: {  	v25 =	vmul.f32 v7, v7;
	[tilespmem:$0x1FE20] =	vst v6;
	v63 =	vpop (erf);
	v48 =	vmul.f32 v8, v26;
	v8 =	vld.idx.msk [tilespmem:v3+s13+$0x0], $0xffff  }
0x2b0: {  	v45 =	vmul.f32 v18, v17;
	v6 =	vld.idx.msk [tilespmem:v4+s13+$0x0], $0xffff;
	[tilespmem:$0x1FE10] =	vst v1;
	v1 =	vmul.f32 v63, v16  }
0x2b1: {  	v51 =	vld.idx.msk [tilespmem:v12+s7+$0x0], $0xffff;
	v46 =	vmul.f32 v23, v21;
	v44 =	vmul.f32 v11, v14  }
0x2b2: {  	v12 =	vld.idx.msk [tilespmem:v12+s14+$0x0], $0xffff;
	(erf) = vrcp.f32 v7;
	v11 =	vsub.f32 $1.000000000e+00, v63;
	[tilespmem:$0x1FE30] =	vst v0;
	v0 =	vmul.f32 v1, v16  }
0x2b3: {  	v15 =	vld.idx.msk [tilespmem:v4+s6+$0x0], $0xffff;
	v18 =	vmul.f32 $1.442695020e+00, v45;
	(erf) = vrcp.f32 v10  }
0x2b4: {  	v1 =	vadd.f32 v1, v11;
	[tilespmem:$0x1FE50] =	vst v8;
	v10 =	vmul.f32 v0, v16;
	v0 =	vmul.f32 $5.000000000e-01, v0;
	v8 =	vld.idx.msk [tilespmem:v2+s13+$0x0], $0xffff  }
0x2b5: {  	v53 =	vmul.f32 v9, v29;
	v9 =	vld.idx.msk [tilespmem:v28+s12+$0x0], $0xffff;
	[tilespmem:$0x1FE40] =	vst v6;
	v6 =	vpop (erf);
	(erf) = vrcp.f32 v24  }
0x2b6: {  	v11 =	vmul.f32 v10, v16;
	v0 =	vsub.f32 v1, v0;
	v1 =	vmul.f32 $1.666666720e-01, v10;
	v10 =	vld.idx.msk [tilespmem:v62+s12+$0x0], $0xffff  }
0x2b7: {  	v30 =	vmul.f32 $1.442695020e+00, v46;
	v17 =	vmul.f32 $1.442695020e+00, v44  }
0x2b8: {  	v47 =	vmul.f32 v15, v25;
	v31 =	vmul.f32 $1.442695020e+00, v49;
	v7 =	vpop (erf)  }
0x2b9: {  	v14 =	vmul.f32 v11, v16;
	v0 =	vadd.f32 v1, v0;
	v1 =	vmul.f32 $4.166666790e-02, v11;
	[tilespmem:$0x1FE60] =	vst v8;
	v8 =	vpop (erf)  }
0x2ba: {  	v35 =	vmul.f32 $1.442695020e+00, v47;
	v12 =	vmul.f32 v12, v63;
	[tilespmem:$0x1FE70] =	vst v9;
	v9 =	vpop (erf)  }
0x2bb: {  	v57 =	vmul.f32 $1.442695020e+00, v48;
	v1 =	vsub.f32 v0, v1;
	v16 =	vmul.f32 $8.333333770e-03, v14;
	[tilespmem:$0x1FE80] =	vst v10;
	v10 =	vpop (erf)  }
0x2bc: {  	v58 =	vmul.f32 $1.442695020e+00, v53;
	v29 =	vpop (erf);
	(erf) = vpow2.f32 v17  }
0x2bd: {  	v15 =	vmul.f32 v7, v7;
	v17 =	vadd.f32 v16, v1;
	(erf) = vpow2.f32 v18  }
0x2be: {  	v14 =	vmul.f32 v6, v6;
	v60 =	vpop (erf);
	(erf) = vpow2.f32 v30  }
0x2bf: {  	v52 =	vmul.f32 v60, v60;
	v18 =	vmul.f32 v17, v34  }
0x2c0: {  	[tilespmem:$0x1FEB0] =	vst v6;
	v6 =	vld.idx.msk [tilespmem:v28+s14+$0x0], $0xffff;
	v0 =	vmul.f32 v0, v51;
	(erf) = vpow2.f32 v31  }
0x2c1: {  	s20 =	sadd.s32 $0x80, s20;
	v1 =	vmul.f32 v1, v59;
	v31 =	vmul.f32 v18, v52  }
0x2c2: {  	v54 =	vld [tilespmem:s20+$0x30];
	v16 =	vmul.f32 v8, v8;
	v17 =	vmul.f32 v9, v9  }
0x2c3: {  	v27 =	vld.idx.msk [tilespmem:v13+s12+$0x0], $0xffff;
	v61 =	vmul.f32 v52, v52;
	(erf) = vpow2.f32 v35;
	v1 =	vadd.f32 v31, v1  }
0x2c4: {  	v19 =	vld.idx.msk [tilespmem:v13+s7+$0x0], $0xffff;
	v12 =	vmul.f32 v12, v60;
	(erf) = vpow2.f32 v57  }
0x2c5: {  	v21 =	vld.idx.msk [tilespmem:v5+s7+$0x0], $0xffff;
	[tilespmem:$0x1FEA0] =	vst v6;
	v6 =	vmul.f32 v61, v52;
	v1 =	vmul.f32 v1, v52;
	v31 =	vpop (erf)  }
0x2c6: {  	v23 =	vld.idx.msk [tilespmem:v13+s14+$0x0], $0xffff;
	v18 =	vmul.f32 v10, v10;
	(erf) = vpow2.f32 v58;
	v33 =	vpop (erf)  }
0x2c7: {  	v22 =	vld.idx.msk [tilespmem:v5+s14+$0x0], $0xffff;
	v6 =	vmul.f32 v6, v54;
	v51 =	vmul.f32 v31, v44;
	v0 =	vadd.f32 v1, v0;
	v37 =	vpop (erf)  }
0x2c8: {  	v11 =	vld.idx.msk [tilespmem:v5+s12+$0x0], $0xffff;
	v58 =	vmul.f32 v33, v45;
	v5 =	vmul.f32 v37, v46  }
0x2c9: {  	v20 =	vld.idx.msk [tilespmem:v2+s12+$0x0], $0xffff;
	v55 =	vsub.f32 $1.000000000e+00, v31;
	v60 =	vmul.f32 v51, v44;
	v0 =	vmul.f32 v0, v6;
	v40 =	vpop (erf)  }
0x2ca: {  	v25 =	vld.idx.msk [tilespmem:v62+s7+$0x0], $0xffff;
	v1 =	vsub.f32 $1.000000000e+00, v33;
	v6 =	vmul.f32 v12, v54;
	v13 =	vmul.f32 v40, v49  }
0x2cb: {  	v26 =	vld.idx.msk [tilespmem:v4+s12+$0x0], $0xffff;
	v61 =	vsub.f32 $1.000000000e+00, v37;
	v56 =	vmul.f32 v58, v45;
	v12 =	vmul.f32 v5, v46  }
0x2cc: {  	s29 =	sadd.s32 $0x80, s29;
	[tilespmem:$0x1FEF0] =	vst v10;
	v30 =	vld.idx.msk [tilespmem:v28+s7+$0x0], $0xffff;
	v63 =	vadd.f32 v51, v55;
	v51 =	vpop (erf);
	v36 =	vmul.f32 v60, v44;
	v60 =	vmul.f32 $5.000000000e-01, v60  }
0x2cd: {  	v28 =	vld.idx.msk [tilespmem:v62+s14+$0x0], $0xffff;
	v62 =	vsub.f32 $1.000000000e+00, v40;
	[tilespmem:s29+$0x30] =	vst v0;
	v0 =	vmul.f32 v13, v49;
	v32 =	vmul.f32 v51, v47  }
0x2ce: {  	[tilespmem:$0x1FE90] =	vst v11;
	v11 =	vld.idx.msk [tilespmem:v4+s14+$0x0], $0xffff;
	v1 =	vadd.f32 v58, v1;
	v54 =	vpop (erf);
	v43 =	vmul.f32 v56, v45;
	v52 =	vmul.f32 $5.000000000e-01, v56  }
0x2cf: {  	v10 =	vld.idx.msk [tilespmem:v4+s7+$0x0], $0xffff;
	v5 =	vadd.f32 v5, v61;
	v4 =	vmul.f32 v54, v48;
	v57 =	vmul.f32 v12, v46  }
0x2d0: {  	v24 =	vld.idx.msk [tilespmem:v3+s12+$0x0], $0xffff;
	v35 =	vsub.f32 $1.000000000e+00, v51;
	v55 =	vpop (erf);
	v12 =	vmul.f32 $5.000000000e-01, v12;
	(erf) = vrcp.f32 v50  }
0x2d1: {  	[tilespmem:$0x1FEC0] =	vst v7;
	v7 =	vld.idx.msk [tilespmem:v2+s14+$0x0], $0xffff;
	v62 =	vadd.f32 v13, v62;
	v50 =	vmul.f32 v36, v44;
	v36 =	vmul.f32 $1.666666720e-01, v36  }
0x2d2: {  	s23 =	sadd.s32 $0x80, s23;
	[tilespmem:$0x1FED0] =	vst v8;
	v8 =	vld.idx.msk [tilespmem:v3+s7+$0x0], $0xffff;
	v38 =	vsub.f32 $1.000000000e+00, v54;
	v39 =	vmul.f32 v32, v47;
	v41 =	vmul.f32 v55, v53  }
0x2d3: {  	[tilespmem:s23+$0x30] =	vst v6;
	v6 =	vld.idx.msk [tilespmem:v2+s7+$0x0], $0xffff;
	v42 =	vsub.f32 $1.000000000e+00, v55;
	v2 =	vmul.f32 v0, v49;
	v32 =	vadd.f32 v32, v35  }
0x2d4: {  	[tilespmem:$0x1FEE0] =	vst v9;
	v9 =	vld.idx.msk [tilespmem:v3+s14+$0x0], $0xffff;
	v0 =	vmul.f32 $5.000000000e-01, v0;
	v52 =	vsub.f32 v1, v52;
	v3 =	vmul.f32 v4, v48  }
0x2d5: {  	v5 =	vsub.f32 v5, v12;
	v12 =	vmul.f32 v43, v45;
	v43 =	vmul.f32 $1.666666720e-01, v43  }
0x2d6: {  	v38 =	vadd.f32 v4, v38;
	v34 =	vmul.f32 v41, v53;
	v35 =	vmul.f32 v39, v47  }
0x2d7: {  	v39 =	vmul.f32 $5.000000000e-01, v39;
	v0 =	vsub.f32 v62, v0;
	v62 =	vmul.f32 v57, v46  }
0x2d8: {  	v41 =	vadd.f32 v41, v42;
	v57 =	vmul.f32 $1.666666720e-01, v57;
	v56 =	vmul.f32 v3, v48  }
0x2d9: {  	v42 =	vsub.f32 v63, v60;
	v3 =	vmul.f32 $5.000000000e-01, v3;
	v45 =	vmul.f32 v12, v45  }
0x2da: {  	v43 =	vadd.f32 v43, v52;
	v12 =	vmul.f32 $4.166666790e-02, v12;
	v63 =	vmul.f32 v34, v53  }
0x2db: {  	v34 =	vmul.f32 $5.000000000e-01, v34;
	v32 =	vsub.f32 v32, v39;
	v39 =	vmul.f32 v2, v49  }
0x2dc: {  	v2 =	vmul.f32 $1.666666720e-01, v2;
	v3 =	vsub.f32 v38, v3;
	v38 =	vmul.f32 v35, v47  }
0x2dd: {  	v36 =	vadd.f32 v36, v42;
	v35 =	vmul.f32 $1.666666720e-01, v35;
	v42 =	vmul.f32 $1.666666720e-01, v56  }
0x2de: {  	v34 =	vsub.f32 v41, v34;
	v41 =	vmul.f32 v56, v48;
	v52 =	vmul.f32 v63, v53  }
0x2df: {  	v56 =	vmul.f32 $1.666666720e-01, v63;
	v0 =	vadd.f32 v2, v0;
	v2 =	vmul.f32 v62, v46  }
0x2e0: {  	v5 =	vadd.f32 v57, v5;
	v46 =	vmul.f32 $4.166666790e-02, v62;
	v62 =	vmul.f32 v52, v53  }
0x2e1: {  	v63 =	vmul.f32 v50, v44;
	v50 =	vmul.f32 $4.166666790e-02, v50;
	v32 =	vadd.f32 v35, v32  }
0x2e2: {  	v35 =	vmul.f32 v39, v49;
	v3 =	vadd.f32 v42, v3;
	v49 =	vmul.f32 $8.333333770e-03, v62;
	v62 =	vld [tilespmem:$0x1FE00]  }
0x2e3: {  	v42 =	vmul.f32 v38, v47;
	v47 =	vsub.f32 v36, v50;
	v57 =	vmul.f32 $8.333333770e-03, v63;
	v63 =	vld [tilespmem:$0x1FE10]  }
0x2e4: {  	v12 =	vsub.f32 v43, v12;
	v45 =	vmul.f32 $8.333333770e-03, v45  }
0x2e5: {  	v34 =	vadd.f32 v56, v34;
	v56 =	vmul.f32 $4.166666790e-02, v52;
	v52 =	vadd.f32 v57, v47  }
0x2e6: {  	v45 =	vadd.f32 v45, v12  }
0x2e7: {  	v39 =	vmul.f32 $4.166666790e-02, v39;
	v52 =	vmul.f32 v52, v62;
	v62 =	vld [tilespmem:$0x1FE20]  }
0x2e8: {  	v46 =	vsub.f32 v5, v46;
	v2 =	vmul.f32 $8.333333770e-03, v2;
	v45 =	vmul.f32 v45, v63;
	v63 =	vld [tilespmem:$0x1FE30]  }
0x2e9: {  	v39 =	vsub.f32 v0, v39;
	v35 =	vmul.f32 $8.333333770e-03, v35  }
0x2ea: {  	v2 =	vadd.f32 v2, v46  }
0x2eb: {  	v38 =	vmul.f32 $4.166666790e-02, v38;
	v48 =	vmul.f32 v41, v48;
	v35 =	vadd.f32 v35, v39  }
0x2ec: {  	v41 =	vmul.f32 $4.166666790e-02, v41;
	v2 =	vmul.f32 v2, v62;
	v62 =	vld [tilespmem:$0x1FE40]  }
0x2ed: {  	v38 =	vsub.f32 v32, v38;
	v42 =	vmul.f32 $8.333333770e-03, v42;
	v35 =	vmul.f32 v35, v63;
	v63 =	vld [tilespmem:$0x1FE50]  }
0x2ee: {  	v41 =	vsub.f32 v3, v41;
	v48 =	vmul.f32 $8.333333770e-03, v48  }
0x2ef: {  	v42 =	vadd.f32 v42, v38  }
0x2f0: {  	v48 =	vadd.f32 v48, v41  }
0x2f1: {  	v53 =	vmul.f32 v29, v29;
	v42 =	vmul.f32 v42, v62;
	v62 =	vld [tilespmem:$0x1FE60]  }
0x2f2: {  	v5 =	vmul.f32 v5, v21;
	v50 =	vsub.f32 v34, v56;
	v48 =	vmul.f32 v48, v63;
	v63 =	vld [tilespmem:$0x1FE70]  }
0x2f3: {  	v44 =	vpop (erf);
	v0 =	vmul.f32 v0, v19;
	v3 =	vmul.f32 v3, v8;
	v8 =	vld [tilespmem:$0x1FEA0]  }
0x2f4: {  	v10 =	vmul.f32 v32, v10;
	v56 =	vmul.f32 v44, v44;
	v49 =	vadd.f32 v49, v50  }
0x2f5: {  	v27 =	vmul.f32 v39, v27;
	v26 =	vmul.f32 v38, v26  }
0x2f6: {  	v24 =	vmul.f32 v41, v24;
	v49 =	vmul.f32 v49, v62;
	v62 =	vld [tilespmem:$0x1FE80]  }
0x2f7: {  	v20 =	vmul.f32 v50, v20;
	v47 =	vmul.f32 v47, v63;
	v63 =	vld [tilespmem:$0x1FE90]  }
0x2f8: {  	v45 =	vmul.f32 v45, v15;
	v8 =	vmul.f32 v8, v31  }
0x2f9: {  	v35 =	vmul.f32 v35, v17;
	v48 =	vmul.f32 v48, v53  }
0x2fa: {  	v2 =	vmul.f32 v2, v16;
	v49 =	vmul.f32 v49, v56  }
0x2fb: {  	v27 =	vadd.f32 v35, v27;
	v24 =	vadd.f32 v48, v24;
	v12 =	vmul.f32 v12, v62  }
0x2fc: {  	v35 =	vmul.f32 v15, v15;
	v46 =	vmul.f32 v46, v63;
	v20 =	vadd.f32 v49, v20  }
0x2fd: {  	v42 =	vmul.f32 v42, v18;
	v24 =	vmul.f32 v24, v53;
	v12 =	vadd.f32 v45, v12  }
0x2fe: {  	v2 =	vadd.f32 v2, v46;
	v63 =	vmul.f32 v20, v56;
	v20 =	vmul.f32 v36, v30  }
0x2ff: {  	v30 =	vmul.f32 v35, v15;
	v12 =	vmul.f32 v12, v15;
	v15 =	vadd.f32 v24, v3;
	v3 =	vld [tilespmem:$0x1FEB0]  }
0x300: {  	v52 =	vmul.f32 v52, v14;
	v26 =	vadd.f32 v42, v26;
	v2 =	vmul.f32 v2, v16  }
0x301: {  	v27 =	vmul.f32 v27, v17;
	v42 =	vmul.f32 v18, v18  }
0x302: {  	v47 =	vadd.f32 v52, v47;
	v26 =	vmul.f32 v26, v18;
	v21 =	vadd.f32 v2, v5  }
0x303: {  	v2 =	vmul.f32 v22, v37;
	v22 =	vadd.f32 v27, v0;
	v0 =	vmul.f32 v23, v40  }
0x304: {  	v23 =	vadd.f32 v26, v10;
	v26 =	vmul.f32 v42, v18;
	v18 =	vmul.f32 v8, v3;
	v3 =	vld [tilespmem:$0x1FEC0]  }
0x305: {  	v25 =	vmul.f32 v43, v25;
	v57 =	vmul.f32 v47, v14  }
0x306: {  	v41 =	vmul.f32 v17, v17  }
0x307: {  	v19 =	vadd.f32 v57, v20;
	v20 =	vadd.f32 v12, v25;
	v12 =	vmul.f32 v28, v33;
	_ =	sdelay $0x1  }
0x308: {  	v25 =	vmul.f32 v41, v17;
	v17 =	vmul.f32 v12, v3;
	v3 =	vld [tilespmem:$0x1FED0];
	_ =	sdelay $0x2  }
0x309: {  	v39 =	vmul.f32 v16, v16;
	_ =	sdelay $0x1  }
0x30a: {  	v24 =	vmul.f32 v39, v16;
	v16 =	vmul.f32 v2, v3;
	v2 =	vld [tilespmem:$0x1FEE0]  }
0x30b: {  	v9 =	vmul.f32 v9, v54;
	_ =	sdelay $0x1  }
0x30c: {  	v59 =	vld [tilespmem:s20+$0xFFFFFFC0];
	v9 =	vmul.f32 v9, v29  }
0x30d: {  	s18 =	sadd.s32 $0x8, s18;
	v13 =	vld [tilespmem:s20+$0xFFFFFFD0];
	v6 =	vmul.f32 v34, v6;
	v38 =	vmul.f32 v14, v14  }
0x30e: {  	p0 =	slt.u32 s18, $0x78;
	v52 =	vmul.f32 v53, v53;
	v8 =	vmul.f32 v0, v2;
	v0 =	vld [tilespmem:$0x1FEF0]  }
.Ltmp8:
0x30f: {  	v58 =	vld [tilespmem:s20+$0xFFFFFFE0];
	v62 =	vmul.f32 v56, v56;
	v5 =	vmul.f32 v11, v51;
	(pc) =	sbr.rel @p0 .LBB2_10-.Ltmp8, $4  }
0x310: {  	v61 =	vld [tilespmem:s20+$0xFFFFFFF0];
	v10 =	vmul.f32 v7, v55;
	v11 =	vmul.f32 v38, v14  }
0x311: {  	v1 =	vld [tilespmem:s20+$0x20];
	v27 =	vmul.f32 v52, v53;
	v28 =	vmul.f32 v62, v56  }
0x312: {  	v4 =	vld [tilespmem:s20+$0x10];
	v14 =	vadd.f32 v63, v6;
	v6 =	vmul.f32 v10, v44;
	v11 =	vmul.f32 v11, v59  }
0x313: {  	s1 =	sadd.s32 $0x80, s1;
	v60 =	vld [tilespmem:s20+$0x0];
	v10 =	vmul.f32 v30, v13;
	v7 =	vmul.f32 v5, v0  }
0x314: {  	v0 =	vmul.f32 v19, v11  }
0x315: {  	v2 =	vmul.f32 v18, v59;
	v3 =	vmul.f32 v24, v58  }
0x316: {  	v5 =	vmul.f32 v20, v10;
	[tilespmem:s29+$0xFFFFFFC0] =	vst v0  }
0x317: {  	v0 =	vmul.f32 v25, v61;
	v3 =	vmul.f32 v21, v3;
	[tilespmem:s23+$0xFFFFFFC0] =	vst v2  }
0x318: {  	v2 =	vmul.f32 v17, v13;
	[tilespmem:s29+$0xFFFFFFD0] =	vst v5;
	v63 =	vmul.f32 v27, v4  }
0x319: {  	v62 =	vmul.f32 v26, v60;
	v0 =	vmul.f32 v22, v0;
	[tilespmem:s29+$0xFFFFFFE0] =	vst v3  }
0x31a: {  	[tilespmem:s23+$0xFFFFFFD0] =	vst v2;
	v2 =	vmul.f32 v28, v1;
	v3 =	vmul.f32 v15, v63  }
0x31b: {  	v10 =	vmul.f32 v23, v62;
	[tilespmem:s29+$0xFFFFFFF0] =	vst v0  }
0x31c: {  	v0 =	vmul.f32 v14, v2;
	[tilespmem:s29+$0x10] =	vst v3  }
0x31d: {  	v2 =	vmul.f32 v16, v58;
	[tilespmem:s29+$0x0] =	vst v10  }
0x31e: {  	v3 =	vmul.f32 v9, v4;
	[tilespmem:s29+$0x20] =	vst v0  }
0x31f: {  	v0 =	vmul.f32 v8, v61;
	[tilespmem:s23+$0xFFFFFFE0] =	vst v2  }
0x320: {  	v2 =	vmul.f32 v7, v60;
	[tilespmem:s23+$0x10] =	vst v3  }
0x321: {  	[tilespmem:s23+$0xFFFFFFF0] =	vst v0;
	v0 =	vmul.f32 v6, v1  }
0x322: {  	[tilespmem:s23+$0x0] =	vst v2  }
0x323: {  	s1 =	rddreg [dreg:$0x8];
	s18 =	simm.s32 $0x15000;
	s19 =	simm.s32 $0x15800;
	[tilespmem:s23+$0x20] =	vst v0  }
0x324: {  	[spmem:s1] =	stream.indirect.scatter.add.f32 [tilespmem:s19], [sflag:$0x5], $0x1, s18, s22, $0xb8;
	[tilespmem:$0x1E960] =	vst v63  }
0x325: {  	s31 =	simm.s32 $0x16000  }
0x326: {  	[spmem:s10] =	stream.indirect.scatter.add.f32 [tilespmem:s31], [sflag:$0x5], $0x1, s18, s22, $0xb8;
	[tilespmem:$0x1E960] =	vst v63  }
0x327: {  	_ =	swait.ge [sflag:s0], $0x800  }
0x328: {  	s1 =	sadd.s32 $0x3, s30;
	[sflag:s0] =	ssyncset.done $0x0  }
0x329: {  	p0 =	sge.u32 s1, s17;
	[sflag:s0] =	ssyncadd.s32 $0xFFFFF800  }
0x32a: {  	s1 =	sshll.u32 @!p0 s1, $0xD;
	_ =	swait.ge [sflag:s0], $0x800  }
0x32b: {  	s19 =	simm.s32 @!p0 $0x0;
	s1 =	sor.u32 @!p0 s16, s1;
	[sflag:s0] =	ssyncset.done $0x0  }
0x32c: {  	s20 =	simm.s32 @!p0 $0xF800;
	s18 =	sadd.s32 @!p0 s2, s1;
	[sflag:s0] =	ssyncadd.s32 $0xFFFFF800  }
0x32d: {  	[tilespmem:s20], [sflag:$0x1] =	stream.linear.gather @!p0 [hbm4b:s18+s19], $0x800, $0x38;
	[tilespmem:$0x1E960] =	vst v63  }
0x32e: {  	s18 =	sadd.s32 @!p0 s3, s1;
	s20 =	simm.s32 @!p0 $0x10000  }
0x32f: {  	[tilespmem:s20], [sflag:$0x1] =	stream.linear.gather @!p0 [hbm4b:s18+s19], $0x800, $0x38;
	[tilespmem:$0x1E960] =	vst v63  }
0x330: {  	s18 =	sadd.s32 @!p0 s5, s1;
	s20 =	simm.s32 @!p0 $0x10800  }
0x331: {  	[tilespmem:s20], [sflag:$0x1] =	stream.linear.gather @!p0 [hbm4b:s18+s19], $0x800, $0x38;
	[tilespmem:$0x1E960] =	vst v63  }
0x332: {  	s1 =	sadd.s32 @!p0 s9, s1;
	s18 =	simm.s32 @!p0 $0x11000  }
0x333: {  	v0 =	vimm.f32 $0.0e+00;
	[tilespmem:s18], [sflag:$0x1] =	stream.linear.gather @!p0 [hbm4b:s1+s19], $0x800, $0x38;
	[tilespmem:$0x1E960] =	vst v63  }
.LBB2_12:
0x334: {  	p0 =	sge.u32 s30, s8  }
.Ltmp9:
0x335: {  	_ = 	snop;
	(pc) =	sbr.rel @p0 .LBB2_16-.Ltmp9, $1  }
0x336: {  	_ =	sdelay $0x3  }
0x337: {  	_ =	swait.ge [sflag:s15], $0x800  }
0x338: {  	[sflag:s15] =	ssyncset.done $0x0  }
0x339: {  	[sflag:s15] =	ssyncadd.s32 $0xFFFFF800  }
0x33a: {  	_ =	swait.ge [sflag:s15], $0x800  }
0x33b: {  	[sflag:s15] =	ssyncset.done $0x0  }
0x33c: {  	[sflag:s15] =	ssyncadd.s32 $0xFFFFF800  }
0x33d: {  	_ =	swait.ge [sflag:s15], $0x800  }
0x33e: {  	[sflag:s15] =	ssyncset.done $0x0  }
0x33f: {  	[sflag:s15] =	ssyncadd.s32 $0xFFFFF800  }
0x340: {  	_ =	swait.ge [sflag:s15], $0x800  }
0x341: {  	[sflag:s15] =	ssyncset.done $0x0  }
0x342: {  	s1 =	simm.s32 $0x16840;
	[sflag:s15] =	ssyncadd.s32 $0xFFFFF800  }
0x343: {  	v0 =	vld [tilespmem:s1+$0x30]  }
0x344: {  	v1 =	vld [tilespmem:s1+$0xFFFFFFD0]  }
0x345: {  	v2 =	vld [tilespmem:s1+$0xFFFFFFE0]  }
0x346: {  	v3 =	vld [tilespmem:s1+$0xFFFFFFF0]  }
0x347: {  	v4 =	vld [tilespmem:s1+$0x0]  }
0x348: {  	v6 =	vld [tilespmem:s1+$0x10]  }
0x349: {  	s31 =	simm.s32 $0x18840;
	v7 =	vld [tilespmem:s1+$0x20]  }
0x34a: {  	s19 =	simm.s32 $0x17040;
	v8 =	vld [tilespmem:s1+$0xFFFFFFC0];
	[tilespmem:s31+$0x30] =	vst v0  }
0x34b: {  	[tilespmem:s31+$0xFFFFFFD0] =	vst v1;
	v5 =	vld [tilespmem:s19+$0x30]  }
0x34c: {  	[tilespmem:s31+$0xFFFFFFE0] =	vst v2;
	v11 =	vld [tilespmem:s19+$0xFFFFFFD0]  }
0x34d: {  	v9 =	vshra.s32 v0, $0x2;
	[tilespmem:s31+$0xFFFFFFF0] =	vst v3;
	v13 =	vld [tilespmem:s19+$0xFFFFFFE0]  }
0x34e: {  	v10 =	vshra.s32 v1, $0x2;
	v1 =	vshll.u32 v1, $0x3;
	v12 =	vshll.u32 v2, $0x3;
	[tilespmem:s31+$0x0] =	vst v4;
	v16 =	vld [tilespmem:s19+$0xFFFFFFF0]  }
0x34f: {  	v2 =	vshra.s32 v2, $0x2;
	v15 =	vshra.s32 v3, $0x2;
	[tilespmem:s31+$0x10] =	vst v6;
	v20 =	vshra.s32 v8, $0x2;
	v18 =	vld [tilespmem:s19+$0x0]  }
0x350: {  	v3 =	vshll.u32 v3, $0x3;
	v23 =	vshll.u32 v7, $0x3;
	[tilespmem:s31+$0xFFFFFFC0] =	vst v8;
	v21 =	vld [tilespmem:s19+$0x10];
	v14 =	vshra.s32 v5, $0x2  }
0x351: {  	v17 =	vshra.s32 v4, $0x2;
	v22 =	vshra.s32 v7, $0x2;
	[tilespmem:s31+$0x20] =	vst v7;
	v7 =	vand.u32 $0x18, v23;
	v23 =	vld [tilespmem:s19+$0xFFFFFFC0]  }
0x352: {  	v4 =	vshll.u32 v4, $0x3;
	v19 =	vshll.u32 v6, $0x3;
	v6 =	vshra.s32 v6, $0x2;
	v25 =	vld [tilespmem:s19+$0x20]  }
0x353: {  	v8 =	vshll.u32 v8, $0x3;
	v0 =	vshll.u32 v0, $0x3;
	v1 =	vand.u32 $0x18, v1;
	v9 =	vld.idx.msk [tilespmem:v9+s11+$0x0], $0xffff  }
0x354: {  	v12 =	vand.u32 $0x18, v12;
	v3 =	vand.u32 $0x18, v3;
	v4 =	vand.u32 $0x18, v4;
	v20 =	vld.idx.msk [tilespmem:v20+s11+$0x0], $0xffff  }
0x355: {  	v19 =	vand.u32 $0x18, v19;
	v8 =	vand.u32 $0x18, v8;
	v0 =	vand.u32 $0x18, v0;
	v14 =	vld.idx.msk [tilespmem:v14+s11+$0x0], $0xffff  }
0x356: {  	v10 =	vld.idx.msk [tilespmem:v10+s11+$0x0], $0xffff;
	v24 =	vshra.s32 v11, $0x2;
	v11 =	vshll.u32 v11, $0x3;
	v5 =	vshll.u32 v5, $0x3  }
0x357: {  	v2 =	vld.idx.msk [tilespmem:v2+s11+$0x0], $0xffff;
	v26 =	vshra.s32 v23, $0x2;
	v27 =	vshra.s32 v16, $0x2;
	v16 =	vshll.u32 v16, $0x3  }
0x358: {  	v15 =	vld.idx.msk [tilespmem:v15+s11+$0x0], $0xffff;
	v23 =	vshll.u32 v23, $0x3;
	v28 =	vshra.s32 v25, $0x2;
	v0 =	vshra.s32 v9, v0  }
0x359: {  	s25 =	simm.s32 $0x17840;
	v17 =	vld.idx.msk [tilespmem:v17+s11+$0x0], $0xffff;
	v25 =	vshll.u32 v25, $0x3;
	v5 =	vand.u32 $0x18, v5;
	v0 =	vand.u32 $0xFF, v0  }
0x35a: {  	v29 =	vld [tilespmem:s25+$0x30];
	v11 =	vand.u32 $0x18, v11;
	v0 =	vmul.u32 $0x57, v0;
	v5 =	vshra.s32 v14, v5  }
0x35b: {  	v22 =	vld.idx.msk [tilespmem:v22+s11+$0x0], $0xffff;
	v23 =	vand.u32 $0x18, v23;
	v25 =	vand.u32 $0x18, v25;
	v5 =	vand.u32 $0xFF, v5  }
0x35c: {  	v9 =	vshra.s32 v13, $0x2;
	v13 =	vshll.u32 v13, $0x3;
	v14 =	vadd.s32 v0, v5  }
0x35d: {  	v6 =	vld.idx.msk [tilespmem:v6+s11+$0x0], $0xffff;
	v8 =	vshra.s32 v20, v8;
	v1 =	vshra.s32 v10, v1;
	v2 =	vshra.s32 v2, v12  }
0x35e: {  	v3 =	vshra.s32 v15, v3;
	v4 =	vshra.s32 v17, v4;
	v20 =	vld.idx.msk [tilespmem:v26+s11+$0x0], $0xffff;
	v5 =	vshra.s32 v18, $0x2  }
0x35f: {  	v24 =	vld.idx.msk [tilespmem:v24+s11+$0x0], $0xffff;
	v0 =	vand.u32 $0x18, v16;
	v16 =	vshll.u32 v18, $0x3;
	v18 =	vshra.s32 v21, $0x2  }
0x360: {  	v15 =	vmul.f32 v29, v29;
	v7 =	vshra.s32 v22, v7;
	v13 =	vand.u32 $0x18, v13;
	v12 =	vld.idx.msk [tilespmem:v27+s11+$0x0], $0xffff  }
0x361: {  	v8 =	vand.u32 $0xFF, v8;
	v1 =	vand.u32 $0xFF, v1;
	v2 =	vand.u32 $0xFF, v2;
	v10 =	vld.idx.msk [tilespmem:v14+s6+$0x0], $0xffff  }
0x362: {  	v3 =	vand.u32 $0xFF, v3;
	v4 =	vand.u32 $0xFF, v4;
	v7 =	vand.u32 $0xFF, v7;
	v9 =	vld.idx.msk [tilespmem:v9+s11+$0x0], $0xffff  }
0x363: {  	v8 =	vmul.u32 $0x57, v8;
	v1 =	vmul.u32 $0x57, v1;
	v2 =	vmul.u32 $0x57, v2;
	v17 =	vld.idx.msk [tilespmem:v5+s11+$0x0], $0xffff  }
0x364: {  	v3 =	vmul.u32 $0x57, v3;
	v4 =	vmul.u32 $0x57, v4;
	v5 =	vshra.s32 v6, v19;
	v6 =	vld.idx.msk [tilespmem:v18+s11+$0x0], $0xffff  }
0x365: {  	v7 =	vmul.u32 $0x57, v7;
	v16 =	vand.u32 $0x18, v16;
	v18 =	vld.idx.msk [tilespmem:v28+s11+$0x0], $0xffff;
	v5 =	vand.u32 $0xFF, v5  }
0x366: {  	v19 =	vmul.u32 $0x57, v5;
	v5 =	vshra.s32 v24, v11;
	v15 =	vmul.f32 v10, v15  }
0x367: {  	v22 =	vld [tilespmem:s25+$0xFFFFFFD0];
	v0 =	vshra.s32 v12, v0;
	v13 =	vshra.s32 v9, v13;
	v5 =	vand.u32 $0xFF, v5  }
0x368: {  	v27 =	vld [tilespmem:s25+$0x20];
	v5 =	vadd.s32 v1, v5;
	v10 =	vshra.s32 v20, v23;
	v11 =	vmul.f32 $1.442695020e+00, v15  }
0x369: {  	v0 =	vand.u32 $0xFF, v0;
	v24 =	vld [tilespmem:s25+$0xFFFFFFF0];
	v1 =	vand.u32 $0xFF, v13;
	v10 =	vand.u32 $0xFF, v10  }
0x36a: {  	v20 =	vld [tilespmem:s25+$0xFFFFFFC0];
	v13 =	vshra.s32 v18, v25;
	v9 =	vadd.s32 v8, v10;
	(erf) = vpow2.f32 v11  }
0x36b: {  	v23 =	vld [tilespmem:s25+$0xFFFFFFE0];
	v8 =	vadd.s32 v2, v1;
	v2 =	vshra.s32 v17, v16;
	v10 =	vadd.s32 v3, v0  }
0x36c: {  	v13 =	vand.u32 $0xFF, v13;
	v1 =	vld [tilespmem:s25+$0x0];
	v2 =	vand.u32 $0xFF, v2  }
0x36d: {  	v21 =	vshll.u32 v21, $0x3;
	v13 =	vadd.s32 v7, v13;
	v11 =	vadd.s32 v4, v2;
	v2 =	vld.idx.msk [tilespmem:v5+s6+$0x0], $0xffff  }
0x36e: {  	v21 =	vand.u32 $0x18, v21;
	v3 =	vld [tilespmem:s25+$0x10];
	v17 =	vmul.f32 v22, v22;
	v7 =	vmul.f32 v27, v27  }
0x36f: {  	v0 =	vshra.s32 v6, v21;
	v4 =	vmul.f32 v24, v24;
	(erf) = vrcp.f32 v20;
	v16 =	vld.idx.msk [tilespmem:v9+s6+$0x0], $0xffff  }
0x370: {  	v0 =	vand.u32 $0xFF, v0;
	v6 =	vmul.f32 v20, v20;
	(erf) = vrcp.f32 v22;
	v22 =	vld.idx.msk [tilespmem:v10+s6+$0x0], $0xffff  }
0x371: {  	v12 =	vadd.s32 v19, v0;
	v18 =	vmul.f32 v23, v23;
	v19 =	vld.idx.msk [tilespmem:v8+s6+$0x0], $0xffff;
	(erf) = vrcp.f32 v23  }
0x372: {  	(erf) = vrcp.f32 v24;
	v24 =	vmul.f32 v2, v17;
	v17 =	vld.idx.msk [tilespmem:v13+s6+$0x0], $0xffff  }
0x373: {  	v0 =	vmul.f32 v1, v1;
	v20 =	vmul.f32 v3, v3;
	v21 =	vpop (erf)  }
0x374: {  	v33 =	vld.idx.msk [tilespmem:v14+s7+$0x0], $0xffff;
	v23 =	vmul.f32 v16, v6;
	v6 =	vmul.f32 v21, v15  }
0x375: {  	v16 =	vld.idx.msk [tilespmem:v11+s6+$0x0], $0xffff;
	v28 =	vmul.f32 v22, v4;
	(erf) = vrcp.f32 v1  }
0x376: {  	v22 =	vld.idx.msk [tilespmem:v14+s12+$0x0], $0xffff;
	(erf) = vrcp.f32 v3;
	v3 =	vsub.f32 $1.000000000e+00, v21;
	v2 =	vmul.f32 v6, v15  }
0x377: {  	v25 =	vmul.f32 v19, v18;
	v1 =	vld.idx.msk [tilespmem:v12+s6+$0x0], $0xffff;
	v30 =	vmul.f32 v17, v7  }
0x378: {  	v17 =	vld.idx.msk [tilespmem:v14+s13+$0x0], $0xffff;
	v3 =	vadd.f32 v6, v3;
	v18 =	vmul.f32 v2, v15;
	v2 =	vmul.f32 $5.000000000e-01, v2  }
0x379: {  	v14 =	vld.idx.msk [tilespmem:v14+s14+$0x0], $0xffff;
	(erf) = vrcp.f32 v29  }
0x37a: {  	v6 =	vmul.f32 $1.442695020e+00, v23;
	v29 =	vmul.f32 v16, v0;
	v2 =	vsub.f32 v3, v2  }
0x37b: {  	v19 =	vmul.f32 v18, v15;
	v3 =	vmul.f32 $1.666666720e-01, v18  }
0x37c: {  	v4 =	vpop (erf);
	v26 =	vmul.f32 v1, v20;
	v20 =	vmul.f32 $1.442695020e+00, v28  }
0x37d: {  	v1 =	vpop (erf);
	v0 =	vmul.f32 v19, v15;
	v15 =	vadd.f32 v3, v2;
	v16 =	vmul.f32 $4.166666790e-02, v19  }
0x37e: {  	v31 =	vmul.f32 $1.442695020e+00, v29;
	v14 =	vmul.f32 v14, v21;
	v2 =	vpop (erf)  }
0x37f: {  	v18 =	vmul.f32 $1.442695020e+00, v24;
	v16 =	vsub.f32 v15, v16;
	v0 =	vmul.f32 $8.333333770e-03, v0;
	v3 =	vpop (erf)  }
0x380: {  	v19 =	vmul.f32 $1.442695020e+00, v25;
	v7 =	vpop (erf);
	(erf) = vpow2.f32 v6  }
0x381: {  	v0 =	vadd.f32 v0, v16;
	v16 =	vmul.f32 v16, v22;
	v6 =	vpop (erf);
	(erf) = vpow2.f32 v18  }
0x382: {  	v18 =	vmul.f32 $1.442695020e+00, v26;
	v32 =	vpop (erf);
	(erf) = vpow2.f32 v19  }
0x383: {  	s20 =	simm.s32 $0x18040;
	v0 =	vmul.f32 v0, v17;
	v19 =	vmul.f32 v32, v32  }
0x384: {  	v17 =	vmul.f32 $1.442695020e+00, v30;
	(erf) = vpow2.f32 v20;
	v20 =	vld [tilespmem:s20+$0x30]  }
0x385: {  	v0 =	vmul.f32 v0, v19;
	v22 =	vmul.f32 v19, v19  }
0x386: {  	v15 =	vmul.f32 v15, v33;
	(erf) = vpow2.f32 v31  }
0x387: {  	(erf) = vpow2.f32 v18;
	v0 =	vadd.f32 v0, v16;
	v18 =	vmul.f32 v22, v19  }
0x388: {  	v14 =	vmul.f32 v14, v32;
	(erf) = vpow2.f32 v17  }
0x389: {  	v0 =	vmul.f32 v0, v19;
	v17 =	vpop (erf);
	v19 =	vmul.f32 v18, v20  }
0x38a: {  	v14 =	vmul.f32 v14, v20;
	v16 =	vpop (erf)  }
0x38b: {  	(erf) = vrcp.f32 v27;
	v22 =	vmul.f32 v17, v23;
	v0 =	vadd.f32 v0, v15;
	v18 =	vpop (erf)  }
0x38c: {  	v57 =	vsub.f32 $1.000000000e+00, v17;
	v31 =	vmul.f32 v16, v24;
	v34 =	vmul.f32 v18, v25  }
0x38d: {  	v58 =	vsub.f32 $1.000000000e+00, v16;
	v35 =	vmul.f32 v22, v23;
	v15 =	vmul.f32 v0, v19;
	v19 =	vpop (erf)  }
0x38e: {  	v33 =	vadd.f32 v22, v57;
	v38 =	vmul.f32 v31, v24;
	v36 =	vmul.f32 v19, v28  }
0x38f: {  	v0 =	vsub.f32 $1.000000000e+00, v18;
	v39 =	vmul.f32 v34, v25;
	v21 =	vpop (erf);
	v43 =	vmul.f32 v35, v23  }
0x390: {  	v31 =	vadd.f32 v31, v58;
	v35 =	vmul.f32 $5.000000000e-01, v35;
	v41 =	vmul.f32 v21, v29  }
0x391: {  	v37 =	vsub.f32 $1.000000000e+00, v19;
	v22 =	vpop (erf);
	v32 =	vmul.f32 v38, v24;
	v59 =	vmul.f32 $5.000000000e-01, v38  }
0x392: {  	v42 =	vsub.f32 $1.000000000e+00, v21;
	v40 =	vmul.f32 v36, v28;
	v44 =	vmul.f32 v22, v26  }
0x393: {  	v0 =	vadd.f32 v34, v0;
	v60 =	vmul.f32 v39, v25;
	v61 =	vmul.f32 $5.000000000e-01, v39  }
0x394: {  	v20 =	vpop (erf);
	v45 =	vsub.f32 $1.000000000e+00, v22;
	v57 =	vmul.f32 $1.666666720e-01, v43;
	v46 =	vmul.f32 v41, v29  }
0x395: {  	v47 =	vmul.f32 v20, v30;
	v27 =	vsub.f32 v31, v59;
	v31 =	vmul.f32 v43, v23  }
0x396: {  	v36 =	vadd.f32 v36, v37;
	v58 =	vmul.f32 v32, v24;
	v32 =	vmul.f32 $1.666666720e-01, v32  }
0x397: {  	v33 =	vsub.f32 v33, v35;
	v49 =	vmul.f32 v44, v26;
	v62 =	vmul.f32 v40, v28  }
0x398: {  	v48 =	vsub.f32 $1.000000000e+00, v20;
	v40 =	vmul.f32 $5.000000000e-01, v40;
	v59 =	vmul.f32 v60, v25  }
0x399: {  	v41 =	vadd.f32 v41, v42;
	v38 =	vmul.f32 $1.666666720e-01, v60;
	v50 =	vmul.f32 v47, v30  }
0x39a: {  	v44 =	vadd.f32 v44, v45;
	v63 =	vmul.f32 v46, v29;
	v52 =	vmul.f32 $5.000000000e-01, v46  }
0x39b: {  	v0 =	vsub.f32 v0, v61;
	v23 =	vmul.f32 v31, v23;
	v31 =	vmul.f32 $4.166666790e-02, v31  }
0x39c: {  	v33 =	vadd.f32 v57, v33;
	v24 =	vmul.f32 v58, v24;
	v37 =	vmul.f32 $4.166666790e-02, v58  }
0x39d: {  	v47 =	vadd.f32 v47, v48;
	v53 =	vmul.f32 v49, v26;
	v54 =	vmul.f32 $5.000000000e-01, v49  }
0x39e: {  	v27 =	vadd.f32 v32, v27;
	v60 =	vmul.f32 v62, v28;
	v39 =	vmul.f32 $1.666666720e-01, v62  }
0x39f: {  	v51 =	vld.idx.msk [tilespmem:v8+s13+$0x0], $0xffff;
	v36 =	vsub.f32 v36, v40;
	v25 =	vmul.f32 v59, v25;
	v58 =	vmul.f32 $4.166666790e-02, v59  }
0x3a0: {  	v48 =	vld.idx.msk [tilespmem:v9+s13+$0x0], $0xffff;
	v0 =	vadd.f32 v38, v0;
	v55 =	vmul.f32 v50, v30;
	v56 =	vmul.f32 $5.000000000e-01, v50  }
0x3a1: {  	v32 =	vld.idx.msk [tilespmem:v10+s13+$0x0], $0xffff;
	v41 =	vsub.f32 v41, v52;
	v61 =	vmul.f32 v63, v29;
	v42 =	vmul.f32 $1.666666720e-01, v63  }
0x3a2: {  	v38 =	vld.idx.msk [tilespmem:v11+s13+$0x0], $0xffff;
	v31 =	vsub.f32 v33, v31;
	v37 =	vsub.f32 v27, v37;
	v23 =	vmul.f32 $8.333333770e-03, v23  }
0x3a3: {  	v40 =	vld.idx.msk [tilespmem:v12+s13+$0x0], $0xffff;
	v24 =	vmul.f32 $8.333333770e-03, v24;
	v50 =	vmul.f32 v2, v2;
	v44 =	vsub.f32 v44, v54  }
0x3a4: {  	v63 =	vld.idx.msk [tilespmem:v5+s13+$0x0], $0xffff;
	v62 =	vmul.f32 v53, v26;
	v46 =	vmul.f32 $1.666666720e-01, v53;
	v36 =	vadd.f32 v39, v36  }
0x3a5: {  	v52 =	vld.idx.msk [tilespmem:v8+s12+$0x0], $0xffff;
	v28 =	vmul.f32 v60, v28;
	v59 =	vmul.f32 $4.166666790e-02, v60;
	v39 =	vsub.f32 v0, v58  }
0x3a6: {  	v53 =	vld.idx.msk [tilespmem:v10+s12+$0x0], $0xffff;
	v25 =	vmul.f32 $8.333333770e-03, v25;
	v35 =	vsub.f32 v47, v56;
	v57 =	vmul.f32 v55, v30  }
0x3a7: {  	v54 =	vld.idx.msk [tilespmem:v11+s12+$0x0], $0xffff;
	v49 =	vmul.f32 $1.666666720e-01, v55;
	v41 =	vadd.f32 v42, v41;
	v29 =	vmul.f32 v61, v29  }
0x3a8: {  	v58 =	vld.idx.msk [tilespmem:v10+s7+$0x0], $0xffff;
	v45 =	vmul.f32 $4.166666790e-02, v61;
	v23 =	vadd.f32 v23, v31;
	v24 =	vadd.f32 v24, v37  }
0x3a9: {  	v10 =	vld.idx.msk [tilespmem:v10+s14+$0x0], $0xffff;
	v44 =	vadd.f32 v46, v44;
	v26 =	vmul.f32 v62, v26;
	v47 =	vmul.f32 $4.166666790e-02, v62  }
0x3aa: {  	v61 =	vld.idx.msk [tilespmem:v9+s12+$0x0], $0xffff;
	v42 =	vsub.f32 v36, v59;
	v28 =	vmul.f32 $8.333333770e-03, v28;
	v30 =	vmul.f32 v57, v30  }
0x3ab: {  	v55 =	vld.idx.msk [tilespmem:v12+s12+$0x0], $0xffff;
	v25 =	vadd.f32 v25, v39;
	v34 =	vmul.f32 $4.166666790e-02, v57;
	v29 =	vmul.f32 $8.333333770e-03, v29  }
0x3ac: {  	v56 =	vld.idx.msk [tilespmem:v13+s12+$0x0], $0xffff;
	v35 =	vadd.f32 v49, v35;
	v23 =	vmul.f32 v23, v48;
	v26 =	vmul.f32 $8.333333770e-03, v26  }
0x3ad: {  	v62 =	vld.idx.msk [tilespmem:v5+s12+$0x0], $0xffff;
	v45 =	vsub.f32 v41, v45;
	v24 =	vmul.f32 v24, v63;
	v25 =	vmul.f32 v25, v51  }
0x3ae: {  	v59 =	vld.idx.msk [tilespmem:v11+s7+$0x0], $0xffff;
	v47 =	vsub.f32 v44, v47;
	v39 =	vmul.f32 v39, v52;
	v51 =	vmul.f32 v6, v6  }
0x3af: {  	v11 =	vld.idx.msk [tilespmem:v11+s14+$0x0], $0xffff;
	v28 =	vadd.f32 v28, v42;
	v30 =	vmul.f32 $8.333333770e-03, v30;
	v42 =	vmul.f32 v42, v53  }
0x3b0: {  	v48 =	vld.idx.msk [tilespmem:v9+s7+$0x0], $0xffff;
	v29 =	vadd.f32 v29, v45;
	v45 =	vmul.f32 v45, v54;
	v10 =	vmul.f32 v10, v19  }
0x3b1: {  	v57 =	vld.idx.msk [tilespmem:v8+s7+$0x0], $0xffff;
	v34 =	vsub.f32 v35, v34;
	v28 =	vmul.f32 v28, v32;
	v31 =	vmul.f32 v31, v61  }
0x3b2: {  	v9 =	vld.idx.msk [tilespmem:v9+s14+$0x0], $0xffff;
	v61 =	vmul.f32 v47, v55;
	v29 =	vmul.f32 v29, v38  }
0x3b3: {  	v8 =	vld.idx.msk [tilespmem:v8+s14+$0x0], $0xffff;
	v30 =	vadd.f32 v30, v34;
	v37 =	vmul.f32 v37, v62;
	v34 =	vmul.f32 v34, v56  }
0x3b4: {  	v60 =	vld.idx.msk [tilespmem:v13+s13+$0x0], $0xffff;
	v26 =	vadd.f32 v26, v47;
	v49 =	vmul.f32 v41, v59;
	v38 =	vmul.f32 v4, v4  }
0x3b5: {  	v63 =	vld.idx.msk [tilespmem:v5+s7+$0x0], $0xffff;
	v11 =	vmul.f32 v11, v21;
	v21 =	vmul.f32 v25, v50  }
0x3b6: {  	v5 =	vld.idx.msk [tilespmem:v5+s14+$0x0], $0xffff;
	v26 =	vmul.f32 v26, v40;
	v33 =	vmul.f32 v33, v48  }
0x3b7: {  	v0 =	vmul.f32 v0, v57;
	v9 =	vmul.f32 v9, v17  }
0x3b8: {  	v17 =	vmul.f32 v1, v1;
	v8 =	vmul.f32 v8, v18  }
0x3b9: {  	v62 =	vld.idx.msk [tilespmem:v13+s7+$0x0], $0xffff;
	v18 =	vmul.f32 v7, v7;
	v30 =	vmul.f32 v30, v60  }
0x3ba: {  	v13 =	vld.idx.msk [tilespmem:v13+s14+$0x0], $0xffff;
	v27 =	vmul.f32 v27, v63;
	v63 =	vmul.f32 v36, v58  }
0x3bb: {  	v60 =	vld.idx.msk [tilespmem:v12+s7+$0x0], $0xffff;
	v16 =	vmul.f32 v5, v16;
	v5 =	vmul.f32 v3, v3  }
0x3bc: {  	v12 =	vld.idx.msk [tilespmem:v12+s14+$0x0], $0xffff;
	v19 =	vmul.f32 v23, v38;
	v21 =	vadd.f32 v21, v39;
	v7 =	vmul.f32 v11, v7  }
0x3bd: {  	v25 =	vmul.f32 v26, v51;
	v23 =	vmul.f32 v28, v5  }
0x3be: {  	v19 =	vadd.f32 v19, v31;
	v21 =	vmul.f32 v21, v50;
	v32 =	vmul.f32 v35, v62  }
0x3bf: {  	v31 =	vmul.f32 v13, v20;
	v13 =	vmul.f32 v38, v38  }
0x3c0: {  	v59 =	vld [tilespmem:s20+$0xFFFFFFC0];
	v20 =	vmul.f32 v29, v18;
	v19 =	vmul.f32 v19, v38  }
0x3c1: {  	v53 =	vmul.f32 v12, v22;
	v12 =	vmul.f32 v24, v17  }
0x3c2: {  	v52 =	vpop (erf);
	v29 =	vmul.f32 v13, v38;
	v13 =	vmul.f32 v17, v17  }
0x3c3: {  	v36 =	vmul.f32 v44, v60;
	v22 =	vmul.f32 v52, v52;
	v12 =	vadd.f32 v12, v37  }
0x3c4: {  	v54 =	vmul.f32 v13, v17;
	v13 =	vadd.f32 v23, v42;
	v23 =	vmul.f32 v18, v18  }
0x3c5: {  	v11 =	vmul.f32 v29, v59;
	v28 =	vmul.f32 v12, v17  }
0x3c6: {  	v12 =	vmul.f32 v50, v50;
	v17 =	vmul.f32 v30, v22  }
0x3c7: {  	v30 =	vmul.f32 v13, v5;
	v13 =	vadd.f32 v25, v61;
	v26 =	vmul.f32 v23, v18  }
0x3c8: {  	v24 =	vmul.f32 v12, v50;
	v12 =	vmul.f32 v5, v5  }
0x3c9: {  	v20 =	vadd.f32 v20, v45;
	v23 =	vmul.f32 v22, v22;
	v55 =	vmul.f32 v13, v51  }
0x3ca: {  	v17 =	vadd.f32 v17, v34;
	v25 =	vmul.f32 v12, v5;
	v5 =	vmul.f32 v51, v51  }
0x3cb: {  	v21 =	vadd.f32 v21, v0;
	v13 =	vld [tilespmem:s20+$0xFFFFFFD0];
	v12 =	vmul.f32 v20, v18;
	v18 =	vmul.f32 v9, v4  }
0x3cc: {  	v58 =	vld [tilespmem:s20+$0xFFFFFFE0];
	v20 =	vadd.f32 v28, v27;
	v0 =	vmul.f32 v17, v22;
	v28 =	vmul.f32 v23, v22  }
0x3cd: {  	v60 =	vld [tilespmem:s20+$0x0];
	v19 =	vadd.f32 v19, v33;
	v17 =	vmul.f32 v16, v1;
	v16 =	vmul.f32 v8, v2  }
0x3ce: {  	s29 =	simm.s32 $0x19040;
	v61 =	vld [tilespmem:s20+$0xFFFFFFF0];
	v22 =	vadd.f32 v30, v63;
	v8 =	vmul.f32 v10, v3;
	v9 =	vmul.f32 v53, v6  }
0x3cf: {  	s23 =	simm.s32 $0x19840;
	[tilespmem:s29+$0x30] =	vst v15;
	v15 =	vadd.f32 v55, v36;
	v6 =	vmul.f32 v31, v52;
	v4 =	vld [tilespmem:s20+$0x10];
	v27 =	vmul.f32 v5, v51  }
0x3d0: {  	s18 =	simm.s32 $0x0;
	s1 =	simm.s32 $0x168C0;
	[tilespmem:s23+$0x30] =	vst v14;
	v1 =	vld [tilespmem:s20+$0x20];
	v23 =	vadd.f32 v12, v49;
	v14 =	vadd.f32 v0, v32;
	v10 =	vmul.f32 v54, v13  }
.LBB2_14:
0x3d1: {  	_ = 	snop  }
0x3d2: {  	v0 =	vld [tilespmem:s1+$0x30]  }
0x3d3: {  	v29 =	vld [tilespmem:s1+$0xFFFFFFD0];
	v11 =	vmul.f32 v19, v11;
	v10 =	vmul.f32 v20, v10  }
0x3d4: {  	v30 =	vld [tilespmem:s1+$0xFFFFFFE0];
	v24 =	vmul.f32 v24, v58;
	v25 =	vmul.f32 v25, v61  }
0x3d5: {  	v26 =	vmul.f32 v26, v60;
	v19 =	vmul.f32 v28, v1;
	v28 =	vld [tilespmem:s1+$0xFFFFFFF0]  }
0x3d6: {  	s31 =	sadd.s32 $0x80, s31;
	[tilespmem:s29+$0xFFFFFFC0] =	vst v11;
	v27 =	vmul.f32 v27, v4;
	v20 =	vmul.f32 v21, v24;
	v21 =	vld [tilespmem:s1+$0x0]  }
0x3d7: {  	s19 =	sadd.s32 $0x80, s19;
	[tilespmem:s31+$0x30] =	vst v0;
	v11 =	vmul.f32 v22, v25;
	v22 =	vmul.f32 v23, v26;
	v23 =	vld [tilespmem:s1+$0x10]  }
0x3d8: {  	v12 =	vmul.f32 v18, v59;
	[tilespmem:s31+$0xFFFFFFD0] =	vst v29;
	v25 =	vld [tilespmem:s19+$0x30]  }
0x3d9: {  	v13 =	vmul.f32 v17, v13;
	[tilespmem:s31+$0xFFFFFFE0] =	vst v30;
	v33 =	vshra.s32 v0, $0x2;
	v15 =	vmul.f32 v15, v27;
	v27 =	vld [tilespmem:s1+$0x20]  }
0x3da: {  	v14 =	vmul.f32 v14, v19;
	v19 =	vshra.s32 v29, $0x2;
	v24 =	vshll.u32 v29, $0x3;
	v29 =	vld [tilespmem:s1+$0xFFFFFFC0];
	[tilespmem:s23+$0xFFFFFFC0] =	vst v12  }
0x3db: {  	v5 =	vmul.f32 v16, v58;
	v2 =	vmul.f32 v8, v61;
	v31 =	vld [tilespmem:s19+$0xFFFFFFD0];
	[tilespmem:s29+$0xFFFFFFD0] =	vst v10  }
0x3dc: {  	v3 =	vmul.f32 v7, v60;
	v4 =	vmul.f32 v9, v4;
	v34 =	vld [tilespmem:s19+$0xFFFFFFE0];
	[tilespmem:s31+$0xFFFFFFF0] =	vst v28  }
0x3dd: {  	v1 =	vmul.f32 v6, v1;
	v0 =	vshll.u32 v0, $0x3;
	v26 =	vshll.u32 v30, $0x3;
	[tilespmem:s23+$0xFFFFFFD0] =	vst v13;
	v36 =	vld [tilespmem:s19+$0xFFFFFFF0]  }
0x3de: {  	v0 =	vand.u32 $0x18, v0;
	v18 =	vand.u32 $0x18, v24;
	v24 =	vshra.s32 v30, $0x2;
	v33 =	vld.idx.msk [tilespmem:v33+s11+$0x0], $0xffff;
	[tilespmem:s29+$0xFFFFFFF0] =	vst v11  }
0x3df: {  	s25 =	sadd.s32 $0x80, s25;
	v26 =	vand.u32 $0x18, v26;
	v30 =	vshra.s32 v28, $0x2;
	v28 =	vshll.u32 v28, $0x3;
	[tilespmem:s31+$0x0] =	vst v21;
	v19 =	vld.idx.msk [tilespmem:v19+s11+$0x0], $0xffff  }
0x3e0: {  	v28 =	vand.u32 $0x18, v28;
	v32 =	vshra.s32 v21, $0x2;
	v21 =	vshll.u32 v21, $0x3;
	[tilespmem:s31+$0x10] =	vst v23;
	v9 =	vld [tilespmem:s25+$0xFFFFFFF0]  }
0x3e1: {  	v35 =	vshra.s32 v23, $0x2;
	v23 =	vshll.u32 v23, $0x3;
	v37 =	vshra.s32 v25, $0x2;
	[tilespmem:s31+$0x20] =	vst v27;
	v12 =	vld [tilespmem:s19+$0x0]  }
0x3e2: {  	v38 =	vshra.s32 v27, $0x2;
	v27 =	vshll.u32 v27, $0x3;
	[tilespmem:s31+$0xFFFFFFC0] =	vst v29;
	v17 =	vshra.s32 v29, $0x2;
	v39 =	vld [tilespmem:s19+$0x10]  }
0x3e3: {  	v29 =	vshll.u32 v29, $0x3;
	v40 =	vshra.s32 v31, $0x2;
	v31 =	vshll.u32 v31, $0x3;
	v10 =	vld [tilespmem:s19+$0xFFFFFFC0]  }
0x3e4: {  	[tilespmem:s29+$0xFFFFFFE0] =	vst v20;
	v41 =	vshra.s32 v34, $0x2;
	v34 =	vshll.u32 v34, $0x3;
	v21 =	vand.u32 $0x18, v21;
	v42 =	vld [tilespmem:s19+$0x20]  }
0x3e5: {  	v23 =	vand.u32 $0x18, v23;
	v27 =	vand.u32 $0x18, v27;
	v29 =	vand.u32 $0x18, v29;
	v24 =	vld.idx.msk [tilespmem:v24+s11+$0x0], $0xffff  }
0x3e6: {  	v31 =	vand.u32 $0x18, v31;
	[tilespmem:s29+$0x20] =	vst v14;
	v14 =	vld.idx.msk [tilespmem:v30+s11+$0x0], $0xffff;
	v55 =	vshra.s32 v36, $0x2;
	v36 =	vshll.u32 v36, $0x3  }
0x3e7: {  	v13 =	vand.u32 $0x18, v34;
	v0 =	vshra.s32 v33, v0;
	v37 =	vld.idx.msk [tilespmem:v37+s11+$0x0], $0xffff;
	v20 =	vand.u32 $0x18, v36  }
0x3e8: {  	v11 =	vld.idx.msk [tilespmem:v17+s11+$0x0], $0xffff;
	v0 =	vand.u32 $0xFF, v0;
	v56 =	vshra.s32 v12, $0x2;
	v12 =	vshll.u32 v12, $0x3  }
0x3e9: {  	[tilespmem:s29+$0x10] =	vst v15;
	v50 =	vld [tilespmem:s25+$0x20];
	v17 =	vshra.s32 v39, $0x2;
	v39 =	vshll.u32 v39, $0x3;
	v15 =	vshra.s32 v10, $0x2  }
0x3ea: {  	[tilespmem:s29+$0x0] =	vst v22;
	v57 =	vld.idx.msk [tilespmem:v35+s11+$0x0], $0xffff;
	v10 =	vshll.u32 v10, $0x3;
	v22 =	vand.u32 $0x18, v12;
	v12 =	vshll.u32 v25, $0x3  }
0x3eb: {  	v16 =	vld.idx.msk [tilespmem:v40+s11+$0x0], $0xffff;
	v30 =	vshra.s32 v42, $0x2;
	v0 =	vmul.u32 $0x57, v0;
	v12 =	vand.u32 $0x18, v12  }
0x3ec: {  	v59 =	vshll.u32 v42, $0x3;
	v39 =	vand.u32 $0x18, v39;
	v25 =	vld.idx.msk [tilespmem:v32+s11+$0x0], $0xffff;
	v12 =	vshra.s32 v37, v12  }
0x3ed: {  	v14 =	vshra.s32 v14, v28;
	v11 =	vshra.s32 v11, v29;
	v29 =	vld.idx.msk [tilespmem:v38+s11+$0x0], $0xffff;
	v12 =	vand.u32 $0xFF, v12  }
0x3ee: {  	v10 =	vand.u32 $0x18, v10;
	v14 =	vand.u32 $0xFF, v14;
	v17 =	vld.idx.msk [tilespmem:v17+s11+$0x0], $0xffff;
	v12 =	vadd.s32 v0, v12  }
0x3ef: {  	v33 =	vand.u32 $0x18, v59;
	v14 =	vmul.u32 $0x57, v14;
	v0 =	vand.u32 $0xFF, v11;
	v11 =	vld.idx.msk [tilespmem:v15+s11+$0x0], $0xffff  }
0x3f0: {  	v16 =	vshra.s32 v16, v31;
	v15 =	vshra.s32 v19, v18;
	v18 =	vshra.s32 v24, v26;
	v19 =	vld.idx.msk [tilespmem:v41+s11+$0x0], $0xffff  }
0x3f1: {  	v16 =	vand.u32 $0xFF, v16;
	v24 =	vld [tilespmem:s25+$0x30];
	v0 =	vmul.u32 $0x57, v0;
	v18 =	vand.u32 $0xFF, v18  }
0x3f2: {  	[tilespmem:s23+$0xFFFFFFE0] =	vst v5;
	v15 =	vand.u32 $0xFF, v15;
	v5 =	vmul.u32 $0x57, v18;
	v18 =	vshra.s32 v25, v21;
	v25 =	vld.idx.msk [tilespmem:v55+s11+$0x0], $0xffff  }
0x3f3: {  	v15 =	vmul.u32 $0x57, v15;
	v21 =	vshra.s32 v57, v23;
	v18 =	vand.u32 $0xFF, v18;
	v23 =	vld.idx.msk [tilespmem:v12+s6+$0x0], $0xffff  }
0x3f4: {  	v21 =	vand.u32 $0xFF, v21;
	v26 =	vshra.s32 v29, v27;
	v10 =	vshra.s32 v11, v10;
	v11 =	vld.idx.msk [tilespmem:v56+s11+$0x0], $0xffff  }
0x3f5: {  	v8 =	vld [tilespmem:s25+$0xFFFFFFE0];
	v18 =	vmul.u32 $0x57, v18;
	v21 =	vmul.u32 $0x57, v21;
	v10 =	vand.u32 $0xFF, v10  }
0x3f6: {  	v26 =	vand.u32 $0xFF, v26;
	v13 =	vshra.s32 v19, v13;
	v19 =	vld.idx.msk [tilespmem:v30+s11+$0x0], $0xffff;
	v28 =	vadd.s32 v0, v10  }
0x3f7: {  	v62 =	vadd.s32 v15, v16;
	v15 =	vld [tilespmem:s25+$0xFFFFFFD0];
	v27 =	vmul.f32 v24, v24;
	v10 =	vand.u32 $0xFF, v13  }
0x3f8: {  	v26 =	vmul.u32 $0x57, v26;
	v34 =	vld.idx.msk [tilespmem:v12+s13+$0x0], $0xffff;
	v5 =	vadd.s32 v5, v10;
	v10 =	vshra.s32 v25, v20  }
0x3f9: {  	v0 =	vld [tilespmem:s25+$0xFFFFFFC0];
	v7 =	vand.u32 $0xFF, v10;
	v16 =	vmul.f32 v23, v27;
	v10 =	vshra.s32 v11, v22  }
0x3fa: {  	[tilespmem:s23+$0xFFFFFFF0] =	vst v2;
	v13 =	vadd.s32 v14, v7;
	v7 =	vld [tilespmem:s25+$0x0];
	v2 =	vand.u32 $0xFF, v10;
	v10 =	vshra.s32 v17, v39  }
0x3fb: {  	[tilespmem:s23+$0x0] =	vst v3;
	v14 =	vshra.s32 v19, v33;
	v11 =	vmul.f32 $1.442695020e+00, v16;
	v3 =	vand.u32 $0xFF, v10;
	v6 =	vld.idx.msk [tilespmem:v28+s13+$0x0], $0xffff  }
0x3fc: {  	v10 =	vld [tilespmem:s25+$0x10];
	[tilespmem:s23+$0x10] =	vst v4;
	v4 =	vadd.s32 v18, v2;
	v2 =	vand.u32 $0xFF, v14;
	v3 =	vadd.s32 v21, v3  }
0x3fd: {  	v18 =	vld.idx.msk [tilespmem:v62+s6+$0x0], $0xffff;
	v2 =	vadd.s32 v26, v2  }
0x3fe: {  	v23 =	vld.idx.msk [tilespmem:v5+s6+$0x0], $0xffff;
	(erf) = vpow2.f32 v11  }
0x3ff: {  	v14 =	vmul.f32 v0, v0;
	(erf) = vrcp.f32 v0;
	v0 =	vld.idx.msk [tilespmem:v13+s6+$0x0], $0xffff  }
0x400: {  	(erf) = vrcp.f32 v15;
	[tilespmem:$0x1FD00] =	vst v6;
	v6 =	vld.idx.msk [tilespmem:v5+s13+$0x0], $0xffff  }
0x401: {  	v21 =	vmul.f32 v8, v8;
	(erf) = vrcp.f32 v8;
	v8 =	vld.idx.msk [tilespmem:v3+s6+$0x0], $0xffff  }
0x402: {  	v22 =	vmul.f32 v9, v9;
	(erf) = vrcp.f32 v9;
	v9 =	vld.idx.msk [tilespmem:v2+s6+$0x0], $0xffff  }
0x403: {  	[tilespmem:s23+$0x20] =	vst v1;
	v1 =	vld.idx.msk [tilespmem:v62+s13+$0x0], $0xffff  }
0x404: {  	v11 =	vld.idx.msk [tilespmem:v28+s6+$0x0], $0xffff  }
0x405: {  	v26 =	vmul.f32 v10, v10;
	v49 =	vmul.f32 v0, v22;
	v0 =	vld.idx.msk [tilespmem:v13+s13+$0x0], $0xffff  }
0x406: {  	v29 =	vmul.f32 v50, v50;
	v59 =	vld.idx.msk [tilespmem:v12+s12+$0x0], $0xffff;
	v17 =	vmul.f32 v15, v15  }
0x407: {  	v25 =	vmul.f32 v7, v7;
	[tilespmem:$0x1FD20] =	vst v6;
	v63 =	vpop (erf);
	v48 =	vmul.f32 v8, v26;
	v8 =	vld.idx.msk [tilespmem:v3+s13+$0x0], $0xffff  }
0x408: {  	v45 =	vmul.f32 v18, v17;
	v6 =	vld.idx.msk [tilespmem:v4+s13+$0x0], $0xffff;
	[tilespmem:$0x1FD10] =	vst v1;
	v1 =	vmul.f32 v63, v16  }
0x409: {  	v51 =	vld.idx.msk [tilespmem:v12+s7+$0x0], $0xffff;
	v46 =	vmul.f32 v23, v21;
	v44 =	vmul.f32 v11, v14  }
0x40a: {  	v12 =	vld.idx.msk [tilespmem:v12+s14+$0x0], $0xffff;
	(erf) = vrcp.f32 v7;
	v11 =	vsub.f32 $1.000000000e+00, v63;
	[tilespmem:$0x1FD30] =	vst v0;
	v0 =	vmul.f32 v1, v16  }
0x40b: {  	v15 =	vld.idx.msk [tilespmem:v4+s6+$0x0], $0xffff;
	v18 =	vmul.f32 $1.442695020e+00, v45;
	(erf) = vrcp.f32 v10  }
0x40c: {  	v1 =	vadd.f32 v1, v11;
	[tilespmem:$0x1FD50] =	vst v8;
	v10 =	vmul.f32 v0, v16;
	v0 =	vmul.f32 $5.000000000e-01, v0;
	v8 =	vld.idx.msk [tilespmem:v2+s13+$0x0], $0xffff  }
0x40d: {  	v53 =	vmul.f32 v9, v29;
	v9 =	vld.idx.msk [tilespmem:v28+s12+$0x0], $0xffff;
	[tilespmem:$0x1FD40] =	vst v6;
	v6 =	vpop (erf);
	(erf) = vrcp.f32 v24  }
0x40e: {  	v11 =	vmul.f32 v10, v16;
	v0 =	vsub.f32 v1, v0;
	v1 =	vmul.f32 $1.666666720e-01, v10;
	v10 =	vld.idx.msk [tilespmem:v62+s12+$0x0], $0xffff  }
0x40f: {  	v30 =	vmul.f32 $1.442695020e+00, v46;
	v17 =	vmul.f32 $1.442695020e+00, v44  }
0x410: {  	v47 =	vmul.f32 v15, v25;
	v31 =	vmul.f32 $1.442695020e+00, v49;
	v7 =	vpop (erf)  }
0x411: {  	v14 =	vmul.f32 v11, v16;
	v0 =	vadd.f32 v1, v0;
	v1 =	vmul.f32 $4.166666790e-02, v11;
	[tilespmem:$0x1FD60] =	vst v8;
	v8 =	vpop (erf)  }
0x412: {  	v35 =	vmul.f32 $1.442695020e+00, v47;
	v12 =	vmul.f32 v12, v63;
	[tilespmem:$0x1FD70] =	vst v9;
	v9 =	vpop (erf)  }
0x413: {  	v57 =	vmul.f32 $1.442695020e+00, v48;
	v1 =	vsub.f32 v0, v1;
	v16 =	vmul.f32 $8.333333770e-03, v14;
	[tilespmem:$0x1FD80] =	vst v10;
	v10 =	vpop (erf)  }
0x414: {  	v58 =	vmul.f32 $1.442695020e+00, v53;
	v29 =	vpop (erf);
	(erf) = vpow2.f32 v17  }
0x415: {  	v15 =	vmul.f32 v7, v7;
	v17 =	vadd.f32 v16, v1;
	(erf) = vpow2.f32 v18  }
0x416: {  	v14 =	vmul.f32 v6, v6;
	v60 =	vpop (erf);
	(erf) = vpow2.f32 v30  }
0x417: {  	v52 =	vmul.f32 v60, v60;
	v18 =	vmul.f32 v17, v34  }
0x418: {  	[tilespmem:$0x1FDB0] =	vst v6;
	v6 =	vld.idx.msk [tilespmem:v28+s14+$0x0], $0xffff;
	v0 =	vmul.f32 v0, v51;
	(erf) = vpow2.f32 v31  }
0x419: {  	s20 =	sadd.s32 $0x80, s20;
	v1 =	vmul.f32 v1, v59;
	v31 =	vmul.f32 v18, v52  }
0x41a: {  	v54 =	vld [tilespmem:s20+$0x30];
	v16 =	vmul.f32 v8, v8;
	v17 =	vmul.f32 v9, v9  }
0x41b: {  	v27 =	vld.idx.msk [tilespmem:v13+s12+$0x0], $0xffff;
	v61 =	vmul.f32 v52, v52;
	(erf) = vpow2.f32 v35;
	v1 =	vadd.f32 v31, v1  }
0x41c: {  	v19 =	vld.idx.msk [tilespmem:v13+s7+$0x0], $0xffff;
	v12 =	vmul.f32 v12, v60;
	(erf) = vpow2.f32 v57  }
0x41d: {  	v21 =	vld.idx.msk [tilespmem:v5+s7+$0x0], $0xffff;
	[tilespmem:$0x1FDA0] =	vst v6;
	v6 =	vmul.f32 v61, v52;
	v1 =	vmul.f32 v1, v52;
	v31 =	vpop (erf)  }
0x41e: {  	v23 =	vld.idx.msk [tilespmem:v13+s14+$0x0], $0xffff;
	v18 =	vmul.f32 v10, v10;
	(erf) = vpow2.f32 v58;
	v33 =	vpop (erf)  }
0x41f: {  	v22 =	vld.idx.msk [tilespmem:v5+s14+$0x0], $0xffff;
	v6 =	vmul.f32 v6, v54;
	v51 =	vmul.f32 v31, v44;
	v0 =	vadd.f32 v1, v0;
	v37 =	vpop (erf)  }
0x420: {  	v11 =	vld.idx.msk [tilespmem:v5+s12+$0x0], $0xffff;
	v58 =	vmul.f32 v33, v45;
	v5 =	vmul.f32 v37, v46  }
0x421: {  	v20 =	vld.idx.msk [tilespmem:v2+s12+$0x0], $0xffff;
	v55 =	vsub.f32 $1.000000000e+00, v31;
	v60 =	vmul.f32 v51, v44;
	v0 =	vmul.f32 v0, v6;
	v40 =	vpop (erf)  }
0x422: {  	v25 =	vld.idx.msk [tilespmem:v62+s7+$0x0], $0xffff;
	v1 =	vsub.f32 $1.000000000e+00, v33;
	v6 =	vmul.f32 v12, v54;
	v13 =	vmul.f32 v40, v49  }
0x423: {  	v26 =	vld.idx.msk [tilespmem:v4+s12+$0x0], $0xffff;
	v61 =	vsub.f32 $1.000000000e+00, v37;
	v56 =	vmul.f32 v58, v45;
	v12 =	vmul.f32 v5, v46  }
0x424: {  	s29 =	sadd.s32 $0x80, s29;
	[tilespmem:$0x1FDF0] =	vst v10;
	v30 =	vld.idx.msk [tilespmem:v28+s7+$0x0], $0xffff;
	v63 =	vadd.f32 v51, v55;
	v51 =	vpop (erf);
	v36 =	vmul.f32 v60, v44;
	v60 =	vmul.f32 $5.000000000e-01, v60  }
0x425: {  	v28 =	vld.idx.msk [tilespmem:v62+s14+$0x0], $0xffff;
	v62 =	vsub.f32 $1.000000000e+00, v40;
	[tilespmem:s29+$0x30] =	vst v0;
	v0 =	vmul.f32 v13, v49;
	v32 =	vmul.f32 v51, v47  }
0x426: {  	[tilespmem:$0x1FD90] =	vst v11;
	v11 =	vld.idx.msk [tilespmem:v4+s14+$0x0], $0xffff;
	v1 =	vadd.f32 v58, v1;
	v54 =	vpop (erf);
	v43 =	vmul.f32 v56, v45;
	v52 =	vmul.f32 $5.000000000e-01, v56  }
0x427: {  	v10 =	vld.idx.msk [tilespmem:v4+s7+$0x0], $0xffff;
	v5 =	vadd.f32 v5, v61;
	v4 =	vmul.f32 v54, v48;
	v57 =	vmul.f32 v12, v46  }
0x428: {  	v24 =	vld.idx.msk [tilespmem:v3+s12+$0x0], $0xffff;
	v35 =	vsub.f32 $1.000000000e+00, v51;
	v55 =	vpop (erf);
	v12 =	vmul.f32 $5.000000000e-01, v12;
	(erf) = vrcp.f32 v50  }
0x429: {  	[tilespmem:$0x1FDC0] =	vst v7;
	v7 =	vld.idx.msk [tilespmem:v2+s14+$0x0], $0xffff;
	v62 =	vadd.f32 v13, v62;
	v50 =	vmul.f32 v36, v44;
	v36 =	vmul.f32 $1.666666720e-01, v36  }
0x42a: {  	s23 =	sadd.s32 $0x80, s23;
	[tilespmem:$0x1FDD0] =	vst v8;
	v8 =	vld.idx.msk [tilespmem:v3+s7+$0x0], $0xffff;
	v38 =	vsub.f32 $1.000000000e+00, v54;
	v39 =	vmul.f32 v32, v47;
	v41 =	vmul.f32 v55, v53  }
0x42b: {  	[tilespmem:s23+$0x30] =	vst v6;
	v6 =	vld.idx.msk [tilespmem:v2+s7+$0x0], $0xffff;
	v42 =	vsub.f32 $1.000000000e+00, v55;
	v2 =	vmul.f32 v0, v49;
	v32 =	vadd.f32 v32, v35  }
0x42c: {  	[tilespmem:$0x1FDE0] =	vst v9;
	v9 =	vld.idx.msk [tilespmem:v3+s14+$0x0], $0xffff;
	v0 =	vmul.f32 $5.000000000e-01, v0;
	v52 =	vsub.f32 v1, v52;
	v3 =	vmul.f32 v4, v48  }
0x42d: {  	v5 =	vsub.f32 v5, v12;
	v12 =	vmul.f32 v43, v45;
	v43 =	vmul.f32 $1.666666720e-01, v43  }
0x42e: {  	v38 =	vadd.f32 v4, v38;
	v34 =	vmul.f32 v41, v53;
	v35 =	vmul.f32 v39, v47  }
0x42f: {  	v39 =	vmul.f32 $5.000000000e-01, v39;
	v0 =	vsub.f32 v62, v0;
	v62 =	vmul.f32 v57, v46  }
0x430: {  	v41 =	vadd.f32 v41, v42;
	v57 =	vmul.f32 $1.666666720e-01, v57;
	v56 =	vmul.f32 v3, v48  }
0x431: {  	v42 =	vsub.f32 v63, v60;
	v3 =	vmul.f32 $5.000000000e-01, v3;
	v45 =	vmul.f32 v12, v45  }
0x432: {  	v43 =	vadd.f32 v43, v52;
	v12 =	vmul.f32 $4.166666790e-02, v12;
	v63 =	vmul.f32 v34, v53  }
0x433: {  	v34 =	vmul.f32 $5.000000000e-01, v34;
	v32 =	vsub.f32 v32, v39;
	v39 =	vmul.f32 v2, v49  }
0x434: {  	v2 =	vmul.f32 $1.666666720e-01, v2;
	v3 =	vsub.f32 v38, v3;
	v38 =	vmul.f32 v35, v47  }
0x435: {  	v36 =	vadd.f32 v36, v42;
	v35 =	vmul.f32 $1.666666720e-01, v35;
	v42 =	vmul.f32 $1.666666720e-01, v56  }
0x436: {  	v34 =	vsub.f32 v41, v34;
	v41 =	vmul.f32 v56, v48;
	v52 =	vmul.f32 v63, v53  }
0x437: {  	v56 =	vmul.f32 $1.666666720e-01, v63;
	v0 =	vadd.f32 v2, v0;
	v2 =	vmul.f32 v62, v46  }
0x438: {  	v5 =	vadd.f32 v57, v5;
	v46 =	vmul.f32 $4.166666790e-02, v62;
	v62 =	vmul.f32 v52, v53  }
0x439: {  	v63 =	vmul.f32 v50, v44;
	v50 =	vmul.f32 $4.166666790e-02, v50;
	v32 =	vadd.f32 v35, v32  }
0x43a: {  	v35 =	vmul.f32 v39, v49;
	v3 =	vadd.f32 v42, v3;
	v49 =	vmul.f32 $8.333333770e-03, v62;
	v62 =	vld [tilespmem:$0x1FD00]  }
0x43b: {  	v42 =	vmul.f32 v38, v47;
	v47 =	vsub.f32 v36, v50;
	v57 =	vmul.f32 $8.333333770e-03, v63;
	v63 =	vld [tilespmem:$0x1FD10]  }
0x43c: {  	v12 =	vsub.f32 v43, v12;
	v45 =	vmul.f32 $8.333333770e-03, v45  }
0x43d: {  	v34 =	vadd.f32 v56, v34;
	v56 =	vmul.f32 $4.166666790e-02, v52;
	v52 =	vadd.f32 v57, v47  }
0x43e: {  	v45 =	vadd.f32 v45, v12  }
0x43f: {  	v39 =	vmul.f32 $4.166666790e-02, v39;
	v52 =	vmul.f32 v52, v62;
	v62 =	vld [tilespmem:$0x1FD20]  }
0x440: {  	v46 =	vsub.f32 v5, v46;
	v2 =	vmul.f32 $8.333333770e-03, v2;
	v45 =	vmul.f32 v45, v63;
	v63 =	vld [tilespmem:$0x1FD30]  }
0x441: {  	v39 =	vsub.f32 v0, v39;
	v35 =	vmul.f32 $8.333333770e-03, v35  }
0x442: {  	v2 =	vadd.f32 v2, v46  }
0x443: {  	v38 =	vmul.f32 $4.166666790e-02, v38;
	v48 =	vmul.f32 v41, v48;
	v35 =	vadd.f32 v35, v39  }
0x444: {  	v41 =	vmul.f32 $4.166666790e-02, v41;
	v2 =	vmul.f32 v2, v62;
	v62 =	vld [tilespmem:$0x1FD40]  }
0x445: {  	v38 =	vsub.f32 v32, v38;
	v42 =	vmul.f32 $8.333333770e-03, v42;
	v35 =	vmul.f32 v35, v63;
	v63 =	vld [tilespmem:$0x1FD50]  }
0x446: {  	v41 =	vsub.f32 v3, v41;
	v48 =	vmul.f32 $8.333333770e-03, v48  }
0x447: {  	v42 =	vadd.f32 v42, v38  }
0x448: {  	v48 =	vadd.f32 v48, v41  }
0x449: {  	v53 =	vmul.f32 v29, v29;
	v42 =	vmul.f32 v42, v62;
	v62 =	vld [tilespmem:$0x1FD60]  }
0x44a: {  	v5 =	vmul.f32 v5, v21;
	v50 =	vsub.f32 v34, v56;
	v48 =	vmul.f32 v48, v63;
	v63 =	vld [tilespmem:$0x1FD70]  }
0x44b: {  	v44 =	vpop (erf);
	v0 =	vmul.f32 v0, v19;
	v3 =	vmul.f32 v3, v8;
	v8 =	vld [tilespmem:$0x1FDA0]  }
0x44c: {  	v10 =	vmul.f32 v32, v10;
	v56 =	vmul.f32 v44, v44;
	v49 =	vadd.f32 v49, v50  }
0x44d: {  	v27 =	vmul.f32 v39, v27;
	v26 =	vmul.f32 v38, v26  }
0x44e: {  	v24 =	vmul.f32 v41, v24;
	v49 =	vmul.f32 v49, v62;
	v62 =	vld [tilespmem:$0x1FD80]  }
0x44f: {  	v20 =	vmul.f32 v50, v20;
	v47 =	vmul.f32 v47, v63;
	v63 =	vld [tilespmem:$0x1FD90]  }
0x450: {  	v45 =	vmul.f32 v45, v15;
	v8 =	vmul.f32 v8, v31  }
0x451: {  	v35 =	vmul.f32 v35, v17;
	v48 =	vmul.f32 v48, v53  }
0x452: {  	v2 =	vmul.f32 v2, v16;
	v49 =	vmul.f32 v49, v56  }
0x453: {  	v27 =	vadd.f32 v35, v27;
	v24 =	vadd.f32 v48, v24;
	v12 =	vmul.f32 v12, v62  }
0x454: {  	v35 =	vmul.f32 v15, v15;
	v46 =	vmul.f32 v46, v63;
	v20 =	vadd.f32 v49, v20  }
0x455: {  	v42 =	vmul.f32 v42, v18;
	v24 =	vmul.f32 v24, v53;
	v12 =	vadd.f32 v45, v12  }
0x456: {  	v2 =	vadd.f32 v2, v46;
	v63 =	vmul.f32 v20, v56;
	v20 =	vmul.f32 v36, v30  }
0x457: {  	v30 =	vmul.f32 v35, v15;
	v12 =	vmul.f32 v12, v15;
	v15 =	vadd.f32 v24, v3;
	v3 =	vld [tilespmem:$0x1FDB0]  }
0x458: {  	v52 =	vmul.f32 v52, v14;
	v26 =	vadd.f32 v42, v26;
	v2 =	vmul.f32 v2, v16  }
0x459: {  	v27 =	vmul.f32 v27, v17;
	v42 =	vmul.f32 v18, v18  }
0x45a: {  	v47 =	vadd.f32 v52, v47;
	v26 =	vmul.f32 v26, v18;
	v21 =	vadd.f32 v2, v5  }
0x45b: {  	v2 =	vmul.f32 v22, v37;
	v22 =	vadd.f32 v27, v0;
	v0 =	vmul.f32 v23, v40  }
0x45c: {  	v23 =	vadd.f32 v26, v10;
	v26 =	vmul.f32 v42, v18;
	v18 =	vmul.f32 v8, v3;
	v3 =	vld [tilespmem:$0x1FDC0]  }
0x45d: {  	v25 =	vmul.f32 v43, v25;
	v57 =	vmul.f32 v47, v14  }
0x45e: {  	v41 =	vmul.f32 v17, v17  }
0x45f: {  	v19 =	vadd.f32 v57, v20;
	v20 =	vadd.f32 v12, v25;
	v12 =	vmul.f32 v28, v33;
	_ =	sdelay $0x1  }
0x460: {  	v25 =	vmul.f32 v41, v17;
	v17 =	vmul.f32 v12, v3;
	v3 =	vld [tilespmem:$0x1FDD0];
	_ =	sdelay $0x2  }
0x461: {  	v39 =	vmul.f32 v16, v16;
	_ =	sdelay $0x1  }
0x462: {  	v24 =	vmul.f32 v39, v16;
	v16 =	vmul.f32 v2, v3;
	v2 =	vld [tilespmem:$0x1FDE0]  }
0x463: {  	v9 =	vmul.f32 v9, v54;
	_ =	sdelay $0x1  }
0x464: {  	v59 =	vld [tilespmem:s20+$0xFFFFFFC0];
	v9 =	vmul.f32 v9, v29  }
0x465: {  	s18 =	sadd.s32 $0x8, s18;
	v13 =	vld [tilespmem:s20+$0xFFFFFFD0];
	v6 =	vmul.f32 v34, v6;
	v38 =	vmul.f32 v14, v14  }
0x466: {  	p0 =	slt.u32 s18, $0x78;
	v52 =	vmul.f32 v53, v53;
	v8 =	vmul.f32 v0, v2;
	v0 =	vld [tilespmem:$0x1FDF0]  }
.Ltmp10:
0x467: {  	v58 =	vld [tilespmem:s20+$0xFFFFFFE0];
	v62 =	vmul.f32 v56, v56;
	v5 =	vmul.f32 v11, v51;
	(pc) =	sbr.rel @p0 .LBB2_14-.Ltmp10, $4  }
0x468: {  	v61 =	vld [tilespmem:s20+$0xFFFFFFF0];
	v10 =	vmul.f32 v7, v55;
	v11 =	vmul.f32 v38, v14  }
0x469: {  	v1 =	vld [tilespmem:s20+$0x20];
	v27 =	vmul.f32 v52, v53;
	v28 =	vmul.f32 v62, v56  }
0x46a: {  	v4 =	vld [tilespmem:s20+$0x10];
	v14 =	vadd.f32 v63, v6;
	v6 =	vmul.f32 v10, v44;
	v11 =	vmul.f32 v11, v59  }
0x46b: {  	s1 =	sadd.s32 $0x80, s1;
	v60 =	vld [tilespmem:s20+$0x0];
	v10 =	vmul.f32 v30, v13;
	v7 =	vmul.f32 v5, v0  }
0x46c: {  	v0 =	vmul.f32 v19, v11  }
0x46d: {  	v2 =	vmul.f32 v18, v59;
	v3 =	vmul.f32 v24, v58  }
0x46e: {  	v5 =	vmul.f32 v20, v10;
	[tilespmem:s29+$0xFFFFFFC0] =	vst v0  }
0x46f: {  	v0 =	vmul.f32 v25, v61;
	v3 =	vmul.f32 v21, v3;
	[tilespmem:s23+$0xFFFFFFC0] =	vst v2  }
0x470: {  	v2 =	vmul.f32 v17, v13;
	[tilespmem:s29+$0xFFFFFFD0] =	vst v5;
	v63 =	vmul.f32 v27, v4  }
0x471: {  	v62 =	vmul.f32 v26, v60;
	v0 =	vmul.f32 v22, v0;
	[tilespmem:s29+$0xFFFFFFE0] =	vst v3  }
0x472: {  	[tilespmem:s23+$0xFFFFFFD0] =	vst v2;
	v2 =	vmul.f32 v28, v1;
	v3 =	vmul.f32 v15, v63  }
0x473: {  	v10 =	vmul.f32 v23, v62;
	[tilespmem:s29+$0xFFFFFFF0] =	vst v0  }
0x474: {  	v0 =	vmul.f32 v14, v2;
	[tilespmem:s29+$0x10] =	vst v3  }
0x475: {  	v2 =	vmul.f32 v16, v58;
	[tilespmem:s29+$0x0] =	vst v10  }
0x476: {  	v3 =	vmul.f32 v9, v4;
	[tilespmem:s29+$0x20] =	vst v0  }
0x477: {  	v0 =	vmul.f32 v8, v61;
	[tilespmem:s23+$0xFFFFFFE0] =	vst v2  }
0x478: {  	v2 =	vmul.f32 v7, v60;
	[tilespmem:s23+$0x10] =	vst v3  }
0x479: {  	[tilespmem:s23+$0xFFFFFFF0] =	vst v0;
	v0 =	vmul.f32 v6, v1  }
0x47a: {  	[tilespmem:s23+$0x0] =	vst v2  }
0x47b: {  	s1 =	rddreg [dreg:$0x8];
	s18 =	simm.s32 $0x18800;
	s19 =	simm.s32 $0x19000;
	[tilespmem:s23+$0x20] =	vst v0  }
0x47c: {  	[spmem:s1] =	stream.indirect.scatter.add.f32 [tilespmem:s19], [sflag:$0x6], $0x1, s18, s22, $0xb8;
	[tilespmem:$0x1E960] =	vst v63  }
0x47d: {  	s31 =	simm.s32 $0x19800  }
0x47e: {  	[spmem:s10] =	stream.indirect.scatter.add.f32 [tilespmem:s31], [sflag:$0x6], $0x1, s18, s22, $0xb8;
	[tilespmem:$0x1E960] =	vst v63  }
0x47f: {  	_ =	swait.ge [sflag:s24], $0x800  }
0x480: {  	s1 =	sadd.s32 $0x4, s30;
	[sflag:s24] =	ssyncset.done $0x0  }
0x481: {  	p0 =	sge.u32 s1, s17;
	[sflag:s24] =	ssyncadd.s32 $0xFFFFF800  }
0x482: {  	s1 =	sshll.u32 @!p0 s1, $0xD;
	_ =	swait.ge [sflag:s24], $0x800  }
0x483: {  	s19 =	simm.s32 @!p0 $0x0;
	s1 =	sor.u32 @!p0 s16, s1;
	[sflag:s24] =	ssyncset.done $0x0  }
0x484: {  	s20 =	simm.s32 @!p0 $0x13000;
	s18 =	sadd.s32 @!p0 s2, s1;
	[sflag:s24] =	ssyncadd.s32 $0xFFFFF800  }
0x485: {  	[tilespmem:s20], [sflag:$0x2] =	stream.linear.gather @!p0 [hbm4b:s18+s19], $0x800, $0x38;
	[tilespmem:$0x1E960] =	vst v63  }
0x486: {  	s18 =	sadd.s32 @!p0 s3, s1;
	s20 =	simm.s32 @!p0 $0x13800  }
0x487: {  	[tilespmem:s20], [sflag:$0x2] =	stream.linear.gather @!p0 [hbm4b:s18+s19], $0x800, $0x38;
	[tilespmem:$0x1E960] =	vst v63  }
.Ltmp11:
0x488: {  	_ = 	snop;
	(pc) =	sbr.rel .LBB2_16-.Ltmp11, $4  }
0x489: {  	s18 =	sadd.s32 @!p0 s5, s1;
	s20 =	simm.s32 @!p0 $0x14000  }
0x48a: {  	[tilespmem:s20], [sflag:$0x2] =	stream.linear.gather @!p0 [hbm4b:s18+s19], $0x800, $0x38;
	[tilespmem:$0x1E960] =	vst v63  }
0x48b: {  	s1 =	sadd.s32 @!p0 s9, s1;
	s18 =	simm.s32 @!p0 $0x14800  }
0x48c: {  	v0 =	vimm.f32 $0.0e+00;
	[tilespmem:s18], [sflag:$0x2] =	stream.linear.gather @!p0 [hbm4b:s1+s19], $0x800, $0x38;
	[tilespmem:$0x1E960] =	vst v63  }
.LBB2_18:
0x48d: {  	_ =	sfence.sel $0x180000  }
0x48e: {  	[bflag:$0x0] =	sbarrier.arrive $0xFFFF  }
0x48f: {  	_ =	strace $0x90000047  }
0x490: {  	s0 =	stileid.u32;
	[bflag:$0x2] =	sbarrier.arrive $0xFFFF  }
0x491: {  	p0 =	sne.s32 s0, $0x0;
	s0 =	rddreg [dreg:$0xa]  }
0x492: {  	s0 =	sadd.s32 @!p0 $0x100000, s0  }
0x493: {  	[sflag:s0] =	ssyncadd.tile.s32 @!p0 $0x1;
	_ =	shalt  }
.Lfunc_end2:
_tile_overlayer_lowered:
.L_overlay_start_2:
0x494: {  	(tag) =	ssettag $0x2  }
0x495: {  	s0 =	rddreg [dreg:$0x0];
	s2 =	stileid.u32  }
0x496: {  	s1 =	rddreg [dreg:$0x1];
	p0 =	sne.s32 s2, $0x0  }
0x497: {  	s3 =	rddreg [dreg:$0x2];
	[bflag:$0x3] =	sbarrier.arrive $0xFFFF;
	s2 =	simm.s32 @!p0 $0x1C07  }
0x498: {  	[timem:s3], [sflag:s2] =	dma.local @!p0 [hbm:s0], s1  }
0x499: {  	s0 =	simm.s32 @!p0 $0x7  }
0x49a: {  	_ =	swait.ge @!p0 [sflag:s0], s1  }
0x49b: {  	s1 =	ssub.s32 @!p0 $0x0, s1;
	[sflag:s0] =	ssyncset.done @!p0 $0x0  }
0x49c: {  	[sflag:s0] =	ssyncadd.s32 @!p0 s1  }
0x49d: {  	[bflag:$0x3] =	sbarrier.arrive $0xFFFF  }
0x49e: {  	_ =	shalt  }

</sc_bundles>
